<compile_context>
chip_gen: v7x
topology: tpu7x:2x2x1
jax: 0.10.2.dev20260603
libtpu: 0.0.44.dev20260713+nightly
codegen_flags: <defaults>
</compile_context>

<pallas_src>
import functools
import math

import jax
import jax.numpy as jnp
from jax import lax
from jax.experimental import pallas as pl
from jax.experimental.pallas import tpu as pltpu
from jax.experimental.pallas import tpu_sc as plsc

N = 10000
E = 320000
H = 128
OUT = 8

NC = 2
NS = 16
NW = NC * NS
EPT = E // NW
CH = 80
NCHUNK = EPT // CH
CHA = 40
NCHUNKA = EPT // CHA
NB = 5
RPT = N // NS

_mesh = plsc.VectorSubcoreMesh(core_axis_name="c", subcore_axis_name="s")


def _zero_f32_ref(ref, nwords):
    z = jnp.zeros((16,), jnp.float32)

    def body(i, _):
        ref[pl.ds(i * 16, 16)] = z
        return 0

    lax.fori_loop(0, nwords // 16, body, 0)


def _zero_f32_ref2d(ref, rows, cols):
    z = jnp.zeros((16,), jnp.float32)

    def body(i, _):
        for j in range(cols // 16):
            ref[i, pl.ds(j * 16, 16)] = z
        return 0

    lax.fori_loop(0, rows, body, 0)


@functools.partial(
    pl.kernel,
    out_type=jax.ShapeDtypeStruct((NC, N), jnp.float32),
    mesh=_mesh,
    scratch_types=[
        pltpu.VMEM((NCHUNK, CH), jnp.int32),
        pltpu.VMEM((CH,), jnp.float32),
        pltpu.VMEM((1008,), jnp.float32),
        pltpu.VMEM_SHARED((N,), jnp.float32),
        pltpu.SemaphoreType.DMA,
        pltpu.SemaphoreType.DMA,
    ],
    compiler_params=pltpu.CompilerParams(use_tc_tiling_on_sc=False),
)
def _sc_count(dst2d, out, dst_v, ones_v, zb, cnt_sp, sem_i, sem_s):
    cid = lax.axis_index("c")
    sid = lax.axis_index("s")
    wid = cid * NS + sid

    idx_cp = pltpu.async_copy(dst2d.at[pl.ds(wid * NCHUNK, NCHUNK)], dst_v,
                              sem_i)
    one = jnp.ones((16,), jnp.float32)
    for j in range(CH // 16):
        ones_v[pl.ds(j * 16, 16)] = one
    _zero_f32_ref(zb, 1008)

    @pl.when(sid < 10)
    def _():
        pltpu.sync_copy(zb.at[pl.ds(0, 1000)], cnt_sp.at[pl.ds(sid * 1000, 1000)])

    idx_cp.wait()
    plsc.subcore_barrier()

    G = 5

    def group(g, _):
        for j in range(G):
            pltpu.async_copy(ones_v, cnt_sp.at[dst_v.at[g * G + j]], sem_s,
                             add=True)
        for j in range(G):
            pltpu.make_async_copy(ones_v, cnt_sp.at[dst_v.at[g * G + j]],
                                  sem_s).wait()
        return 0

    lax.fori_loop(0, NCHUNK // G, group, 0)
    plsc.subcore_barrier()

    @pl.when(sid < 10)
    def _():
        pltpu.sync_copy(cnt_sp.at[pl.ds(sid * 1000, 1000)],
                        out.at[cid, pl.ds(sid * 1000, 1000)])


@functools.partial(
    pl.kernel,
    out_type=jax.ShapeDtypeStruct((NC, N, H), jnp.float32),
    mesh=_mesh,
    scratch_types=(
        [
            pltpu.VMEM((NCHUNKA, CHA), jnp.int32),
            pltpu.VMEM((NCHUNKA, CHA), jnp.int32),
        ]
        + [pltpu.VMEM((CHA, H), jnp.float32) for _ in range(NB)]
        + [pltpu.VMEM_SHARED((N, H), jnp.float32)]
        + [pltpu.SemaphoreType.DMA for _ in range(2 * NB + 1)]
    ),
    compiler_params=pltpu.CompilerParams(use_tc_tiling_on_sc=False),
)
def _sc_agg(table, src2d, dst2d, out, src_v, dst_v, *rest):
    rows = rest[:NB]
    acc = rest[NB]
    sem_i = rest[NB + 1]
    gsems = rest[NB + 2:NB + 2 + NB]
    ssems = rest[NB + 2 + NB:]
    cid = lax.axis_index("c")
    sid = lax.axis_index("s")
    wid = cid * NS + sid
    row0 = wid * NCHUNKA

    ia = pltpu.async_copy(src2d.at[pl.ds(row0, NCHUNKA)], src_v, sem_i)
    ib = pltpu.async_copy(dst2d.at[pl.ds(row0, NCHUNKA)], dst_v, sem_i)
    _zero_f32_ref2d(rows[0], CHA, H)
    base_r = sid * RPT
    nz = RPT // CHA
    for j in range(nz):
        pltpu.async_copy(rows[0], acc.at[pl.ds(base_r + j * CHA, CHA)],
                         gsems[0])
    rem = RPT - nz * CHA
    if rem:
        pltpu.sync_copy(rows[0].at[pl.ds(0, rem)],
                        acc.at[pl.ds(base_r + RPT - rem, rem)])
    for j in range(nz):
        pltpu.make_async_copy(rows[0], acc.at[pl.ds(base_r + j * CHA, CHA)],
                              gsems[0]).wait()
    ia.wait()
    ib.wait()
    for j in range(NB):
        pltpu.async_copy(table.at[src_v.at[j]], rows[j], gsems[j])
    plsc.subcore_barrier()

    def round_(k, _):
        c0 = NB * k
        for j in range(NB):
            pltpu.make_async_copy(table.at[src_v.at[c0 + j]], rows[j],
                                  gsems[j]).wait()
            pltpu.async_copy(rows[j], acc.at[dst_v.at[c0 + j]], ssems[j],
                             add=True)
        for j in range(NB):
            pltpu.make_async_copy(rows[j], acc.at[dst_v.at[c0 + j]],
                                  ssems[j]).wait()

            @pl.when(c0 + NB + j < NCHUNKA)
            def _():
                pltpu.async_copy(table.at[src_v.at[c0 + NB + j]], rows[j],
                                 gsems[j])

        return 0

    lax.fori_loop(0, NCHUNKA // NB, round_, 0)
    plsc.subcore_barrier()
    pltpu.sync_copy(acc.at[pl.ds(sid * RPT, RPT)],
                    out.at[cid, pl.ds(sid * RPT, RPT)])


def _dot(a, b):
    return jnp.dot(a, b, preferred_element_type=jnp.float32,
                   precision=lax.Precision.DEFAULT)


def _tc1_body(cnt2_ref, x_ref, w_ref, y_ref):
    cnt = cnt2_ref[0, :] + cnt2_ref[1, :]
    dinv = lax.rsqrt(cnt + 1.0)
    y_ref[...] = _dot(x_ref[...], w_ref[...]) * dinv[:, None]


def _tc2_body(agg2_ref, y_ref, cnt2_ref, b_ref, h_ref):
    cnt = cnt2_ref[0, :] + cnt2_ref[1, :]
    dinv = lax.rsqrt(cnt + 1.0)
    s = agg2_ref[0] + agg2_ref[1] + y_ref[...]
    h_ref[...] = jnp.maximum(s * dinv[:, None] + b_ref[...], 0.0)


def _gelu(v):
    return 0.5 * v * (1.0 + lax.erf(v * (1.0 / math.sqrt(2.0))))


def _tc3_body(aggs2_ref, cnt2_ref, h_ref, wl_ref, bl_ref, wr_ref,
              w1_ref, b1_ref, w2_ref, b2_ref, w3_ref, b3_ref,
              vw_ref, vb_ref, means_ref, values_ref):
    cnt = cnt2_ref[0, :] + cnt2_ref[1, :]
    inv = 1.0 / jnp.maximum(cnt, 1.0)
    mean = (aggs2_ref[0] + aggs2_ref[1]) * inv[:, None]
    h = h_ref[...]
    h2 = jnp.maximum(_dot(mean, wl_ref[...]) + bl_ref[...]
                     + _dot(h, wr_ref[...]), 0.0)
    a = _gelu(_dot(h2, w1_ref[...]) + b1_ref[...])
    a = _gelu(_dot(a, w2_ref[...]) + b2_ref[...])
    means_ref[...] = _dot(a, w3_ref[...]) + b3_ref[...]
    values_ref[...] = _dot(h2, vw_ref[...]) + vb_ref[...]


def _tc1(cnt2, x, gcn_w):
    return pl.pallas_call(
        _tc1_body,
        out_shape=jax.ShapeDtypeStruct((N, H), jnp.float32),
    )(cnt2, x, gcn_w)


def _tc2(agg2, y, cnt2, gcn_b):
    return pl.pallas_call(
        _tc2_body,
        out_shape=jax.ShapeDtypeStruct((N, H), jnp.float32),
    )(agg2, y, cnt2, gcn_b)


def _tc3(aggs2, cnt2, h, sage_wl, sage_bl, sage_wr, w1, b1, w2, b2, w3, b3,
         vw, vb):
    return pl.pallas_call(
        _tc3_body,
        out_shape=(jax.ShapeDtypeStruct((N, OUT), jnp.float32),
                   jax.ShapeDtypeStruct((N, 1), jnp.float32)),
        compiler_params=pltpu.CompilerParams(vmem_limit_bytes=64 * 1024 * 1024),
    )(aggs2, cnt2, h, sage_wl, sage_bl, sage_wr, w1, b1, w2, b2, w3, b3,
      vw, vb)


def kernel(x, edge_index, gcn_w, gcn_b, sage_wl, sage_bl, sage_wr,
           w1, b1, w2, b2, w3, b3, vw, vb):
    src2d = edge_index[0].reshape(E // CHA, CHA)
    dst2d = edge_index[1].reshape(E // CHA, CHA)
    dst2dc = edge_index[1].reshape(E // CH, CH)
    cnt2 = _sc_count(dst2dc)
    y = _tc1(cnt2, x, gcn_w)
    agg2 = _sc_agg(y, src2d, dst2d)
    h = _tc2(agg2, y, cnt2, gcn_b.reshape(1, H))
    aggs2 = _sc_agg(h, src2d, dst2d)
    means, values = _tc3(aggs2, cnt2, h, sage_wl, sage_bl.reshape(1, H),
                         sage_wr, w1, b1.reshape(1, H), w2, b2.reshape(1, H),
                         w3, b3.reshape(1, OUT), vw, vb.reshape(1, 1))
    return means, values.reshape(N)

# --- scband reference (transcript-rebuilt; emitter-appended) ---
"""Pipeline reference for scband-agent-74174085202347 (READ-ONLY COPY).

The authoritative reference and input builder live on the scoring server;
editing this copy changes nothing except your own understanding.
"""

import jax, jax.numpy as jnp
import numpy as np

N = 10000
E = 320000
D_IN = 128
H = 128
OUT = 8


def _forward(x, edge_index, gcn_w, gcn_b, sage_wl, sage_bl, sage_wr, w1, b1, w2, b2, w3, b3, vw, vb):
    src = edge_index[0]
    dst = edge_index[1]
    # ---- GCNConv (add self loops, symmetric normalization) ----
    loops = jnp.arange(N, dtype=src.dtype)
    src2 = jnp.concatenate([src, loops])
    dst2 = jnp.concatenate([dst, loops])
    deg = jax.ops.segment_sum(jnp.ones(src2.shape[0], dtype=x.dtype), dst2, num_segments=N)
    dinv = jnp.where(deg > 0, 1.0 / jnp.sqrt(deg), 0.0)
    norm = dinv[src2] * dinv[dst2]
    xw = x @ gcn_w
    msg = xw[src2] * norm[:, None]
    h = jax.ops.segment_sum(msg, dst2, num_segments=N) + gcn_b
    h = jax.nn.relu(h)
    # ---- SAGEConv (mean aggregation) ----
    agg = jax.ops.segment_sum(h[src], dst, num_segments=N)
    cnt = jax.ops.segment_sum(jnp.ones(E, dtype=h.dtype), dst, num_segments=N)
    cnt = jnp.maximum(cnt, 1.0)
    mean = agg / cnt[:, None]
    h2 = mean @ sage_wl + sage_bl + h @ sage_wr
    h2 = jax.nn.relu(h2)
    # ---- Policy head ----
    a = jax.nn.gelu(h2 @ w1 + b1, approximate=False)
    a = jax.nn.gelu(a @ w2 + b2, approximate=False)
    means = a @ w3 + b3
    values = (h2 @ vw + vb).squeeze(-1)
    return (means, values)


def setup_inputs(seed: int = 0) -> dict:
    key = jax.random.key(seed)
    ks = jax.random.split(key, 16)
    x = jax.random.normal(ks[0], (N, D_IN), dtype=jnp.float32)
    edge_index = jax.random.randint(ks[1], (2, E), 0, N, dtype=jnp.int32)
    s_in = 1.0 / np.sqrt(D_IN)
    s_h = 1.0 / np.sqrt(H)
    return {
        "x": x,
        "edge_index": edge_index,
        "gcn_w": jax.random.normal(ks[2], (D_IN, H), dtype=jnp.float32) * s_in,
        "gcn_b": jnp.zeros((H,), dtype=jnp.float32),
        "sage_wl": jax.random.normal(ks[3], (H, H), dtype=jnp.float32) * s_h,
        "sage_bl": jnp.zeros((H,), dtype=jnp.float32),
        "sage_wr": jax.random.normal(ks[4], (H, H), dtype=jnp.float32) * s_h,
        "w1": jax.random.normal(ks[5], (H, H), dtype=jnp.float32) * s_h,
        "b1": jnp.zeros((H,), dtype=jnp.float32),
        "w2": jax.random.normal(ks[6], (H, H), dtype=jnp.float32) * s_h,
        "b2": jnp.zeros((H,), dtype=jnp.float32),
        "w3": jax.random.normal(ks[7], (H, OUT), dtype=jnp.float32) * s_h,
        "b3": jnp.zeros((OUT,), dtype=jnp.float32),
        "vw": jax.random.normal(ks[8], (H, 1), dtype=jnp.float32) * s_h,
        "vb": jnp.zeros((1,), dtype=jnp.float32),
    }


def reference(x, edge_index, gcn_w, gcn_b, sage_wl, sage_bl, sage_wr, w1, b1, w2, b2, w3, b3, vw, vb):
    return _forward(x, edge_index, gcn_w, gcn_b, sage_wl, sage_bl, sage_wr, w1, b1, w2, b2, w3, b3, vw, vb)

if __name__ == "__main__":
    import jax
    _d = setup_inputs()
    print(jax.jit(kernel)(*tuple(_d.values())))

</pallas_src>

<mosaic_0001>
#map = affine_map<(d0, d1) -> (0, 0)>
module attributes {stable_mosaic.version = 14 : i64} {
  func.func @_sc_count(%arg0: i32, %arg1: i32, %arg2: memref<4000x80xi32, #tpu.memory_space<hbm>>, %arg3: memref<2x10000xf32, #tpu.memory_space<hbm>>, %arg4: memref<125x80xi32, #tpu.memory_space<vmem>>, %arg5: memref<80xf32, #tpu.memory_space<vmem>>, %arg6: memref<1008xf32, #tpu.memory_space<vmem>>, %arg7: memref<10000xf32, #tpu.memory_space<vmem_shared>>, %arg8: memref<!tpu.dma_semaphore, #tpu.memory_space<semaphore_mem>>, %arg9: memref<!tpu.dma_semaphore, #tpu.memory_space<semaphore_mem>>) attributes {dimension_semantics = [#tpu.dimension_semantics<core_parallel>, #tpu.dimension_semantics<subcore_parallel>], iteration_bounds = array<i64: 2, 16>, scalar_prefetch = 0 : i64, scratch_operands = 6 : i64, tpu.core_type = #tpu.core_type<sc_vector_subcore>, window_params = [{transform_indices = #map}, {transform_indices = #map}]} {
    %mul3A = arith.constant 16 : i32
    %mul3A_0 = arith.muli %arg0, %mul3A : i32
    %add3A = arith.addi %mul3A_0, %arg1 : i32
    %mul3A_1 = arith.constant 125 : i32
    %mul3A_2 = arith.muli %add3A, %mul3A_1 : i32
    %dma_start3A = arith.constant 0 : i32
    %dma_start3A_3 = tpu.memref_slice %arg2[%mul3A_2, %dma_start3A] : memref<4000x80xi32, #tpu.memory_space<hbm>> -> memref<125x80xi32, #tpu.memory_space<hbm>>
    %dma_start3A_4 = arith.constant 0 : i32
    %dma_start3A_5 = tpu.memref_slice %arg2[%mul3A_2, %dma_start3A_4] : memref<4000x80xi32, #tpu.memory_space<hbm>> -> memref<125x80xi32, #tpu.memory_space<hbm>>
    tpu.enqueue_dma source(%dma_start3A_5 : memref<125x80xi32, #tpu.memory_space<hbm>>) target(%arg4 : memref<125x80xi32, #tpu.memory_space<vmem>>) target_semaphore(%arg8 : memref<!tpu.dma_semaphore, #tpu.memory_space<semaphore_mem>>)
    %broadcast_in_dim3A = arith.constant 1.000000e+00 : f32
    %broadcast_in_dim3A_6 = vector.broadcast %broadcast_in_dim3A : f32 to vector<16xf32>
    %swap3A = arith.constant 0 : index
    %swap3A_7 = tpu.vector_load %arg5[%swap3A] {strides = array<i32>} : memref<80xf32, #tpu.memory_space<vmem>>, vector<16xf32>,
    %swap3A_8 = vector.shape_cast %swap3A_7 : vector<16xf32> to vector<16xf32>
    %swap3A_9 = vector.shape_cast %broadcast_in_dim3A_6 : vector<16xf32> to vector<16xf32>
    tpu.vector_store %arg5[%swap3A], %swap3A_9 {strides = array<i32>} : memref<80xf32, #tpu.memory_space<vmem>>, vector<16xf32>,
    %swap3A_10 = arith.constant 16 : index
    %swap3A_11 = tpu.vector_load %arg5[%swap3A_10] {strides = array<i32>} : memref<80xf32, #tpu.memory_space<vmem>>, vector<16xf32>,
    %swap3A_12 = vector.shape_cast %swap3A_11 : vector<16xf32> to vector<16xf32>
    %swap3A_13 = vector.shape_cast %broadcast_in_dim3A_6 : vector<16xf32> to vector<16xf32>
    tpu.vector_store %arg5[%swap3A_10], %swap3A_13 {strides = array<i32>} : memref<80xf32, #tpu.memory_space<vmem>>, vector<16xf32>,
    %swap3A_14 = arith.constant 32 : index
    %swap3A_15 = tpu.vector_load %arg5[%swap3A_14] {strides = array<i32>} : memref<80xf32, #tpu.memory_space<vmem>>, vector<16xf32>,
    %swap3A_16 = vector.shape_cast %swap3A_15 : vector<16xf32> to vector<16xf32>
    %swap3A_17 = vector.shape_cast %broadcast_in_dim3A_6 : vector<16xf32> to vector<16xf32>
    tpu.vector_store %arg5[%swap3A_14], %swap3A_17 {strides = array<i32>} : memref<80xf32, #tpu.memory_space<vmem>>, vector<16xf32>,
    %swap3A_18 = arith.constant 48 : index
    %swap3A_19 = tpu.vector_load %arg5[%swap3A_18] {strides = array<i32>} : memref<80xf32, #tpu.memory_space<vmem>>, vector<16xf32>,
    %swap3A_20 = vector.shape_cast %swap3A_19 : vector<16xf32> to vector<16xf32>
    %swap3A_21 = vector.shape_cast %broadcast_in_dim3A_6 : vector<16xf32> to vector<16xf32>
    tpu.vector_store %arg5[%swap3A_18], %swap3A_21 {strides = array<i32>} : memref<80xf32, #tpu.memory_space<vmem>>, vector<16xf32>,
    %swap3A_22 = arith.constant 64 : index
    %swap3A_23 = tpu.vector_load %arg5[%swap3A_22] {strides = array<i32>} : memref<80xf32, #tpu.memory_space<vmem>>, vector<16xf32>,
    %swap3A_24 = vector.shape_cast %swap3A_23 : vector<16xf32> to vector<16xf32>
    %swap3A_25 = vector.shape_cast %broadcast_in_dim3A_6 : vector<16xf32> to vector<16xf32>
    tpu.vector_store %arg5[%swap3A_22], %swap3A_25 {strides = array<i32>} : memref<80xf32, #tpu.memory_space<vmem>>, vector<16xf32>,
    %broadcast_in_dim3A_26 = arith.constant 0.000000e+00 : f32
    %broadcast_in_dim3A_27 = vector.broadcast %broadcast_in_dim3A_26 : f32 to vector<16xf32>
    %scan3A = arith.constant 0 : i32
    %scan3A_28 = arith.constant 0 : i32
    %scan3A_29 = arith.constant 63 : i32
    %scan3A_30 = arith.addi %scan3A_28, %scan3A_29 : i32
    %scan3A_31 = arith.constant 1 : i32
    %scan3A_32 = scf.for %scan3A_52 = %scan3A_28 to %scan3A_30 step %scan3A_31 iter_args(%scan3A_53 = %scan3A) -> (i32)  : i32 {
      %mul3A_54 = arith.constant 16 : i32
      %mul3A_55 = arith.muli %scan3A_52, %mul3A_54 : i32
      %swap3A_56 = arith.index_cast %mul3A_55 : i32 to index
      %swap3A_57 = tpu.vector_load %arg6[%swap3A_56] {strides = array<i32>} : memref<1008xf32, #tpu.memory_space<vmem>>, vector<16xf32>,
      %swap3A_58 = vector.shape_cast %swap3A_57 : vector<16xf32> to vector<16xf32>
      %swap3A_59 = vector.shape_cast %broadcast_in_dim3A_27 : vector<16xf32> to vector<16xf32>
      tpu.vector_store %arg6[%swap3A_56], %swap3A_59 {strides = array<i32>} : memref<1008xf32, #tpu.memory_space<vmem>>, vector<16xf32>,
      %scan3A_60 = arith.constant 0 : i32
      scf.yield %scan3A_60 : i32
    }
    %scan3A_33 = arith.constant 63 : i32
    %lt3A = arith.constant 10 : i32
    %lt3A_34 = arith.cmpi slt, %arg1, %lt3A : i32
    %convert_element_type3A = arith.extui %lt3A_34 : i1 to i32
    %cond3A = arith.constant 0 : i32
    %cond3A_35 = arith.cmpi ne, %convert_element_type3A, %cond3A : i32
    scf.if %cond3A_35 {
      %mul3A_52 = arith.constant 1000 : i32
      %mul3A_53 = arith.muli %arg1, %mul3A_52 : i32
      "tpu.region"() ({
        %run_scoped3A = tpu.sem_alloc : memref<!tpu.dma_semaphore, #tpu.memory_space<semaphore_mem>>
        %dma_start3A_54 = arith.constant 0 : i32
        %dma_start3A_55 = tpu.memref_slice %arg6[%dma_start3A_54] : memref<1008xf32, #tpu.memory_space<vmem>> -> memref<1000xf32, #tpu.memory_space<vmem>>
        %dma_start3A_56 = tpu.memref_slice %arg7[%mul3A_53] : memref<10000xf32, #tpu.memory_space<vmem_shared>> -> memref<1000xf32, #tpu.memory_space<vmem_shared>>
        %dma_start3A_57 = tpu.memref_slice %arg7[%mul3A_53] : memref<10000xf32, #tpu.memory_space<vmem_shared>> -> memref<1000xf32, #tpu.memory_space<vmem_shared>>
        %dma_start3A_58 = arith.constant 0 : i32
        %dma_start3A_59 = tpu.memref_slice %arg6[%dma_start3A_58] : memref<1008xf32, #tpu.memory_space<vmem>> -> memref<1000xf32, #tpu.memory_space<vmem>>
        tpu.enqueue_dma source(%dma_start3A_59 : memref<1000xf32, #tpu.memory_space<vmem>>) target(%dma_start3A_57 : memref<1000xf32, #tpu.memory_space<vmem_shared>>) target_semaphore(%run_scoped3A : memref<!tpu.dma_semaphore, #tpu.memory_space<semaphore_mem>>)
        %dma_wait3A_60 = arith.constant 0 : i32
        %dma_wait3A_61 = tpu.memref_slice %arg6[%dma_wait3A_60] : memref<1008xf32, #tpu.memory_space<vmem>> -> memref<1000xf32, #tpu.memory_space<vmem>>
        %dma_wait3A_62 = tpu.memref_slice %arg7[%mul3A_53] : memref<10000xf32, #tpu.memory_space<vmem_shared>> -> memref<1000xf32, #tpu.memory_space<vmem_shared>>
        %dma_wait3A_63 = tpu.memref_slice %arg7[%mul3A_53] : memref<10000xf32, #tpu.memory_space<vmem_shared>> -> memref<1000xf32, #tpu.memory_space<vmem_shared>>
        %dma_wait3A_64 = arith.constant 0 : i32
        %dma_wait3A_65 = tpu.memref_slice %arg6[%dma_wait3A_64] : memref<1008xf32, #tpu.memory_space<vmem>> -> memref<1000xf32, #tpu.memory_space<vmem>>
        tpu.wait_dma2 semaphore(%run_scoped3A : memref<!tpu.dma_semaphore, #tpu.memory_space<semaphore_mem>>) src(%dma_wait3A_65 : memref<1000xf32, #tpu.memory_space<vmem>>) dst(%dma_wait3A_63 : memref<1000xf32, #tpu.memory_space<vmem_shared>>)
        tpu.yield
      }) : () -> ()
    } else {
    }
    %dma_wait3A = arith.constant 0 : i32
    %dma_wait3A_36 = tpu.memref_slice %arg2[%mul3A_2, %dma_wait3A] : memref<4000x80xi32, #tpu.memory_space<hbm>> -> memref<125x80xi32, #tpu.memory_space<hbm>>
    %dma_wait3A_37 = arith.constant 0 : i32
    %dma_wait3A_38 = tpu.memref_slice %arg2[%mul3A_2, %dma_wait3A_37] : memref<4000x80xi32, #tpu.memory_space<hbm>> -> memref<125x80xi32, #tpu.memory_space<hbm>>
    tpu.wait_dma2 semaphore(%arg8 : memref<!tpu.dma_semaphore, #tpu.memory_space<semaphore_mem>>) src(%dma_wait3A_38 : memref<125x80xi32, #tpu.memory_space<hbm>>) dst(%arg4 : memref<125x80xi32, #tpu.memory_space<vmem>>)
    %barrier3A = arith.constant 0 : index
    tpu.barrier barrier_id(%barrier3A)
    %scan3A_39 = arith.constant 0 : i32
    %scan3A_40 = arith.constant 0 : i32
    %scan3A_41 = arith.constant 25 : i32
    %scan3A_42 = arith.addi %scan3A_40, %scan3A_41 : i32
    %scan3A_43 = arith.constant 1 : i32
    %scan3A_44 = scf.for %scan3A_52 = %scan3A_40 to %scan3A_42 step %scan3A_43 iter_args(%scan3A_53 = %scan3A_39) -> (i32)  : i32 {
      %mul3A_54 = arith.constant 5 : i32
      %mul3A_55 = arith.muli %scan3A_52, %mul3A_54 : i32
      %add3A_56 = arith.constant 0 : i32
      %add3A_57 = arith.addi %mul3A_55, %add3A_56 : i32
      %dma_start3A_58 = arith.constant 0 : i32
      %dma_start3A_59 = tpu.memref_slice %arg4[%add3A_57, %dma_start3A_58] : memref<125x80xi32, #tpu.memory_space<vmem>> -> memref<1x80xi32, #tpu.memory_space<vmem>>
      %dma_start3A_60 = tpu.memref_squeeze %dma_start3A_59 : memref<1x80xi32, #tpu.memory_space<vmem>> -> memref<80xi32, #tpu.memory_space<vmem>>
      %dma_start3A_61 = arith.constant 0 : i32
      %dma_start3A_62 = tpu.memref_slice %arg7[%dma_start3A_61] : memref<10000xf32, #tpu.memory_space<vmem_shared>> -> memref<10000xf32, #tpu.memory_space<vmem_shared>>
      tpu.enqueue_indirect_dma source(%arg5 : memref<80xf32, #tpu.memory_space<vmem>>) target(%dma_start3A_62 : memref<10000xf32, #tpu.memory_space<vmem_shared>>) offsets(%dma_start3A_60 : memref<80xi32, #tpu.memory_space<vmem>>) semaphore(%arg9 : memref<!tpu.dma_semaphore, #tpu.memory_space<semaphore_mem>>) {add = true}
      %mul3A_63 = arith.constant 5 : i32
      %mul3A_64 = arith.muli %scan3A_52, %mul3A_63 : i32
      %add3A_65 = arith.constant 1 : i32
      %add3A_66 = arith.addi %mul3A_64, %add3A_65 : i32
      %dma_start3A_67 = arith.constant 0 : i32
      %dma_start3A_68 = tpu.memref_slice %arg4[%add3A_66, %dma_start3A_67] : memref<125x80xi32, #tpu.memory_space<vmem>> -> memref<1x80xi32, #tpu.memory_space<vmem>>
      %dma_start3A_69 = tpu.memref_squeeze %dma_start3A_68 : memref<1x80xi32, #tpu.memory_space<vmem>> -> memref<80xi32, #tpu.memory_space<vmem>>
      %dma_start3A_70 = arith.constant 0 : i32
      %dma_start3A_71 = tpu.memref_slice %arg7[%dma_start3A_70] : memref<10000xf32, #tpu.memory_space<vmem_shared>> -> memref<10000xf32, #tpu.memory_space<vmem_shared>>
      tpu.enqueue_indirect_dma source(%arg5 : memref<80xf32, #tpu.memory_space<vmem>>) target(%dma_start3A_71 : memref<10000xf32, #tpu.memory_space<vmem_shared>>) offsets(%dma_start3A_69 : memref<80xi32, #tpu.memory_space<vmem>>) semaphore(%arg9 : memref<!tpu.dma_semaphore, #tpu.memory_space<semaphore_mem>>) {add = true}
      %mul3A_72 = arith.constant 5 : i32
      %mul3A_73 = arith.muli %scan3A_52, %mul3A_72 : i32
      %add3A_74 = arith.constant 2 : i32
      %add3A_75 = arith.addi %mul3A_73, %add3A_74 : i32
      %dma_start3A_76 = arith.constant 0 : i32
      %dma_start3A_77 = tpu.memref_slice %arg4[%add3A_75, %dma_start3A_76] : memref<125x80xi32, #tpu.memory_space<vmem>> -> memref<1x80xi32, #tpu.memory_space<vmem>>
      %dma_start3A_78 = tpu.memref_squeeze %dma_start3A_77 : memref<1x80xi32, #tpu.memory_space<vmem>> -> memref<80xi32, #tpu.memory_space<vmem>>
      %dma_start3A_79 = arith.constant 0 : i32
      %dma_start3A_80 = tpu.memref_slice %arg7[%dma_start3A_79] : memref<10000xf32, #tpu.memory_space<vmem_shared>> -> memref<10000xf32, #tpu.memory_space<vmem_shared>>
      tpu.enqueue_indirect_dma source(%arg5 : memref<80xf32, #tpu.memory_space<vmem>>) target(%dma_start3A_80 : memref<10000xf32, #tpu.memory_space<vmem_shared>>) offsets(%dma_start3A_78 : memref<80xi32, #tpu.memory_space<vmem>>) semaphore(%arg9 : memref<!tpu.dma_semaphore, #tpu.memory_space<semaphore_mem>>) {add = true}
      %mul3A_81 = arith.constant 5 : i32
      %mul3A_82 = arith.muli %scan3A_52, %mul3A_81 : i32
      %add3A_83 = arith.constant 3 : i32
      %add3A_84 = arith.addi %mul3A_82, %add3A_83 : i32
      %dma_start3A_85 = arith.constant 0 : i32
      %dma_start3A_86 = tpu.memref_slice %arg4[%add3A_84, %dma_start3A_85] : memref<125x80xi32, #tpu.memory_space<vmem>> -> memref<1x80xi32, #tpu.memory_space<vmem>>
      %dma_start3A_87 = tpu.memref_squeeze %dma_start3A_86 : memref<1x80xi32, #tpu.memory_space<vmem>> -> memref<80xi32, #tpu.memory_space<vmem>>
      %dma_start3A_88 = arith.constant 0 : i32
      %dma_start3A_89 = tpu.memref_slice %arg7[%dma_start3A_88] : memref<10000xf32, #tpu.memory_space<vmem_shared>> -> memref<10000xf32, #tpu.memory_space<vmem_shared>>
      tpu.enqueue_indirect_dma source(%arg5 : memref<80xf32, #tpu.memory_space<vmem>>) target(%dma_start3A_89 : memref<10000xf32, #tpu.memory_space<vmem_shared>>) offsets(%dma_start3A_87 : memref<80xi32, #tpu.memory_space<vmem>>) semaphore(%arg9 : memref<!tpu.dma_semaphore, #tpu.memory_space<semaphore_mem>>) {add = true}
      %mul3A_90 = arith.constant 5 : i32
      %mul3A_91 = arith.muli %scan3A_52, %mul3A_90 : i32
      %add3A_92 = arith.constant 4 : i32
      %add3A_93 = arith.addi %mul3A_91, %add3A_92 : i32
      %dma_start3A_94 = arith.constant 0 : i32
      %dma_start3A_95 = tpu.memref_slice %arg4[%add3A_93, %dma_start3A_94] : memref<125x80xi32, #tpu.memory_space<vmem>> -> memref<1x80xi32, #tpu.memory_space<vmem>>
      %dma_start3A_96 = tpu.memref_squeeze %dma_start3A_95 : memref<1x80xi32, #tpu.memory_space<vmem>> -> memref<80xi32, #tpu.memory_space<vmem>>
      %dma_start3A_97 = arith.constant 0 : i32
      %dma_start3A_98 = tpu.memref_slice %arg7[%dma_start3A_97] : memref<10000xf32, #tpu.memory_space<vmem_shared>> -> memref<10000xf32, #tpu.memory_space<vmem_shared>>
      tpu.enqueue_indirect_dma source(%arg5 : memref<80xf32, #tpu.memory_space<vmem>>) target(%dma_start3A_98 : memref<10000xf32, #tpu.memory_space<vmem_shared>>) offsets(%dma_start3A_96 : memref<80xi32, #tpu.memory_space<vmem>>) semaphore(%arg9 : memref<!tpu.dma_semaphore, #tpu.memory_space<semaphore_mem>>) {add = true}
      %mul3A_99 = arith.constant 5 : i32
      %mul3A_100 = arith.muli %scan3A_52, %mul3A_99 : i32
      %add3A_101 = arith.constant 0 : i32
      %add3A_102 = arith.addi %mul3A_100, %add3A_101 : i32
      %dma_wait3A_103 = arith.constant 0 : i32
      %dma_wait3A_104 = tpu.memref_slice %arg4[%add3A_102, %dma_wait3A_103] : memref<125x80xi32, #tpu.memory_space<vmem>> -> memref<1x80xi32, #tpu.memory_space<vmem>>
      %dma_wait3A_105 = tpu.memref_squeeze %dma_wait3A_104 : memref<1x80xi32, #tpu.memory_space<vmem>> -> memref<80xi32, #tpu.memory_space<vmem>>
      %dma_wait3A_106 = arith.constant 0 : i32
      %dma_wait3A_107 = tpu.memref_slice %arg7[%dma_wait3A_106] : memref<10000xf32, #tpu.memory_space<vmem_shared>> -> memref<10000xf32, #tpu.memory_space<vmem_shared>>
      tpu.wait_indirect_dma semaphore(%arg9 : memref<!tpu.dma_semaphore, #tpu.memory_space<semaphore_mem>>) src(%arg5 : memref<80xf32, #tpu.memory_space<vmem>>) dst(%dma_wait3A_107 : memref<10000xf32, #tpu.memory_space<vmem_shared>>)
      %mul3A_108 = arith.constant 5 : i32
      %mul3A_109 = arith.muli %scan3A_52, %mul3A_108 : i32
      %add3A_110 = arith.constant 1 : i32
      %add3A_111 = arith.addi %mul3A_109, %add3A_110 : i32
      %dma_wait3A_112 = arith.constant 0 : i32
      %dma_wait3A_113 = tpu.memref_slice %arg4[%add3A_111, %dma_wait3A_112] : memref<125x80xi32, #tpu.memory_space<vmem>> -> memref<1x80xi32, #tpu.memory_space<vmem>>
      %dma_wait3A_114 = tpu.memref_squeeze %dma_wait3A_113 : memref<1x80xi32, #tpu.memory_space<vmem>> -> memref<80xi32, #tpu.memory_space<vmem>>
      %dma_wait3A_115 = arith.constant 0 : i32
      %dma_wait3A_116 = tpu.memref_slice %arg7[%dma_wait3A_115] : memref<10000xf32, #tpu.memory_space<vmem_shared>> -> memref<10000xf32, #tpu.memory_space<vmem_shared>>
      tpu.wait_indirect_dma semaphore(%arg9 : memref<!tpu.dma_semaphore, #tpu.memory_space<semaphore_mem>>) src(%arg5 : memref<80xf32, #tpu.memory_space<vmem>>) dst(%dma_wait3A_116 : memref<10000xf32, #tpu.memory_space<vmem_shared>>)
      %mul3A_117 = arith.constant 5 : i32
      %mul3A_118 = arith.muli %scan3A_52, %mul3A_117 : i32
      %add3A_119 = arith.constant 2 : i32
      %add3A_120 = arith.addi %mul3A_118, %add3A_119 : i32
      %dma_wait3A_121 = arith.constant 0 : i32
      %dma_wait3A_122 = tpu.memref_slice %arg4[%add3A_120, %dma_wait3A_121] : memref<125x80xi32, #tpu.memory_space<vmem>> -> memref<1x80xi32, #tpu.memory_space<vmem>>
      %dma_wait3A_123 = tpu.memref_squeeze %dma_wait3A_122 : memref<1x80xi32, #tpu.memory_space<vmem>> -> memref<80xi32, #tpu.memory_space<vmem>>
      %dma_wait3A_124 = arith.constant 0 : i32
      %dma_wait3A_125 = tpu.memref_slice %arg7[%dma_wait3A_124] : memref<10000xf32, #tpu.memory_space<vmem_shared>> -> memref<10000xf32, #tpu.memory_space<vmem_shared>>
      tpu.wait_indirect_dma semaphore(%arg9 : memref<!tpu.dma_semaphore, #tpu.memory_space<semaphore_mem>>) src(%arg5 : memref<80xf32, #tpu.memory_space<vmem>>) dst(%dma_wait3A_125 : memref<10000xf32, #tpu.memory_space<vmem_shared>>)
      %mul3A_126 = arith.constant 5 : i32
      %mul3A_127 = arith.muli %scan3A_52, %mul3A_126 : i32
      %add3A_128 = arith.constant 3 : i32
      %add3A_129 = arith.addi %mul3A_127, %add3A_128 : i32
      %dma_wait3A_130 = arith.constant 0 : i32
      %dma_wait3A_131 = tpu.memref_slice %arg4[%add3A_129, %dma_wait3A_130] : memref<125x80xi32, #tpu.memory_space<vmem>> -> memref<1x80xi32, #tpu.memory_space<vmem>>
      %dma_wait3A_132 = tpu.memref_squeeze %dma_wait3A_131 : memref<1x80xi32, #tpu.memory_space<vmem>> -> memref<80xi32, #tpu.memory_space<vmem>>
      %dma_wait3A_133 = arith.constant 0 : i32
      %dma_wait3A_134 = tpu.memref_slice %arg7[%dma_wait3A_133] : memref<10000xf32, #tpu.memory_space<vmem_shared>> -> memref<10000xf32, #tpu.memory_space<vmem_shared>>
      tpu.wait_indirect_dma semaphore(%arg9 : memref<!tpu.dma_semaphore, #tpu.memory_space<semaphore_mem>>) src(%arg5 : memref<80xf32, #tpu.memory_space<vmem>>) dst(%dma_wait3A_134 : memref<10000xf32, #tpu.memory_space<vmem_shared>>)
      %mul3A_135 = arith.constant 5 : i32
      %mul3A_136 = arith.muli %scan3A_52, %mul3A_135 : i32
      %add3A_137 = arith.constant 4 : i32
      %add3A_138 = arith.addi %mul3A_136, %add3A_137 : i32
      %dma_wait3A_139 = arith.constant 0 : i32
      %dma_wait3A_140 = tpu.memref_slice %arg4[%add3A_138, %dma_wait3A_139] : memref<125x80xi32, #tpu.memory_space<vmem>> -> memref<1x80xi32, #tpu.memory_space<vmem>>
      %dma_wait3A_141 = tpu.memref_squeeze %dma_wait3A_140 : memref<1x80xi32, #tpu.memory_space<vmem>> -> memref<80xi32, #tpu.memory_space<vmem>>
      %dma_wait3A_142 = arith.constant 0 : i32
      %dma_wait3A_143 = tpu.memref_slice %arg7[%dma_wait3A_142] : memref<10000xf32, #tpu.memory_space<vmem_shared>> -> memref<10000xf32, #tpu.memory_space<vmem_shared>>
      tpu.wait_indirect_dma semaphore(%arg9 : memref<!tpu.dma_semaphore, #tpu.memory_space<semaphore_mem>>) src(%arg5 : memref<80xf32, #tpu.memory_space<vmem>>) dst(%dma_wait3A_143 : memref<10000xf32, #tpu.memory_space<vmem_shared>>)
      %scan3A_144 = arith.constant 0 : i32
      scf.yield %scan3A_144 : i32
    }
    %scan3A_45 = arith.constant 25 : i32
    %barrier3A_46 = arith.constant 0 : index
    tpu.barrier barrier_id(%barrier3A_46)
    %lt3A_47 = arith.constant 10 : i32
    %lt3A_48 = arith.cmpi slt, %arg1, %lt3A_47 : i32
    %convert_element_type3A_49 = arith.extui %lt3A_48 : i1 to i32
    %cond3A_50 = arith.constant 0 : i32
    %cond3A_51 = arith.cmpi ne, %convert_element_type3A_49, %cond3A_50 : i32
    scf.if %cond3A_51 {
      %mul3A_52 = arith.constant 1000 : i32
      %mul3A_53 = arith.muli %arg1, %mul3A_52 : i32
      %mul3A_54 = arith.constant 1000 : i32
      %mul3A_55 = arith.muli %arg1, %mul3A_54 : i32
      "tpu.region"() ({
        %run_scoped3A = tpu.sem_alloc : memref<!tpu.dma_semaphore, #tpu.memory_space<semaphore_mem>>
        %dma_start3A_56 = tpu.memref_slice %arg3[%arg0, %mul3A_55] : memref<2x10000xf32, #tpu.memory_space<hbm>> -> memref<1x1000xf32, #tpu.memory_space<hbm>>
        %dma_start3A_57 = tpu.memref_squeeze %dma_start3A_56 : memref<1x1000xf32, #tpu.memory_space<hbm>> -> memref<1000xf32, #tpu.memory_space<hbm>>
        %dma_start3A_58 = tpu.memref_slice %arg7[%mul3A_53] : memref<10000xf32, #tpu.memory_space<vmem_shared>> -> memref<1000xf32, #tpu.memory_space<vmem_shared>>
        tpu.enqueue_dma source(%dma_start3A_58 : memref<1000xf32, #tpu.memory_space<vmem_shared>>) target(%dma_start3A_57 : memref<1000xf32, #tpu.memory_space<hbm>>) target_semaphore(%run_scoped3A : memref<!tpu.dma_semaphore, #tpu.memory_space<semaphore_mem>>)
        %dma_wait3A_59 = tpu.memref_slice %arg3[%arg0, %mul3A_55] : memref<2x10000xf32, #tpu.memory_space<hbm>> -> memref<1x1000xf32, #tpu.memory_space<hbm>>
        %dma_wait3A_60 = tpu.memref_squeeze %dma_wait3A_59 : memref<1x1000xf32, #tpu.memory_space<hbm>> -> memref<1000xf32, #tpu.memory_space<hbm>>
        %dma_wait3A_61 = tpu.memref_slice %arg7[%mul3A_53] : memref<10000xf32, #tpu.memory_space<vmem_shared>> -> memref<1000xf32, #tpu.memory_space<vmem_shared>>
        tpu.wait_dma2 semaphore(%run_scoped3A : memref<!tpu.dma_semaphore, #tpu.memory_space<semaphore_mem>>) src(%dma_wait3A_61 : memref<1000xf32, #tpu.memory_space<vmem_shared>>) dst(%dma_wait3A_60 : memref<1000xf32, #tpu.memory_space<hbm>>)
        tpu.yield
      }) : () -> ()
    } else {
    }
    return
  }
}

#map = affine_map<(d0, d1) -> (0, 0)>
#map1 = affine_map<(d0, d1) -> (0, 0, 0)>
module attributes {stable_mosaic.version = 14 : i64} {
  func.func @_sc_agg(%arg0: i32, %arg1: i32, %arg2: memref<10000x128xf32, #tpu.memory_space<hbm>>, %arg3: memref<8000x40xi32, #tpu.memory_space<hbm>>, %arg4: memref<8000x40xi32, #tpu.memory_space<hbm>>, %arg5: memref<2x10000x128xf32, #tpu.memory_space<hbm>>, %arg6: memref<250x40xi32, #tpu.memory_space<vmem>>, %arg7: memref<250x40xi32, #tpu.memory_space<vmem>>, %arg8: memref<40x128xf32, #tpu.memory_space<vmem>>, %arg9: memref<40x128xf32, #tpu.memory_space<vmem>>, %arg10: memref<40x128xf32, #tpu.memory_space<vmem>>, %arg11: memref<40x128xf32, #tpu.memory_space<vmem>>, %arg12: memref<40x128xf32, #tpu.memory_space<vmem>>, %arg13: memref<10000x128xf32, #tpu.memory_space<vmem_shared>>, %arg14: memref<!tpu.dma_semaphore, #tpu.memory_space<semaphore_mem>>, %arg15: memref<!tpu.dma_semaphore, #tpu.memory_space<semaphore_mem>>, %arg16: memref<!tpu.dma_semaphore, #tpu.memory_space<semaphore_mem>>, %arg17: memref<!tpu.dma_semaphore, #tpu.memory_space<semaphore_mem>>, %arg18: memref<!tpu.dma_semaphore, #tpu.memory_space<semaphore_mem>>, %arg19: memref<!tpu.dma_semaphore, #tpu.memory_space<semaphore_mem>>, %arg20: memref<!tpu.dma_semaphore, #tpu.memory_space<semaphore_mem>>, %arg21: memref<!tpu.dma_semaphore, #tpu.memory_space<semaphore_mem>>, %arg22: memref<!tpu.dma_semaphore, #tpu.memory_space<semaphore_mem>>, %arg23: memref<!tpu.dma_semaphore, #tpu.memory_space<semaphore_mem>>, %arg24: memref<!tpu.dma_semaphore, #tpu.memory_space<semaphore_mem>>) attributes {dimension_semantics = [#tpu.dimension_semantics<core_parallel>, #tpu.dimension_semantics<subcore_parallel>], iteration_bounds = array<i64: 2, 16>, scalar_prefetch = 0 : i64, scratch_operands = 19 : i64, tpu.core_type = #tpu.core_type<sc_vector_subcore>, window_params = [{transform_indices = #map}, {transform_indices = #map}, {transform_indices = #map}, {transform_indices = #map1}]} {
    %mul3A = arith.constant 16 : i32
    %mul3A_0 = arith.muli %arg0, %mul3A : i32
    %add3A = arith.addi %mul3A_0, %arg1 : i32
    %mul3A_1 = arith.constant 250 : i32
    %mul3A_2 = arith.muli %add3A, %mul3A_1 : i32
    %dma_start3A = arith.constant 0 : i32
    %dma_start3A_3 = tpu.memref_slice %arg3[%mul3A_2, %dma_start3A] : memref<8000x40xi32, #tpu.memory_space<hbm>> -> memref<250x40xi32, #tpu.memory_space<hbm>>
    %dma_start3A_4 = arith.constant 0 : i32
    %dma_start3A_5 = tpu.memref_slice %arg3[%mul3A_2, %dma_start3A_4] : memref<8000x40xi32, #tpu.memory_space<hbm>> -> memref<250x40xi32, #tpu.memory_space<hbm>>
    tpu.enqueue_dma source(%dma_start3A_5 : memref<250x40xi32, #tpu.memory_space<hbm>>) target(%arg6 : memref<250x40xi32, #tpu.memory_space<vmem>>) target_semaphore(%arg14 : memref<!tpu.dma_semaphore, #tpu.memory_space<semaphore_mem>>)
    %dma_start3A_6 = arith.constant 0 : i32
    %dma_start3A_7 = tpu.memref_slice %arg4[%mul3A_2, %dma_start3A_6] : memref<8000x40xi32, #tpu.memory_space<hbm>> -> memref<250x40xi32, #tpu.memory_space<hbm>>
    %dma_start3A_8 = arith.constant 0 : i32
    %dma_start3A_9 = tpu.memref_slice %arg4[%mul3A_2, %dma_start3A_8] : memref<8000x40xi32, #tpu.memory_space<hbm>> -> memref<250x40xi32, #tpu.memory_space<hbm>>
    tpu.enqueue_dma source(%dma_start3A_9 : memref<250x40xi32, #tpu.memory_space<hbm>>) target(%arg7 : memref<250x40xi32, #tpu.memory_space<vmem>>) target_semaphore(%arg14 : memref<!tpu.dma_semaphore, #tpu.memory_space<semaphore_mem>>)
    %broadcast_in_dim3A = arith.constant 0.000000e+00 : f32
    %broadcast_in_dim3A_10 = vector.broadcast %broadcast_in_dim3A : f32 to vector<16xf32>
    %scan3A = arith.constant 0 : i32
    %scan3A_11 = arith.constant 0 : i32
    %scan3A_12 = arith.constant 40 : i32
    %scan3A_13 = arith.addi %scan3A_11, %scan3A_12 : i32
    %scan3A_14 = arith.constant 1 : i32
    %scan3A_15 = scf.for %scan3A_256 = %scan3A_11 to %scan3A_13 step %scan3A_14 iter_args(%scan3A_257 = %scan3A) -> (i32)  : i32 {
      %swap3A = arith.index_cast %scan3A_256 : i32 to index
      %swap3A_258 = arith.constant 0 : index
      %swap3A_259 = tpu.vector_load %arg8[%swap3A, %swap3A_258] {strides = array<i32>} : memref<40x128xf32, #tpu.memory_space<vmem>>, vector<1x16xf32>,
      %swap3A_260 = vector.shape_cast %swap3A_259 : vector<1x16xf32> to vector<16xf32>
      %swap3A_261 = vector.shape_cast %broadcast_in_dim3A_10 : vector<16xf32> to vector<1x16xf32>
      tpu.vector_store %arg8[%swap3A, %swap3A_258], %swap3A_261 {strides = array<i32>} : memref<40x128xf32, #tpu.memory_space<vmem>>, vector<1x16xf32>,
      %swap3A_262 = arith.index_cast %scan3A_256 : i32 to index
      %swap3A_263 = arith.constant 16 : index
      %swap3A_264 = tpu.vector_load %arg8[%swap3A_262, %swap3A_263] {strides = array<i32>} : memref<40x128xf32, #tpu.memory_space<vmem>>, vector<1x16xf32>,
      %swap3A_265 = vector.shape_cast %swap3A_264 : vector<1x16xf32> to vector<16xf32>
      %swap3A_266 = vector.shape_cast %broadcast_in_dim3A_10 : vector<16xf32> to vector<1x16xf32>
      tpu.vector_store %arg8[%swap3A_262, %swap3A_263], %swap3A_266 {strides = array<i32>} : memref<40x128xf32, #tpu.memory_space<vmem>>, vector<1x16xf32>,
      %swap3A_267 = arith.index_cast %scan3A_256 : i32 to index
      %swap3A_268 = arith.constant 32 : index
      %swap3A_269 = tpu.vector_load %arg8[%swap3A_267, %swap3A_268] {strides = array<i32>} : memref<40x128xf32, #tpu.memory_space<vmem>>, vector<1x16xf32>,
      %swap3A_270 = vector.shape_cast %swap3A_269 : vector<1x16xf32> to vector<16xf32>
      %swap3A_271 = vector.shape_cast %broadcast_in_dim3A_10 : vector<16xf32> to vector<1x16xf32>
      tpu.vector_store %arg8[%swap3A_267, %swap3A_268], %swap3A_271 {strides = array<i32>} : memref<40x128xf32, #tpu.memory_space<vmem>>, vector<1x16xf32>,
      %swap3A_272 = arith.index_cast %scan3A_256 : i32 to index
      %swap3A_273 = arith.constant 48 : index
      %swap3A_274 = tpu.vector_load %arg8[%swap3A_272, %swap3A_273] {strides = array<i32>} : memref<40x128xf32, #tpu.memory_space<vmem>>, vector<1x16xf32>,
      %swap3A_275 = vector.shape_cast %swap3A_274 : vector<1x16xf32> to vector<16xf32>
      %swap3A_276 = vector.shape_cast %broadcast_in_dim3A_10 : vector<16xf32> to vector<1x16xf32>
      tpu.vector_store %arg8[%swap3A_272, %swap3A_273], %swap3A_276 {strides = array<i32>} : memref<40x128xf32, #tpu.memory_space<vmem>>, vector<1x16xf32>,
      %swap3A_277 = arith.index_cast %scan3A_256 : i32 to index
      %swap3A_278 = arith.constant 64 : index
      %swap3A_279 = tpu.vector_load %arg8[%swap3A_277, %swap3A_278] {strides = array<i32>} : memref<40x128xf32, #tpu.memory_space<vmem>>, vector<1x16xf32>,
      %swap3A_280 = vector.shape_cast %swap3A_279 : vector<1x16xf32> to vector<16xf32>
      %swap3A_281 = vector.shape_cast %broadcast_in_dim3A_10 : vector<16xf32> to vector<1x16xf32>
      tpu.vector_store %arg8[%swap3A_277, %swap3A_278], %swap3A_281 {strides = array<i32>} : memref<40x128xf32, #tpu.memory_space<vmem>>, vector<1x16xf32>,
      %swap3A_282 = arith.index_cast %scan3A_256 : i32 to index
      %swap3A_283 = arith.constant 80 : index
      %swap3A_284 = tpu.vector_load %arg8[%swap3A_282, %swap3A_283] {strides = array<i32>} : memref<40x128xf32, #tpu.memory_space<vmem>>, vector<1x16xf32>,
      %swap3A_285 = vector.shape_cast %swap3A_284 : vector<1x16xf32> to vector<16xf32>
      %swap3A_286 = vector.shape_cast %broadcast_in_dim3A_10 : vector<16xf32> to vector<1x16xf32>
      tpu.vector_store %arg8[%swap3A_282, %swap3A_283], %swap3A_286 {strides = array<i32>} : memref<40x128xf32, #tpu.memory_space<vmem>>, vector<1x16xf32>,
      %swap3A_287 = arith.index_cast %scan3A_256 : i32 to index
      %swap3A_288 = arith.constant 96 : index
      %swap3A_289 = tpu.vector_load %arg8[%swap3A_287, %swap3A_288] {strides = array<i32>} : memref<40x128xf32, #tpu.memory_space<vmem>>, vector<1x16xf32>,
      %swap3A_290 = vector.shape_cast %swap3A_289 : vector<1x16xf32> to vector<16xf32>
      %swap3A_291 = vector.shape_cast %broadcast_in_dim3A_10 : vector<16xf32> to vector<1x16xf32>
      tpu.vector_store %arg8[%swap3A_287, %swap3A_288], %swap3A_291 {strides = array<i32>} : memref<40x128xf32, #tpu.memory_space<vmem>>, vector<1x16xf32>,
      %swap3A_292 = arith.index_cast %scan3A_256 : i32 to index
      %swap3A_293 = arith.constant 112 : index
      %swap3A_294 = tpu.vector_load %arg8[%swap3A_292, %swap3A_293] {strides = array<i32>} : memref<40x128xf32, #tpu.memory_space<vmem>>, vector<1x16xf32>,
      %swap3A_295 = vector.shape_cast %swap3A_294 : vector<1x16xf32> to vector<16xf32>
      %swap3A_296 = vector.shape_cast %broadcast_in_dim3A_10 : vector<16xf32> to vector<1x16xf32>
      tpu.vector_store %arg8[%swap3A_292, %swap3A_293], %swap3A_296 {strides = array<i32>} : memref<40x128xf32, #tpu.memory_space<vmem>>, vector<1x16xf32>,
      %scan3A_297 = arith.constant 0 : i32
      scf.yield %scan3A_297 : i32
    }
    %scan3A_16 = arith.constant 40 : i32
    %mul3A_17 = arith.constant 625 : i32
    %mul3A_18 = arith.muli %arg1, %mul3A_17 : i32
    %add3A_19 = arith.constant 0 : i32
    %add3A_20 = arith.addi %mul3A_18, %add3A_19 : i32
    %dma_start3A_21 = arith.constant 0 : i32
    %dma_start3A_22 = tpu.memref_slice %arg13[%add3A_20, %dma_start3A_21] : memref<10000x128xf32, #tpu.memory_space<vmem_shared>> -> memref<40x128xf32, #tpu.memory_space<vmem_shared>>
    %dma_start3A_23 = arith.constant 0 : i32
    %dma_start3A_24 = tpu.memref_slice %arg13[%add3A_20, %dma_start3A_23] : memref<10000x128xf32, #tpu.memory_space<vmem_shared>> -> memref<40x128xf32, #tpu.memory_space<vmem_shared>>
    tpu.enqueue_dma source(%arg8 : memref<40x128xf32, #tpu.memory_space<vmem>>) target(%dma_start3A_24 : memref<40x128xf32, #tpu.memory_space<vmem_shared>>) target_semaphore(%arg15 : memref<!tpu.dma_semaphore, #tpu.memory_space<semaphore_mem>>)
    %add3A_25 = arith.constant 40 : i32
    %add3A_26 = arith.addi %mul3A_18, %add3A_25 : i32
    %dma_start3A_27 = arith.constant 0 : i32
    %dma_start3A_28 = tpu.memref_slice %arg13[%add3A_26, %dma_start3A_27] : memref<10000x128xf32, #tpu.memory_space<vmem_shared>> -> memref<40x128xf32, #tpu.memory_space<vmem_shared>>
    %dma_start3A_29 = arith.constant 0 : i32
    %dma_start3A_30 = tpu.memref_slice %arg13[%add3A_26, %dma_start3A_29] : memref<10000x128xf32, #tpu.memory_space<vmem_shared>> -> memref<40x128xf32, #tpu.memory_space<vmem_shared>>
    tpu.enqueue_dma source(%arg8 : memref<40x128xf32, #tpu.memory_space<vmem>>) target(%dma_start3A_30 : memref<40x128xf32, #tpu.memory_space<vmem_shared>>) target_semaphore(%arg15 : memref<!tpu.dma_semaphore, #tpu.memory_space<semaphore_mem>>)
    %add3A_31 = arith.constant 80 : i32
    %add3A_32 = arith.addi %mul3A_18, %add3A_31 : i32
    %dma_start3A_33 = arith.constant 0 : i32
    %dma_start3A_34 = tpu.memref_slice %arg13[%add3A_32, %dma_start3A_33] : memref<10000x128xf32, #tpu.memory_space<vmem_shared>> -> memref<40x128xf32, #tpu.memory_space<vmem_shared>>
    %dma_start3A_35 = arith.constant 0 : i32
    %dma_start3A_36 = tpu.memref_slice %arg13[%add3A_32, %dma_start3A_35] : memref<10000x128xf32, #tpu.memory_space<vmem_shared>> -> memref<40x128xf32, #tpu.memory_space<vmem_shared>>
    tpu.enqueue_dma source(%arg8 : memref<40x128xf32, #tpu.memory_space<vmem>>) target(%dma_start3A_36 : memref<40x128xf32, #tpu.memory_space<vmem_shared>>) target_semaphore(%arg15 : memref<!tpu.dma_semaphore, #tpu.memory_space<semaphore_mem>>)
    %add3A_37 = arith.constant 120 : i32
    %add3A_38 = arith.addi %mul3A_18, %add3A_37 : i32
    %dma_start3A_39 = arith.constant 0 : i32
    %dma_start3A_40 = tpu.memref_slice %arg13[%add3A_38, %dma_start3A_39] : memref<10000x128xf32, #tpu.memory_space<vmem_shared>> -> memref<40x128xf32, #tpu.memory_space<vmem_shared>>
    %dma_start3A_41 = arith.constant 0 : i32
    %dma_start3A_42 = tpu.memref_slice %arg13[%add3A_38, %dma_start3A_41] : memref<10000x128xf32, #tpu.memory_space<vmem_shared>> -> memref<40x128xf32, #tpu.memory_space<vmem_shared>>
    tpu.enqueue_dma source(%arg8 : memref<40x128xf32, #tpu.memory_space<vmem>>) target(%dma_start3A_42 : memref<40x128xf32, #tpu.memory_space<vmem_shared>>) target_semaphore(%arg15 : memref<!tpu.dma_semaphore, #tpu.memory_space<semaphore_mem>>)
    %add3A_43 = arith.constant 160 : i32
    %add3A_44 = arith.addi %mul3A_18, %add3A_43 : i32
    %dma_start3A_45 = arith.constant 0 : i32
    %dma_start3A_46 = tpu.memref_slice %arg13[%add3A_44, %dma_start3A_45] : memref<10000x128xf32, #tpu.memory_space<vmem_shared>> -> memref<40x128xf32, #tpu.memory_space<vmem_shared>>
    %dma_start3A_47 = arith.constant 0 : i32
    %dma_start3A_48 = tpu.memref_slice %arg13[%add3A_44, %dma_start3A_47] : memref<10000x128xf32, #tpu.memory_space<vmem_shared>> -> memref<40x128xf32, #tpu.memory_space<vmem_shared>>
    tpu.enqueue_dma source(%arg8 : memref<40x128xf32, #tpu.memory_space<vmem>>) target(%dma_start3A_48 : memref<40x128xf32, #tpu.memory_space<vmem_shared>>) target_semaphore(%arg15 : memref<!tpu.dma_semaphore, #tpu.memory_space<semaphore_mem>>)
    %add3A_49 = arith.constant 200 : i32
    %add3A_50 = arith.addi %mul3A_18, %add3A_49 : i32
    %dma_start3A_51 = arith.constant 0 : i32
    %dma_start3A_52 = tpu.memref_slice %arg13[%add3A_50, %dma_start3A_51] : memref<10000x128xf32, #tpu.memory_space<vmem_shared>> -> memref<40x128xf32, #tpu.memory_space<vmem_shared>>
    %dma_start3A_53 = arith.constant 0 : i32
    %dma_start3A_54 = tpu.memref_slice %arg13[%add3A_50, %dma_start3A_53] : memref<10000x128xf32, #tpu.memory_space<vmem_shared>> -> memref<40x128xf32, #tpu.memory_space<vmem_shared>>
    tpu.enqueue_dma source(%arg8 : memref<40x128xf32, #tpu.memory_space<vmem>>) target(%dma_start3A_54 : memref<40x128xf32, #tpu.memory_space<vmem_shared>>) target_semaphore(%arg15 : memref<!tpu.dma_semaphore, #tpu.memory_space<semaphore_mem>>)
    %add3A_55 = arith.constant 240 : i32
    %add3A_56 = arith.addi %mul3A_18, %add3A_55 : i32
    %dma_start3A_57 = arith.constant 0 : i32
    %dma_start3A_58 = tpu.memref_slice %arg13[%add3A_56, %dma_start3A_57] : memref<10000x128xf32, #tpu.memory_space<vmem_shared>> -> memref<40x128xf32, #tpu.memory_space<vmem_shared>>
    %dma_start3A_59 = arith.constant 0 : i32
    %dma_start3A_60 = tpu.memref_slice %arg13[%add3A_56, %dma_start3A_59] : memref<10000x128xf32, #tpu.memory_space<vmem_shared>> -> memref<40x128xf32, #tpu.memory_space<vmem_shared>>
    tpu.enqueue_dma source(%arg8 : memref<40x128xf32, #tpu.memory_space<vmem>>) target(%dma_start3A_60 : memref<40x128xf32, #tpu.memory_space<vmem_shared>>) target_semaphore(%arg15 : memref<!tpu.dma_semaphore, #tpu.memory_space<semaphore_mem>>)
    %add3A_61 = arith.constant 280 : i32
    %add3A_62 = arith.addi %mul3A_18, %add3A_61 : i32
    %dma_start3A_63 = arith.constant 0 : i32
    %dma_start3A_64 = tpu.memref_slice %arg13[%add3A_62, %dma_start3A_63] : memref<10000x128xf32, #tpu.memory_space<vmem_shared>> -> memref<40x128xf32, #tpu.memory_space<vmem_shared>>
    %dma_start3A_65 = arith.constant 0 : i32
    %dma_start3A_66 = tpu.memref_slice %arg13[%add3A_62, %dma_start3A_65] : memref<10000x128xf32, #tpu.memory_space<vmem_shared>> -> memref<40x128xf32, #tpu.memory_space<vmem_shared>>
    tpu.enqueue_dma source(%arg8 : memref<40x128xf32, #tpu.memory_space<vmem>>) target(%dma_start3A_66 : memref<40x128xf32, #tpu.memory_space<vmem_shared>>) target_semaphore(%arg15 : memref<!tpu.dma_semaphore, #tpu.memory_space<semaphore_mem>>)
    %add3A_67 = arith.constant 320 : i32
    %add3A_68 = arith.addi %mul3A_18, %add3A_67 : i32
    %dma_start3A_69 = arith.constant 0 : i32
    %dma_start3A_70 = tpu.memref_slice %arg13[%add3A_68, %dma_start3A_69] : memref<10000x128xf32, #tpu.memory_space<vmem_shared>> -> memref<40x128xf32, #tpu.memory_space<vmem_shared>>
    %dma_start3A_71 = arith.constant 0 : i32
    %dma_start3A_72 = tpu.memref_slice %arg13[%add3A_68, %dma_start3A_71] : memref<10000x128xf32, #tpu.memory_space<vmem_shared>> -> memref<40x128xf32, #tpu.memory_space<vmem_shared>>
    tpu.enqueue_dma source(%arg8 : memref<40x128xf32, #tpu.memory_space<vmem>>) target(%dma_start3A_72 : memref<40x128xf32, #tpu.memory_space<vmem_shared>>) target_semaphore(%arg15 : memref<!tpu.dma_semaphore, #tpu.memory_space<semaphore_mem>>)
    %add3A_73 = arith.constant 360 : i32
    %add3A_74 = arith.addi %mul3A_18, %add3A_73 : i32
    %dma_start3A_75 = arith.constant 0 : i32
    %dma_start3A_76 = tpu.memref_slice %arg13[%add3A_74, %dma_start3A_75] : memref<10000x128xf32, #tpu.memory_space<vmem_shared>> -> memref<40x128xf32, #tpu.memory_space<vmem_shared>>
    %dma_start3A_77 = arith.constant 0 : i32
    %dma_start3A_78 = tpu.memref_slice %arg13[%add3A_74, %dma_start3A_77] : memref<10000x128xf32, #tpu.memory_space<vmem_shared>> -> memref<40x128xf32, #tpu.memory_space<vmem_shared>>
    tpu.enqueue_dma source(%arg8 : memref<40x128xf32, #tpu.memory_space<vmem>>) target(%dma_start3A_78 : memref<40x128xf32, #tpu.memory_space<vmem_shared>>) target_semaphore(%arg15 : memref<!tpu.dma_semaphore, #tpu.memory_space<semaphore_mem>>)
    %add3A_79 = arith.constant 400 : i32
    %add3A_80 = arith.addi %mul3A_18, %add3A_79 : i32
    %dma_start3A_81 = arith.constant 0 : i32
    %dma_start3A_82 = tpu.memref_slice %arg13[%add3A_80, %dma_start3A_81] : memref<10000x128xf32, #tpu.memory_space<vmem_shared>> -> memref<40x128xf32, #tpu.memory_space<vmem_shared>>
    %dma_start3A_83 = arith.constant 0 : i32
    %dma_start3A_84 = tpu.memref_slice %arg13[%add3A_80, %dma_start3A_83] : memref<10000x128xf32, #tpu.memory_space<vmem_shared>> -> memref<40x128xf32, #tpu.memory_space<vmem_shared>>
    tpu.enqueue_dma source(%arg8 : memref<40x128xf32, #tpu.memory_space<vmem>>) target(%dma_start3A_84 : memref<40x128xf32, #tpu.memory_space<vmem_shared>>) target_semaphore(%arg15 : memref<!tpu.dma_semaphore, #tpu.memory_space<semaphore_mem>>)
    %add3A_85 = arith.constant 440 : i32
    %add3A_86 = arith.addi %mul3A_18, %add3A_85 : i32
    %dma_start3A_87 = arith.constant 0 : i32
    %dma_start3A_88 = tpu.memref_slice %arg13[%add3A_86, %dma_start3A_87] : memref<10000x128xf32, #tpu.memory_space<vmem_shared>> -> memref<40x128xf32, #tpu.memory_space<vmem_shared>>
    %dma_start3A_89 = arith.constant 0 : i32
    %dma_start3A_90 = tpu.memref_slice %arg13[%add3A_86, %dma_start3A_89] : memref<10000x128xf32, #tpu.memory_space<vmem_shared>> -> memref<40x128xf32, #tpu.memory_space<vmem_shared>>
    tpu.enqueue_dma source(%arg8 : memref<40x128xf32, #tpu.memory_space<vmem>>) target(%dma_start3A_90 : memref<40x128xf32, #tpu.memory_space<vmem_shared>>) target_semaphore(%arg15 : memref<!tpu.dma_semaphore, #tpu.memory_space<semaphore_mem>>)
    %add3A_91 = arith.constant 480 : i32
    %add3A_92 = arith.addi %mul3A_18, %add3A_91 : i32
    %dma_start3A_93 = arith.constant 0 : i32
    %dma_start3A_94 = tpu.memref_slice %arg13[%add3A_92, %dma_start3A_93] : memref<10000x128xf32, #tpu.memory_space<vmem_shared>> -> memref<40x128xf32, #tpu.memory_space<vmem_shared>>
    %dma_start3A_95 = arith.constant 0 : i32
    %dma_start3A_96 = tpu.memref_slice %arg13[%add3A_92, %dma_start3A_95] : memref<10000x128xf32, #tpu.memory_space<vmem_shared>> -> memref<40x128xf32, #tpu.memory_space<vmem_shared>>
    tpu.enqueue_dma source(%arg8 : memref<40x128xf32, #tpu.memory_space<vmem>>) target(%dma_start3A_96 : memref<40x128xf32, #tpu.memory_space<vmem_shared>>) target_semaphore(%arg15 : memref<!tpu.dma_semaphore, #tpu.memory_space<semaphore_mem>>)
    %add3A_97 = arith.constant 520 : i32
    %add3A_98 = arith.addi %mul3A_18, %add3A_97 : i32
    %dma_start3A_99 = arith.constant 0 : i32
    %dma_start3A_100 = tpu.memref_slice %arg13[%add3A_98, %dma_start3A_99] : memref<10000x128xf32, #tpu.memory_space<vmem_shared>> -> memref<40x128xf32, #tpu.memory_space<vmem_shared>>
    %dma_start3A_101 = arith.constant 0 : i32
    %dma_start3A_102 = tpu.memref_slice %arg13[%add3A_98, %dma_start3A_101] : memref<10000x128xf32, #tpu.memory_space<vmem_shared>> -> memref<40x128xf32, #tpu.memory_space<vmem_shared>>
    tpu.enqueue_dma source(%arg8 : memref<40x128xf32, #tpu.memory_space<vmem>>) target(%dma_start3A_102 : memref<40x128xf32, #tpu.memory_space<vmem_shared>>) target_semaphore(%arg15 : memref<!tpu.dma_semaphore, #tpu.memory_space<semaphore_mem>>)
    %add3A_103 = arith.constant 560 : i32
    %add3A_104 = arith.addi %mul3A_18, %add3A_103 : i32
    %dma_start3A_105 = arith.constant 0 : i32
    %dma_start3A_106 = tpu.memref_slice %arg13[%add3A_104, %dma_start3A_105] : memref<10000x128xf32, #tpu.memory_space<vmem_shared>> -> memref<40x128xf32, #tpu.memory_space<vmem_shared>>
    %dma_start3A_107 = arith.constant 0 : i32
    %dma_start3A_108 = tpu.memref_slice %arg13[%add3A_104, %dma_start3A_107] : memref<10000x128xf32, #tpu.memory_space<vmem_shared>> -> memref<40x128xf32, #tpu.memory_space<vmem_shared>>
    tpu.enqueue_dma source(%arg8 : memref<40x128xf32, #tpu.memory_space<vmem>>) target(%dma_start3A_108 : memref<40x128xf32, #tpu.memory_space<vmem_shared>>) target_semaphore(%arg15 : memref<!tpu.dma_semaphore, #tpu.memory_space<semaphore_mem>>)
    %add3A_109 = arith.constant 625 : i32
    %add3A_110 = arith.addi %mul3A_18, %add3A_109 : i32
    %sub3A = arith.constant 25 : i32
    %sub3A_111 = arith.subi %add3A_110, %sub3A : i32
    "tpu.region"() ({
      %run_scoped3A = tpu.sem_alloc : memref<!tpu.dma_semaphore, #tpu.memory_space<semaphore_mem>>
      %dma_start3A_256 = arith.constant 0 : i32
      %dma_start3A_257 = arith.constant 0 : i32
      %dma_start3A_258 = tpu.memref_slice %arg8[%dma_start3A_256, %dma_start3A_257] : memref<40x128xf32, #tpu.memory_space<vmem>> -> memref<25x128xf32, #tpu.memory_space<vmem>>
      %dma_start3A_259 = arith.constant 0 : i32
      %dma_start3A_260 = tpu.memref_slice %arg13[%sub3A_111, %dma_start3A_259] : memref<10000x128xf32, #tpu.memory_space<vmem_shared>> -> memref<25x128xf32, #tpu.memory_space<vmem_shared>>
      %dma_start3A_261 = arith.constant 0 : i32
      %dma_start3A_262 = tpu.memref_slice %arg13[%sub3A_111, %dma_start3A_261] : memref<10000x128xf32, #tpu.memory_space<vmem_shared>> -> memref<25x128xf32, #tpu.memory_space<vmem_shared>>
      %dma_start3A_263 = arith.constant 0 : i32
      %dma_start3A_264 = arith.constant 0 : i32
      %dma_start3A_265 = tpu.memref_slice %arg8[%dma_start3A_263, %dma_start3A_264] : memref<40x128xf32, #tpu.memory_space<vmem>> -> memref<25x128xf32, #tpu.memory_space<vmem>>
      tpu.enqueue_dma source(%dma_start3A_265 : memref<25x128xf32, #tpu.memory_space<vmem>>) target(%dma_start3A_262 : memref<25x128xf32, #tpu.memory_space<vmem_shared>>) target_semaphore(%run_scoped3A : memref<!tpu.dma_semaphore, #tpu.memory_space<semaphore_mem>>)
      %dma_wait3A_266 = arith.constant 0 : i32
      %dma_wait3A_267 = arith.constant 0 : i32
      %dma_wait3A_268 = tpu.memref_slice %arg8[%dma_wait3A_266, %dma_wait3A_267] : memref<40x128xf32, #tpu.memory_space<vmem>> -> memref<25x128xf32, #tpu.memory_space<vmem>>
      %dma_wait3A_269 = arith.constant 0 : i32
      %dma_wait3A_270 = tpu.memref_slice %arg13[%sub3A_111, %dma_wait3A_269] : memref<10000x128xf32, #tpu.memory_space<vmem_shared>> -> memref<25x128xf32, #tpu.memory_space<vmem_shared>>
      %dma_wait3A_271 = arith.constant 0 : i32
      %dma_wait3A_272 = tpu.memref_slice %arg13[%sub3A_111, %dma_wait3A_271] : memref<10000x128xf32, #tpu.memory_space<vmem_shared>> -> memref<25x128xf32, #tpu.memory_space<vmem_shared>>
      %dma_wait3A_273 = arith.constant 0 : i32
      %dma_wait3A_274 = arith.constant 0 : i32
      %dma_wait3A_275 = tpu.memref_slice %arg8[%dma_wait3A_273, %dma_wait3A_274] : memref<40x128xf32, #tpu.memory_space<vmem>> -> memref<25x128xf32, #tpu.memory_space<vmem>>
      tpu.wait_dma2 semaphore(%run_scoped3A : memref<!tpu.dma_semaphore, #tpu.memory_space<semaphore_mem>>) src(%dma_wait3A_275 : memref<25x128xf32, #tpu.memory_space<vmem>>) dst(%dma_wait3A_272 : memref<25x128xf32, #tpu.memory_space<vmem_shared>>)
      tpu.yield
    }) : () -> ()
    %add3A_112 = arith.constant 0 : i32
    %add3A_113 = arith.addi %mul3A_18, %add3A_112 : i32
    %dma_wait3A = arith.constant 0 : i32
    %dma_wait3A_114 = tpu.memref_slice %arg13[%add3A_113, %dma_wait3A] : memref<10000x128xf32, #tpu.memory_space<vmem_shared>> -> memref<40x128xf32, #tpu.memory_space<vmem_shared>>
    %dma_wait3A_115 = arith.constant 0 : i32
    %dma_wait3A_116 = tpu.memref_slice %arg13[%add3A_113, %dma_wait3A_115] : memref<10000x128xf32, #tpu.memory_space<vmem_shared>> -> memref<40x128xf32, #tpu.memory_space<vmem_shared>>
    tpu.wait_dma2 semaphore(%arg15 : memref<!tpu.dma_semaphore, #tpu.memory_space<semaphore_mem>>) src(%arg8 : memref<40x128xf32, #tpu.memory_space<vmem>>) dst(%dma_wait3A_116 : memref<40x128xf32, #tpu.memory_space<vmem_shared>>)
    %add3A_117 = arith.constant 40 : i32
    %add3A_118 = arith.addi %mul3A_18, %add3A_117 : i32
    %dma_wait3A_119 = arith.constant 0 : i32
    %dma_wait3A_120 = tpu.memref_slice %arg13[%add3A_118, %dma_wait3A_119] : memref<10000x128xf32, #tpu.memory_space<vmem_shared>> -> memref<40x128xf32, #tpu.memory_space<vmem_shared>>
    %dma_wait3A_121 = arith.constant 0 : i32
    %dma_wait3A_122 = tpu.memref_slice %arg13[%add3A_118, %dma_wait3A_121] : memref<10000x128xf32, #tpu.memory_space<vmem_shared>> -> memref<40x128xf32, #tpu.memory_space<vmem_shared>>
    tpu.wait_dma2 semaphore(%arg15 : memref<!tpu.dma_semaphore, #tpu.memory_space<semaphore_mem>>) src(%arg8 : memref<40x128xf32, #tpu.memory_space<vmem>>) dst(%dma_wait3A_122 : memref<40x128xf32, #tpu.memory_space<vmem_shared>>)
    %add3A_123 = arith.constant 80 : i32
    %add3A_124 = arith.addi %mul3A_18, %add3A_123 : i32
    %dma_wait3A_125 = arith.constant 0 : i32
    %dma_wait3A_126 = tpu.memref_slice %arg13[%add3A_124, %dma_wait3A_125] : memref<10000x128xf32, #tpu.memory_space<vmem_shared>> -> memref<40x128xf32, #tpu.memory_space<vmem_shared>>
    %dma_wait3A_127 = arith.constant 0 : i32
    %dma_wait3A_128 = tpu.memref_slice %arg13[%add3A_124, %dma_wait3A_127] : memref<10000x128xf32, #tpu.memory_space<vmem_shared>> -> memref<40x128xf32, #tpu.memory_space<vmem_shared>>
    tpu.wait_dma2 semaphore(%arg15 : memref<!tpu.dma_semaphore, #tpu.memory_space<semaphore_mem>>) src(%arg8 : memref<40x128xf32, #tpu.memory_space<vmem>>) dst(%dma_wait3A_128 : memref<40x128xf32, #tpu.memory_space<vmem_shared>>)
    %add3A_129 = arith.constant 120 : i32
    %add3A_130 = arith.addi %mul3A_18, %add3A_129 : i32
    %dma_wait3A_131 = arith.constant 0 : i32
    %dma_wait3A_132 = tpu.memref_slice %arg13[%add3A_130, %dma_wait3A_131] : memref<10000x128xf32, #tpu.memory_space<vmem_shared>> -> memref<40x128xf32, #tpu.memory_space<vmem_shared>>
    %dma_wait3A_133 = arith.constant 0 : i32
    %dma_wait3A_134 = tpu.memref_slice %arg13[%add3A_130, %dma_wait3A_133] : memref<10000x128xf32, #tpu.memory_space<vmem_shared>> -> memref<40x128xf32, #tpu.memory_space<vmem_shared>>
    tpu.wait_dma2 semaphore(%arg15 : memref<!tpu.dma_semaphore, #tpu.memory_space<semaphore_mem>>) src(%arg8 : memref<40x128xf32, #tpu.memory_space<vmem>>) dst(%dma_wait3A_134 : memref<40x128xf32, #tpu.memory_space<vmem_shared>>)
    %add3A_135 = arith.constant 160 : i32
    %add3A_136 = arith.addi %mul3A_18, %add3A_135 : i32
    %dma_wait3A_137 = arith.constant 0 : i32
    %dma_wait3A_138 = tpu.memref_slice %arg13[%add3A_136, %dma_wait3A_137] : memref<10000x128xf32, #tpu.memory_space<vmem_shared>> -> memref<40x128xf32, #tpu.memory_space<vmem_shared>>
    %dma_wait3A_139 = arith.constant 0 : i32
    %dma_wait3A_140 = tpu.memref_slice %arg13[%add3A_136, %dma_wait3A_139] : memref<10000x128xf32, #tpu.memory_space<vmem_shared>> -> memref<40x128xf32, #tpu.memory_space<vmem_shared>>
    tpu.wait_dma2 semaphore(%arg15 : memref<!tpu.dma_semaphore, #tpu.memory_space<semaphore_mem>>) src(%arg8 : memref<40x128xf32, #tpu.memory_space<vmem>>) dst(%dma_wait3A_140 : memref<40x128xf32, #tpu.memory_space<vmem_shared>>)
    %add3A_141 = arith.constant 200 : i32
    %add3A_142 = arith.addi %mul3A_18, %add3A_141 : i32
    %dma_wait3A_143 = arith.constant 0 : i32
    %dma_wait3A_144 = tpu.memref_slice %arg13[%add3A_142, %dma_wait3A_143] : memref<10000x128xf32, #tpu.memory_space<vmem_shared>> -> memref<40x128xf32, #tpu.memory_space<vmem_shared>>
    %dma_wait3A_145 = arith.constant 0 : i32
    %dma_wait3A_146 = tpu.memref_slice %arg13[%add3A_142, %dma_wait3A_145] : memref<10000x128xf32, #tpu.memory_space<vmem_shared>> -> memref<40x128xf32, #tpu.memory_space<vmem_shared>>
    tpu.wait_dma2 semaphore(%arg15 : memref<!tpu.dma_semaphore, #tpu.memory_space<semaphore_mem>>) src(%arg8 : memref<40x128xf32, #tpu.memory_space<vmem>>) dst(%dma_wait3A_146 : memref<40x128xf32, #tpu.memory_space<vmem_shared>>)
    %add3A_147 = arith.constant 240 : i32
    %add3A_148 = arith.addi %mul3A_18, %add3A_147 : i32
    %dma_wait3A_149 = arith.constant 0 : i32
    %dma_wait3A_150 = tpu.memref_slice %arg13[%add3A_148, %dma_wait3A_149] : memref<10000x128xf32, #tpu.memory_space<vmem_shared>> -> memref<40x128xf32, #tpu.memory_space<vmem_shared>>
    %dma_wait3A_151 = arith.constant 0 : i32
    %dma_wait3A_152 = tpu.memref_slice %arg13[%add3A_148, %dma_wait3A_151] : memref<10000x128xf32, #tpu.memory_space<vmem_shared>> -> memref<40x128xf32, #tpu.memory_space<vmem_shared>>
    tpu.wait_dma2 semaphore(%arg15 : memref<!tpu.dma_semaphore, #tpu.memory_space<semaphore_mem>>) src(%arg8 : memref<40x128xf32, #tpu.memory_space<vmem>>) dst(%dma_wait3A_152 : memref<40x128xf32, #tpu.memory_space<vmem_shared>>)
    %add3A_153 = arith.constant 280 : i32
    %add3A_154 = arith.addi %mul3A_18, %add3A_153 : i32
    %dma_wait3A_155 = arith.constant 0 : i32
    %dma_wait3A_156 = tpu.memref_slice %arg13[%add3A_154, %dma_wait3A_155] : memref<10000x128xf32, #tpu.memory_space<vmem_shared>> -> memref<40x128xf32, #tpu.memory_space<vmem_shared>>
    %dma_wait3A_157 = arith.constant 0 : i32
    %dma_wait3A_158 = tpu.memref_slice %arg13[%add3A_154, %dma_wait3A_157] : memref<10000x128xf32, #tpu.memory_space<vmem_shared>> -> memref<40x128xf32, #tpu.memory_space<vmem_shared>>
    tpu.wait_dma2 semaphore(%arg15 : memref<!tpu.dma_semaphore, #tpu.memory_space<semaphore_mem>>) src(%arg8 : memref<40x128xf32, #tpu.memory_space<vmem>>) dst(%dma_wait3A_158 : memref<40x128xf32, #tpu.memory_space<vmem_shared>>)
    %add3A_159 = arith.constant 320 : i32
    %add3A_160 = arith.addi %mul3A_18, %add3A_159 : i32
    %dma_wait3A_161 = arith.constant 0 : i32
    %dma_wait3A_162 = tpu.memref_slice %arg13[%add3A_160, %dma_wait3A_161] : memref<10000x128xf32, #tpu.memory_space<vmem_shared>> -> memref<40x128xf32, #tpu.memory_space<vmem_shared>>
    %dma_wait3A_163 = arith.constant 0 : i32
    %dma_wait3A_164 = tpu.memref_slice %arg13[%add3A_160, %dma_wait3A_163] : memref<10000x128xf32, #tpu.memory_space<vmem_shared>> -> memref<40x128xf32, #tpu.memory_space<vmem_shared>>
    tpu.wait_dma2 semaphore(%arg15 : memref<!tpu.dma_semaphore, #tpu.memory_space<semaphore_mem>>) src(%arg8 : memref<40x128xf32, #tpu.memory_space<vmem>>) dst(%dma_wait3A_164 : memref<40x128xf32, #tpu.memory_space<vmem_shared>>)
    %add3A_165 = arith.constant 360 : i32
    %add3A_166 = arith.addi %mul3A_18, %add3A_165 : i32
    %dma_wait3A_167 = arith.constant 0 : i32
    %dma_wait3A_168 = tpu.memref_slice %arg13[%add3A_166, %dma_wait3A_167] : memref<10000x128xf32, #tpu.memory_space<vmem_shared>> -> memref<40x128xf32, #tpu.memory_space<vmem_shared>>
    %dma_wait3A_169 = arith.constant 0 : i32
    %dma_wait3A_170 = tpu.memref_slice %arg13[%add3A_166, %dma_wait3A_169] : memref<10000x128xf32, #tpu.memory_space<vmem_shared>> -> memref<40x128xf32, #tpu.memory_space<vmem_shared>>
    tpu.wait_dma2 semaphore(%arg15 : memref<!tpu.dma_semaphore, #tpu.memory_space<semaphore_mem>>) src(%arg8 : memref<40x128xf32, #tpu.memory_space<vmem>>) dst(%dma_wait3A_170 : memref<40x128xf32, #tpu.memory_space<vmem_shared>>)
    %add3A_171 = arith.constant 400 : i32
    %add3A_172 = arith.addi %mul3A_18, %add3A_171 : i32
    %dma_wait3A_173 = arith.constant 0 : i32
    %dma_wait3A_174 = tpu.memref_slice %arg13[%add3A_172, %dma_wait3A_173] : memref<10000x128xf32, #tpu.memory_space<vmem_shared>> -> memref<40x128xf32, #tpu.memory_space<vmem_shared>>
    %dma_wait3A_175 = arith.constant 0 : i32
    %dma_wait3A_176 = tpu.memref_slice %arg13[%add3A_172, %dma_wait3A_175] : memref<10000x128xf32, #tpu.memory_space<vmem_shared>> -> memref<40x128xf32, #tpu.memory_space<vmem_shared>>
    tpu.wait_dma2 semaphore(%arg15 : memref<!tpu.dma_semaphore, #tpu.memory_space<semaphore_mem>>) src(%arg8 : memref<40x128xf32, #tpu.memory_space<vmem>>) dst(%dma_wait3A_176 : memref<40x128xf32, #tpu.memory_space<vmem_shared>>)
    %add3A_177 = arith.constant 440 : i32
    %add3A_178 = arith.addi %mul3A_18, %add3A_177 : i32
    %dma_wait3A_179 = arith.constant 0 : i32
    %dma_wait3A_180 = tpu.memref_slice %arg13[%add3A_178, %dma_wait3A_179] : memref<10000x128xf32, #tpu.memory_space<vmem_shared>> -> memref<40x128xf32, #tpu.memory_space<vmem_shared>>
    %dma_wait3A_181 = arith.constant 0 : i32
    %dma_wait3A_182 = tpu.memref_slice %arg13[%add3A_178, %dma_wait3A_181] : memref<10000x128xf32, #tpu.memory_space<vmem_shared>> -> memref<40x128xf32, #tpu.memory_space<vmem_shared>>
    tpu.wait_dma2 semaphore(%arg15 : memref<!tpu.dma_semaphore, #tpu.memory_space<semaphore_mem>>) src(%arg8 : memref<40x128xf32, #tpu.memory_space<vmem>>) dst(%dma_wait3A_182 : memref<40x128xf32, #tpu.memory_space<vmem_shared>>)
    %add3A_183 = arith.constant 480 : i32
    %add3A_184 = arith.addi %mul3A_18, %add3A_183 : i32
    %dma_wait3A_185 = arith.constant 0 : i32
    %dma_wait3A_186 = tpu.memref_slice %arg13[%add3A_184, %dma_wait3A_185] : memref<10000x128xf32, #tpu.memory_space<vmem_shared>> -> memref<40x128xf32, #tpu.memory_space<vmem_shared>>
    %dma_wait3A_187 = arith.constant 0 : i32
    %dma_wait3A_188 = tpu.memref_slice %arg13[%add3A_184, %dma_wait3A_187] : memref<10000x128xf32, #tpu.memory_space<vmem_shared>> -> memref<40x128xf32, #tpu.memory_space<vmem_shared>>
    tpu.wait_dma2 semaphore(%arg15 : memref<!tpu.dma_semaphore, #tpu.memory_space<semaphore_mem>>) src(%arg8 : memref<40x128xf32, #tpu.memory_space<vmem>>) dst(%dma_wait3A_188 : memref<40x128xf32, #tpu.memory_space<vmem_shared>>)
    %add3A_189 = arith.constant 520 : i32
    %add3A_190 = arith.addi %mul3A_18, %add3A_189 : i32
    %dma_wait3A_191 = arith.constant 0 : i32
    %dma_wait3A_192 = tpu.memref_slice %arg13[%add3A_190, %dma_wait3A_191] : memref<10000x128xf32, #tpu.memory_space<vmem_shared>> -> memref<40x128xf32, #tpu.memory_space<vmem_shared>>
    %dma_wait3A_193 = arith.constant 0 : i32
    %dma_wait3A_194 = tpu.memref_slice %arg13[%add3A_190, %dma_wait3A_193] : memref<10000x128xf32, #tpu.memory_space<vmem_shared>> -> memref<40x128xf32, #tpu.memory_space<vmem_shared>>
    tpu.wait_dma2 semaphore(%arg15 : memref<!tpu.dma_semaphore, #tpu.memory_space<semaphore_mem>>) src(%arg8 : memref<40x128xf32, #tpu.memory_space<vmem>>) dst(%dma_wait3A_194 : memref<40x128xf32, #tpu.memory_space<vmem_shared>>)
    %add3A_195 = arith.constant 560 : i32
    %add3A_196 = arith.addi %mul3A_18, %add3A_195 : i32
    %dma_wait3A_197 = arith.constant 0 : i32
    %dma_wait3A_198 = tpu.memref_slice %arg13[%add3A_196, %dma_wait3A_197] : memref<10000x128xf32, #tpu.memory_space<vmem_shared>> -> memref<40x128xf32, #tpu.memory_space<vmem_shared>>
    %dma_wait3A_199 = arith.constant 0 : i32
    %dma_wait3A_200 = tpu.memref_slice %arg13[%add3A_196, %dma_wait3A_199] : memref<10000x128xf32, #tpu.memory_space<vmem_shared>> -> memref<40x128xf32, #tpu.memory_space<vmem_shared>>
    tpu.wait_dma2 semaphore(%arg15 : memref<!tpu.dma_semaphore, #tpu.memory_space<semaphore_mem>>) src(%arg8 : memref<40x128xf32, #tpu.memory_space<vmem>>) dst(%dma_wait3A_200 : memref<40x128xf32, #tpu.memory_space<vmem_shared>>)
    %dma_wait3A_201 = arith.constant 0 : i32
    %dma_wait3A_202 = tpu.memref_slice %arg3[%mul3A_2, %dma_wait3A_201] : memref<8000x40xi32, #tpu.memory_space<hbm>> -> memref<250x40xi32, #tpu.memory_space<hbm>>
    %dma_wait3A_203 = arith.constant 0 : i32
    %dma_wait3A_204 = tpu.memref_slice %arg3[%mul3A_2, %dma_wait3A_203] : memref<8000x40xi32, #tpu.memory_space<hbm>> -> memref<250x40xi32, #tpu.memory_space<hbm>>
    tpu.wait_dma2 semaphore(%arg14 : memref<!tpu.dma_semaphore, #tpu.memory_space<semaphore_mem>>) src(%dma_wait3A_204 : memref<250x40xi32, #tpu.memory_space<hbm>>) dst(%arg6 : memref<250x40xi32, #tpu.memory_space<vmem>>)
    %dma_wait3A_205 = arith.constant 0 : i32
    %dma_wait3A_206 = tpu.memref_slice %arg4[%mul3A_2, %dma_wait3A_205] : memref<8000x40xi32, #tpu.memory_space<hbm>> -> memref<250x40xi32, #tpu.memory_space<hbm>>
    %dma_wait3A_207 = arith.constant 0 : i32
    %dma_wait3A_208 = tpu.memref_slice %arg4[%mul3A_2, %dma_wait3A_207] : memref<8000x40xi32, #tpu.memory_space<hbm>> -> memref<250x40xi32, #tpu.memory_space<hbm>>
    tpu.wait_dma2 semaphore(%arg14 : memref<!tpu.dma_semaphore, #tpu.memory_space<semaphore_mem>>) src(%dma_wait3A_208 : memref<250x40xi32, #tpu.memory_space<hbm>>) dst(%arg7 : memref<250x40xi32, #tpu.memory_space<vmem>>)
    %dma_start3A_209 = arith.constant 0 : i32
    %dma_start3A_210 = arith.constant 0 : i32
    %dma_start3A_211 = tpu.memref_slice %arg6[%dma_start3A_209, %dma_start3A_210] : memref<250x40xi32, #tpu.memory_space<vmem>> -> memref<1x40xi32, #tpu.memory_space<vmem>>
    %dma_start3A_212 = tpu.memref_squeeze %dma_start3A_211 : memref<1x40xi32, #tpu.memory_space<vmem>> -> memref<40xi32, #tpu.memory_space<vmem>>
    %dma_start3A_213 = arith.constant 0 : i32
    %dma_start3A_214 = arith.constant 0 : i32
    %dma_start3A_215 = tpu.memref_slice %arg2[%dma_start3A_213, %dma_start3A_214] : memref<10000x128xf32, #tpu.memory_space<hbm>> -> memref<10000x128xf32, #tpu.memory_space<hbm>>
    tpu.enqueue_indirect_dma source(%dma_start3A_215 : memref<10000x128xf32, #tpu.memory_space<hbm>>) target(%arg8 : memref<40x128xf32, #tpu.memory_space<vmem>>) offsets(%dma_start3A_212 : memref<40xi32, #tpu.memory_space<vmem>>) semaphore(%arg15 : memref<!tpu.dma_semaphore, #tpu.memory_space<semaphore_mem>>)
    %dma_start3A_216 = arith.constant 1 : i32
    %dma_start3A_217 = arith.constant 0 : i32
    %dma_start3A_218 = tpu.memref_slice %arg6[%dma_start3A_216, %dma_start3A_217] : memref<250x40xi32, #tpu.memory_space<vmem>> -> memref<1x40xi32, #tpu.memory_space<vmem>>
    %dma_start3A_219 = tpu.memref_squeeze %dma_start3A_218 : memref<1x40xi32, #tpu.memory_space<vmem>> -> memref<40xi32, #tpu.memory_space<vmem>>
    %dma_start3A_220 = arith.constant 0 : i32
    %dma_start3A_221 = arith.constant 0 : i32
    %dma_start3A_222 = tpu.memref_slice %arg2[%dma_start3A_220, %dma_start3A_221] : memref<10000x128xf32, #tpu.memory_space<hbm>> -> memref<10000x128xf32, #tpu.memory_space<hbm>>
    tpu.enqueue_indirect_dma source(%dma_start3A_222 : memref<10000x128xf32, #tpu.memory_space<hbm>>) target(%arg9 : memref<40x128xf32, #tpu.memory_space<vmem>>) offsets(%dma_start3A_219 : memref<40xi32, #tpu.memory_space<vmem>>) semaphore(%arg16 : memref<!tpu.dma_semaphore, #tpu.memory_space<semaphore_mem>>)
    %dma_start3A_223 = arith.constant 2 : i32
    %dma_start3A_224 = arith.constant 0 : i32
    %dma_start3A_225 = tpu.memref_slice %arg6[%dma_start3A_223, %dma_start3A_224] : memref<250x40xi32, #tpu.memory_space<vmem>> -> memref<1x40xi32, #tpu.memory_space<vmem>>
    %dma_start3A_226 = tpu.memref_squeeze %dma_start3A_225 : memref<1x40xi32, #tpu.memory_space<vmem>> -> memref<40xi32, #tpu.memory_space<vmem>>
    %dma_start3A_227 = arith.constant 0 : i32
    %dma_start3A_228 = arith.constant 0 : i32
    %dma_start3A_229 = tpu.memref_slice %arg2[%dma_start3A_227, %dma_start3A_228] : memref<10000x128xf32, #tpu.memory_space<hbm>> -> memref<10000x128xf32, #tpu.memory_space<hbm>>
    tpu.enqueue_indirect_dma source(%dma_start3A_229 : memref<10000x128xf32, #tpu.memory_space<hbm>>) target(%arg10 : memref<40x128xf32, #tpu.memory_space<vmem>>) offsets(%dma_start3A_226 : memref<40xi32, #tpu.memory_space<vmem>>) semaphore(%arg17 : memref<!tpu.dma_semaphore, #tpu.memory_space<semaphore_mem>>)
    %dma_start3A_230 = arith.constant 3 : i32
    %dma_start3A_231 = arith.constant 0 : i32
    %dma_start3A_232 = tpu.memref_slice %arg6[%dma_start3A_230, %dma_start3A_231] : memref<250x40xi32, #tpu.memory_space<vmem>> -> memref<1x40xi32, #tpu.memory_space<vmem>>
    %dma_start3A_233 = tpu.memref_squeeze %dma_start3A_232 : memref<1x40xi32, #tpu.memory_space<vmem>> -> memref<40xi32, #tpu.memory_space<vmem>>
    %dma_start3A_234 = arith.constant 0 : i32
    %dma_start3A_235 = arith.constant 0 : i32
    %dma_start3A_236 = tpu.memref_slice %arg2[%dma_start3A_234, %dma_start3A_235] : memref<10000x128xf32, #tpu.memory_space<hbm>> -> memref<10000x128xf32, #tpu.memory_space<hbm>>
    tpu.enqueue_indirect_dma source(%dma_start3A_236 : memref<10000x128xf32, #tpu.memory_space<hbm>>) target(%arg11 : memref<40x128xf32, #tpu.memory_space<vmem>>) offsets(%dma_start3A_233 : memref<40xi32, #tpu.memory_space<vmem>>) semaphore(%arg18 : memref<!tpu.dma_semaphore, #tpu.memory_space<semaphore_mem>>)
    %dma_start3A_237 = arith.constant 4 : i32
    %dma_start3A_238 = arith.constant 0 : i32
    %dma_start3A_239 = tpu.memref_slice %arg6[%dma_start3A_237, %dma_start3A_238] : memref<250x40xi32, #tpu.memory_space<vmem>> -> memref<1x40xi32, #tpu.memory_space<vmem>>
    %dma_start3A_240 = tpu.memref_squeeze %dma_start3A_239 : memref<1x40xi32, #tpu.memory_space<vmem>> -> memref<40xi32, #tpu.memory_space<vmem>>
    %dma_start3A_241 = arith.constant 0 : i32
    %dma_start3A_242 = arith.constant 0 : i32
    %dma_start3A_243 = tpu.memref_slice %arg2[%dma_start3A_241, %dma_start3A_242] : memref<10000x128xf32, #tpu.memory_space<hbm>> -> memref<10000x128xf32, #tpu.memory_space<hbm>>
    tpu.enqueue_indirect_dma source(%dma_start3A_243 : memref<10000x128xf32, #tpu.memory_space<hbm>>) target(%arg12 : memref<40x128xf32, #tpu.memory_space<vmem>>) offsets(%dma_start3A_240 : memref<40xi32, #tpu.memory_space<vmem>>) semaphore(%arg19 : memref<!tpu.dma_semaphore, #tpu.memory_space<semaphore_mem>>)
    %barrier3A = arith.constant 0 : index
    tpu.barrier barrier_id(%barrier3A)
    %scan3A_244 = arith.constant 0 : i32
    %scan3A_245 = arith.constant 0 : i32
    %scan3A_246 = arith.constant 50 : i32
    %scan3A_247 = arith.addi %scan3A_245, %scan3A_246 : i32
    %scan3A_248 = arith.constant 1 : i32
    %scan3A_249 = scf.for %scan3A_256 = %scan3A_245 to %scan3A_247 step %scan3A_248 iter_args(%scan3A_257 = %scan3A_244) -> (i32)  : i32 {
      %mul3A_258 = arith.constant 5 : i32
      %mul3A_259 = arith.muli %mul3A_258, %scan3A_256 : i32
      %add3A_260 = arith.constant 0 : i32
      %add3A_261 = arith.addi %mul3A_259, %add3A_260 : i32
      %dma_wait3A_262 = arith.constant 0 : i32
      %dma_wait3A_263 = tpu.memref_slice %arg6[%add3A_261, %dma_wait3A_262] : memref<250x40xi32, #tpu.memory_space<vmem>> -> memref<1x40xi32, #tpu.memory_space<vmem>>
      %dma_wait3A_264 = tpu.memref_squeeze %dma_wait3A_263 : memref<1x40xi32, #tpu.memory_space<vmem>> -> memref<40xi32, #tpu.memory_space<vmem>>
      %dma_wait3A_265 = arith.constant 0 : i32
      %dma_wait3A_266 = arith.constant 0 : i32
      %dma_wait3A_267 = tpu.memref_slice %arg2[%dma_wait3A_265, %dma_wait3A_266] : memref<10000x128xf32, #tpu.memory_space<hbm>> -> memref<10000x128xf32, #tpu.memory_space<hbm>>
      tpu.wait_indirect_dma semaphore(%arg15 : memref<!tpu.dma_semaphore, #tpu.memory_space<semaphore_mem>>) src(%dma_wait3A_267 : memref<10000x128xf32, #tpu.memory_space<hbm>>) dst(%arg8 : memref<40x128xf32, #tpu.memory_space<vmem>>)
      %add3A_268 = arith.constant 0 : i32
      %add3A_269 = arith.addi %mul3A_259, %add3A_268 : i32
      %dma_start3A_270 = arith.constant 0 : i32
      %dma_start3A_271 = tpu.memref_slice %arg7[%add3A_269, %dma_start3A_270] : memref<250x40xi32, #tpu.memory_space<vmem>> -> memref<1x40xi32, #tpu.memory_space<vmem>>
      %dma_start3A_272 = tpu.memref_squeeze %dma_start3A_271 : memref<1x40xi32, #tpu.memory_space<vmem>> -> memref<40xi32, #tpu.memory_space<vmem>>
      %dma_start3A_273 = arith.constant 0 : i32
      %dma_start3A_274 = arith.constant 0 : i32
      %dma_start3A_275 = tpu.memref_slice %arg13[%dma_start3A_273, %dma_start3A_274] : memref<10000x128xf32, #tpu.memory_space<vmem_shared>> -> memref<10000x128xf32, #tpu.memory_space<vmem_shared>>
      tpu.enqueue_indirect_dma source(%arg8 : memref<40x128xf32, #tpu.memory_space<vmem>>) target(%dma_start3A_275 : memref<10000x128xf32, #tpu.memory_space<vmem_shared>>) offsets(%dma_start3A_272 : memref<40xi32, #tpu.memory_space<vmem>>) semaphore(%arg20 : memref<!tpu.dma_semaphore, #tpu.memory_space<semaphore_mem>>) {add = true}
      %add3A_276 = arith.constant 1 : i32
      %add3A_277 = arith.addi %mul3A_259, %add3A_276 : i32
      %dma_wait3A_278 = arith.constant 0 : i32
      %dma_wait3A_279 = tpu.memref_slice %arg6[%add3A_277, %dma_wait3A_278] : memref<250x40xi32, #tpu.memory_space<vmem>> -> memref<1x40xi32, #tpu.memory_space<vmem>>
      %dma_wait3A_280 = tpu.memref_squeeze %dma_wait3A_279 : memref<1x40xi32, #tpu.memory_space<vmem>> -> memref<40xi32, #tpu.memory_space<vmem>>
      %dma_wait3A_281 = arith.constant 0 : i32
      %dma_wait3A_282 = arith.constant 0 : i32
      %dma_wait3A_283 = tpu.memref_slice %arg2[%dma_wait3A_281, %dma_wait3A_282] : memref<10000x128xf32, #tpu.memory_space<hbm>> -> memref<10000x128xf32, #tpu.memory_space<hbm>>
      tpu.wait_indirect_dma semaphore(%arg16 : memref<!tpu.dma_semaphore, #tpu.memory_space<semaphore_mem>>) src(%dma_wait3A_283 : memref<10000x128xf32, #tpu.memory_space<hbm>>) dst(%arg9 : memref<40x128xf32, #tpu.memory_space<vmem>>)
      %add3A_284 = arith.constant 1 : i32
      %add3A_285 = arith.addi %mul3A_259, %add3A_284 : i32
      %dma_start3A_286 = arith.constant 0 : i32
      %dma_start3A_287 = tpu.memref_slice %arg7[%add3A_285, %dma_start3A_286] : memref<250x40xi32, #tpu.memory_space<vmem>> -> memref<1x40xi32, #tpu.memory_space<vmem>>
      %dma_start3A_288 = tpu.memref_squeeze %dma_start3A_287 : memref<1x40xi32, #tpu.memory_space<vmem>> -> memref<40xi32, #tpu.memory_space<vmem>>
      %dma_start3A_289 = arith.constant 0 : i32
      %dma_start3A_290 = arith.constant 0 : i32
      %dma_start3A_291 = tpu.memref_slice %arg13[%dma_start3A_289, %dma_start3A_290] : memref<10000x128xf32, #tpu.memory_space<vmem_shared>> -> memref<10000x128xf32, #tpu.memory_space<vmem_shared>>
      tpu.enqueue_indirect_dma source(%arg9 : memref<40x128xf32, #tpu.memory_space<vmem>>) target(%dma_start3A_291 : memref<10000x128xf32, #tpu.memory_space<vmem_shared>>) offsets(%dma_start3A_288 : memref<40xi32, #tpu.memory_space<vmem>>) semaphore(%arg21 : memref<!tpu.dma_semaphore, #tpu.memory_space<semaphore_mem>>) {add = true}
      %add3A_292 = arith.constant 2 : i32
      %add3A_293 = arith.addi %mul3A_259, %add3A_292 : i32
      %dma_wait3A_294 = arith.constant 0 : i32
      %dma_wait3A_295 = tpu.memref_slice %arg6[%add3A_293, %dma_wait3A_294] : memref<250x40xi32, #tpu.memory_space<vmem>> -> memref<1x40xi32, #tpu.memory_space<vmem>>
      %dma_wait3A_296 = tpu.memref_squeeze %dma_wait3A_295 : memref<1x40xi32, #tpu.memory_space<vmem>> -> memref<40xi32, #tpu.memory_space<vmem>>
      %dma_wait3A_297 = arith.constant 0 : i32
      %dma_wait3A_298 = arith.constant 0 : i32
      %dma_wait3A_299 = tpu.memref_slice %arg2[%dma_wait3A_297, %dma_wait3A_298] : memref<10000x128xf32, #tpu.memory_space<hbm>> -> memref<10000x128xf32, #tpu.memory_space<hbm>>
      tpu.wait_indirect_dma semaphore(%arg17 : memref<!tpu.dma_semaphore, #tpu.memory_space<semaphore_mem>>) src(%dma_wait3A_299 : memref<10000x128xf32, #tpu.memory_space<hbm>>) dst(%arg10 : memref<40x128xf32, #tpu.memory_space<vmem>>)
      %add3A_300 = arith.constant 2 : i32
      %add3A_301 = arith.addi %mul3A_259, %add3A_300 : i32
      %dma_start3A_302 = arith.constant 0 : i32
      %dma_start3A_303 = tpu.memref_slice %arg7[%add3A_301, %dma_start3A_302] : memref<250x40xi32, #tpu.memory_space<vmem>> -> memref<1x40xi32, #tpu.memory_space<vmem>>
      %dma_start3A_304 = tpu.memref_squeeze %dma_start3A_303 : memref<1x40xi32, #tpu.memory_space<vmem>> -> memref<40xi32, #tpu.memory_space<vmem>>
      %dma_start3A_305 = arith.constant 0 : i32
      %dma_start3A_306 = arith.constant 0 : i32
      %dma_start3A_307 = tpu.memref_slice %arg13[%dma_start3A_305, %dma_start3A_306] : memref<10000x128xf32, #tpu.memory_space<vmem_shared>> -> memref<10000x128xf32, #tpu.memory_space<vmem_shared>>
      tpu.enqueue_indirect_dma source(%arg10 : memref<40x128xf32, #tpu.memory_space<vmem>>) target(%dma_start3A_307 : memref<10000x128xf32, #tpu.memory_space<vmem_shared>>) offsets(%dma_start3A_304 : memref<40xi32, #tpu.memory_space<vmem>>) semaphore(%arg22 : memref<!tpu.dma_semaphore, #tpu.memory_space<semaphore_mem>>) {add = true}
      %add3A_308 = arith.constant 3 : i32
      %add3A_309 = arith.addi %mul3A_259, %add3A_308 : i32
      %dma_wait3A_310 = arith.constant 0 : i32
      %dma_wait3A_311 = tpu.memref_slice %arg6[%add3A_309, %dma_wait3A_310] : memref<250x40xi32, #tpu.memory_space<vmem>> -> memref<1x40xi32, #tpu.memory_space<vmem>>
      %dma_wait3A_312 = tpu.memref_squeeze %dma_wait3A_311 : memref<1x40xi32, #tpu.memory_space<vmem>> -> memref<40xi32, #tpu.memory_space<vmem>>
      %dma_wait3A_313 = arith.constant 0 : i32
      %dma_wait3A_314 = arith.constant 0 : i32
      %dma_wait3A_315 = tpu.memref_slice %arg2[%dma_wait3A_313, %dma_wait3A_314] : memref<10000x128xf32, #tpu.memory_space<hbm>> -> memref<10000x128xf32, #tpu.memory_space<hbm>>
      tpu.wait_indirect_dma semaphore(%arg18 : memref<!tpu.dma_semaphore, #tpu.memory_space<semaphore_mem>>) src(%dma_wait3A_315 : memref<10000x128xf32, #tpu.memory_space<hbm>>) dst(%arg11 : memref<40x128xf32, #tpu.memory_space<vmem>>)
      %add3A_316 = arith.constant 3 : i32
      %add3A_317 = arith.addi %mul3A_259, %add3A_316 : i32
      %dma_start3A_318 = arith.constant 0 : i32
      %dma_start3A_319 = tpu.memref_slice %arg7[%add3A_317, %dma_start3A_318] : memref<250x40xi32, #tpu.memory_space<vmem>> -> memref<1x40xi32, #tpu.memory_space<vmem>>
      %dma_start3A_320 = tpu.memref_squeeze %dma_start3A_319 : memref<1x40xi32, #tpu.memory_space<vmem>> -> memref<40xi32, #tpu.memory_space<vmem>>
      %dma_start3A_321 = arith.constant 0 : i32
      %dma_start3A_322 = arith.constant 0 : i32
      %dma_start3A_323 = tpu.memref_slice %arg13[%dma_start3A_321, %dma_start3A_322] : memref<10000x128xf32, #tpu.memory_space<vmem_shared>> -> memref<10000x128xf32, #tpu.memory_space<vmem_shared>>
      tpu.enqueue_indirect_dma source(%arg11 : memref<40x128xf32, #tpu.memory_space<vmem>>) target(%dma_start3A_323 : memref<10000x128xf32, #tpu.memory_space<vmem_shared>>) offsets(%dma_start3A_320 : memref<40xi32, #tpu.memory_space<vmem>>) semaphore(%arg23 : memref<!tpu.dma_semaphore, #tpu.memory_space<semaphore_mem>>) {add = true}
      %add3A_324 = arith.constant 4 : i32
      %add3A_325 = arith.addi %mul3A_259, %add3A_324 : i32
      %dma_wait3A_326 = arith.constant 0 : i32
      %dma_wait3A_327 = tpu.memref_slice %arg6[%add3A_325, %dma_wait3A_326] : memref<250x40xi32, #tpu.memory_space<vmem>> -> memref<1x40xi32, #tpu.memory_space<vmem>>
      %dma_wait3A_328 = tpu.memref_squeeze %dma_wait3A_327 : memref<1x40xi32, #tpu.memory_space<vmem>> -> memref<40xi32, #tpu.memory_space<vmem>>
      %dma_wait3A_329 = arith.constant 0 : i32
      %dma_wait3A_330 = arith.constant 0 : i32
      %dma_wait3A_331 = tpu.memref_slice %arg2[%dma_wait3A_329, %dma_wait3A_330] : memref<10000x128xf32, #tpu.memory_space<hbm>> -> memref<10000x128xf32, #tpu.memory_space<hbm>>
      tpu.wait_indirect_dma semaphore(%arg19 : memref<!tpu.dma_semaphore, #tpu.memory_space<semaphore_mem>>) src(%dma_wait3A_331 : memref<10000x128xf32, #tpu.memory_space<hbm>>) dst(%arg12 : memref<40x128xf32, #tpu.memory_space<vmem>>)
      %add3A_332 = arith.constant 4 : i32
      %add3A_333 = arith.addi %mul3A_259, %add3A_332 : i32
      %dma_start3A_334 = arith.constant 0 : i32
      %dma_start3A_335 = tpu.memref_slice %arg7[%add3A_333, %dma_start3A_334] : memref<250x40xi32, #tpu.memory_space<vmem>> -> memref<1x40xi32, #tpu.memory_space<vmem>>
      %dma_start3A_336 = tpu.memref_squeeze %dma_start3A_335 : memref<1x40xi32, #tpu.memory_space<vmem>> -> memref<40xi32, #tpu.memory_space<vmem>>
      %dma_start3A_337 = arith.constant 0 : i32
      %dma_start3A_338 = arith.constant 0 : i32
      %dma_start3A_339 = tpu.memref_slice %arg13[%dma_start3A_337, %dma_start3A_338] : memref<10000x128xf32, #tpu.memory_space<vmem_shared>> -> memref<10000x128xf32, #tpu.memory_space<vmem_shared>>
      tpu.enqueue_indirect_dma source(%arg12 : memref<40x128xf32, #tpu.memory_space<vmem>>) target(%dma_start3A_339 : memref<10000x128xf32, #tpu.memory_space<vmem_shared>>) offsets(%dma_start3A_336 : memref<40xi32, #tpu.memory_space<vmem>>) semaphore(%arg24 : memref<!tpu.dma_semaphore, #tpu.memory_space<semaphore_mem>>) {add = true}
      %add3A_340 = arith.constant 0 : i32
      %add3A_341 = arith.addi %mul3A_259, %add3A_340 : i32
      %dma_wait3A_342 = arith.constant 0 : i32
      %dma_wait3A_343 = tpu.memref_slice %arg7[%add3A_341, %dma_wait3A_342] : memref<250x40xi32, #tpu.memory_space<vmem>> -> memref<1x40xi32, #tpu.memory_space<vmem>>
      %dma_wait3A_344 = tpu.memref_squeeze %dma_wait3A_343 : memref<1x40xi32, #tpu.memory_space<vmem>> -> memref<40xi32, #tpu.memory_space<vmem>>
      %dma_wait3A_345 = arith.constant 0 : i32
      %dma_wait3A_346 = arith.constant 0 : i32
      %dma_wait3A_347 = tpu.memref_slice %arg13[%dma_wait3A_345, %dma_wait3A_346] : memref<10000x128xf32, #tpu.memory_space<vmem_shared>> -> memref<10000x128xf32, #tpu.memory_space<vmem_shared>>
      tpu.wait_indirect_dma semaphore(%arg20 : memref<!tpu.dma_semaphore, #tpu.memory_space<semaphore_mem>>) src(%arg8 : memref<40x128xf32, #tpu.memory_space<vmem>>) dst(%dma_wait3A_347 : memref<10000x128xf32, #tpu.memory_space<vmem_shared>>)
      %add3A_348 = arith.constant 5 : i32
      %add3A_349 = arith.addi %mul3A_259, %add3A_348 : i32
      %add3A_350 = arith.constant 0 : i32
      %add3A_351 = arith.addi %add3A_349, %add3A_350 : i32
      %lt3A = arith.constant 250 : i32
      %lt3A_352 = arith.cmpi slt, %add3A_351, %lt3A : i32
      %convert_element_type3A = arith.extui %lt3A_352 : i1 to i32
      %cond3A = arith.constant 0 : i32
      %cond3A_353 = arith.cmpi ne, %convert_element_type3A, %cond3A : i32
      scf.if %cond3A_353 {
        %add3A_423 = arith.constant 5 : i32
        %add3A_424 = arith.addi %mul3A_259, %add3A_423 : i32
        %add3A_425 = arith.constant 0 : i32
        %add3A_426 = arith.addi %add3A_424, %add3A_425 : i32
        %dma_start3A_427 = arith.constant 0 : i32
        %dma_start3A_428 = tpu.memref_slice %arg6[%add3A_426, %dma_start3A_427] : memref<250x40xi32, #tpu.memory_space<vmem>> -> memref<1x40xi32, #tpu.memory_space<vmem>>
        %dma_start3A_429 = tpu.memref_squeeze %dma_start3A_428 : memref<1x40xi32, #tpu.memory_space<vmem>> -> memref<40xi32, #tpu.memory_space<vmem>>
        %dma_start3A_430 = arith.constant 0 : i32
        %dma_start3A_431 = arith.constant 0 : i32
        %dma_start3A_432 = tpu.memref_slice %arg2[%dma_start3A_430, %dma_start3A_431] : memref<10000x128xf32, #tpu.memory_space<hbm>> -> memref<10000x128xf32, #tpu.memory_space<hbm>>
        tpu.enqueue_indirect_dma source(%dma_start3A_432 : memref<10000x128xf32, #tpu.memory_space<hbm>>) target(%arg8 : memref<40x128xf32, #tpu.memory_space<vmem>>) offsets(%dma_start3A_429 : memref<40xi32, #tpu.memory_space<vmem>>) semaphore(%arg15 : memref<!tpu.dma_semaphore, #tpu.memory_space<semaphore_mem>>)
      } else {
      }
      %add3A_354 = arith.constant 1 : i32
      %add3A_355 = arith.addi %mul3A_259, %add3A_354 : i32
      %dma_wait3A_356 = arith.constant 0 : i32
      %dma_wait3A_357 = tpu.memref_slice %arg7[%add3A_355, %dma_wait3A_356] : memref<250x40xi32, #tpu.memory_space<vmem>> -> memref<1x40xi32, #tpu.memory_space<vmem>>
      %dma_wait3A_358 = tpu.memref_squeeze %dma_wait3A_357 : memref<1x40xi32, #tpu.memory_space<vmem>> -> memref<40xi32, #tpu.memory_space<vmem>>
      %dma_wait3A_359 = arith.constant 0 : i32
      %dma_wait3A_360 = arith.constant 0 : i32
      %dma_wait3A_361 = tpu.memref_slice %arg13[%dma_wait3A_359, %dma_wait3A_360] : memref<10000x128xf32, #tpu.memory_space<vmem_shared>> -> memref<10000x128xf32, #tpu.memory_space<vmem_shared>>
      tpu.wait_indirect_dma semaphore(%arg21 : memref<!tpu.dma_semaphore, #tpu.memory_space<semaphore_mem>>) src(%arg9 : memref<40x128xf32, #tpu.memory_space<vmem>>) dst(%dma_wait3A_361 : memref<10000x128xf32, #tpu.memory_space<vmem_shared>>)
      %add3A_362 = arith.constant 5 : i32
      %add3A_363 = arith.addi %mul3A_259, %add3A_362 : i32
      %add3A_364 = arith.constant 1 : i32
      %add3A_365 = arith.addi %add3A_363, %add3A_364 : i32
      %lt3A_366 = arith.constant 250 : i32
      %lt3A_367 = arith.cmpi slt, %add3A_365, %lt3A_366 : i32
      %convert_element_type3A_368 = arith.extui %lt3A_367 : i1 to i32
      %cond3A_369 = arith.constant 0 : i32
      %cond3A_370 = arith.cmpi ne, %convert_element_type3A_368, %cond3A_369 : i32
      scf.if %cond3A_370 {
        %add3A_423 = arith.constant 5 : i32
        %add3A_424 = arith.addi %mul3A_259, %add3A_423 : i32
        %add3A_425 = arith.constant 1 : i32
        %add3A_426 = arith.addi %add3A_424, %add3A_425 : i32
        %dma_start3A_427 = arith.constant 0 : i32
        %dma_start3A_428 = tpu.memref_slice %arg6[%add3A_426, %dma_start3A_427] : memref<250x40xi32, #tpu.memory_space<vmem>> -> memref<1x40xi32, #tpu.memory_space<vmem>>
        %dma_start3A_429 = tpu.memref_squeeze %dma_start3A_428 : memref<1x40xi32, #tpu.memory_space<vmem>> -> memref<40xi32, #tpu.memory_space<vmem>>
        %dma_start3A_430 = arith.constant 0 : i32
        %dma_start3A_431 = arith.constant 0 : i32
        %dma_start3A_432 = tpu.memref_slice %arg2[%dma_start3A_430, %dma_start3A_431] : memref<10000x128xf32, #tpu.memory_space<hbm>> -> memref<10000x128xf32, #tpu.memory_space<hbm>>
        tpu.enqueue_indirect_dma source(%dma_start3A_432 : memref<10000x128xf32, #tpu.memory_space<hbm>>) target(%arg9 : memref<40x128xf32, #tpu.memory_space<vmem>>) offsets(%dma_start3A_429 : memref<40xi32, #tpu.memory_space<vmem>>) semaphore(%arg16 : memref<!tpu.dma_semaphore, #tpu.memory_space<semaphore_mem>>)
      } else {
      }
      %add3A_371 = arith.constant 2 : i32
      %add3A_372 = arith.addi %mul3A_259, %add3A_371 : i32
      %dma_wait3A_373 = arith.constant 0 : i32
      %dma_wait3A_374 = tpu.memref_slice %arg7[%add3A_372, %dma_wait3A_373] : memref<250x40xi32, #tpu.memory_space<vmem>> -> memref<1x40xi32, #tpu.memory_space<vmem>>
      %dma_wait3A_375 = tpu.memref_squeeze %dma_wait3A_374 : memref<1x40xi32, #tpu.memory_space<vmem>> -> memref<40xi32, #tpu.memory_space<vmem>>
      %dma_wait3A_376 = arith.constant 0 : i32
      %dma_wait3A_377 = arith.constant 0 : i32
      %dma_wait3A_378 = tpu.memref_slice %arg13[%dma_wait3A_376, %dma_wait3A_377] : memref<10000x128xf32, #tpu.memory_space<vmem_shared>> -> memref<10000x128xf32, #tpu.memory_space<vmem_shared>>
      tpu.wait_indirect_dma semaphore(%arg22 : memref<!tpu.dma_semaphore, #tpu.memory_space<semaphore_mem>>) src(%arg10 : memref<40x128xf32, #tpu.memory_space<vmem>>) dst(%dma_wait3A_378 : memref<10000x128xf32, #tpu.memory_space<vmem_shared>>)
      %add3A_379 = arith.constant 5 : i32
      %add3A_380 = arith.addi %mul3A_259, %add3A_379 : i32
      %add3A_381 = arith.constant 2 : i32
      %add3A_382 = arith.addi %add3A_380, %add3A_381 : i32
      %lt3A_383 = arith.constant 250 : i32
      %lt3A_384 = arith.cmpi slt, %add3A_382, %lt3A_383 : i32
      %convert_element_type3A_385 = arith.extui %lt3A_384 : i1 to i32
      %cond3A_386 = arith.constant 0 : i32
      %cond3A_387 = arith.cmpi ne, %convert_element_type3A_385, %cond3A_386 : i32
      scf.if %cond3A_387 {
        %add3A_423 = arith.constant 5 : i32
        %add3A_424 = arith.addi %mul3A_259, %add3A_423 : i32
        %add3A_425 = arith.constant 2 : i32
        %add3A_426 = arith.addi %add3A_424, %add3A_425 : i32
        %dma_start3A_427 = arith.constant 0 : i32
        %dma_start3A_428 = tpu.memref_slice %arg6[%add3A_426, %dma_start3A_427] : memref<250x40xi32, #tpu.memory_space<vmem>> -> memref<1x40xi32, #tpu.memory_space<vmem>>
        %dma_start3A_429 = tpu.memref_squeeze %dma_start3A_428 : memref<1x40xi32, #tpu.memory_space<vmem>> -> memref<40xi32, #tpu.memory_space<vmem>>
        %dma_start3A_430 = arith.constant 0 : i32
        %dma_start3A_431 = arith.constant 0 : i32
        %dma_start3A_432 = tpu.memref_slice %arg2[%dma_start3A_430, %dma_start3A_431] : memref<10000x128xf32, #tpu.memory_space<hbm>> -> memref<10000x128xf32, #tpu.memory_space<hbm>>
        tpu.enqueue_indirect_dma source(%dma_start3A_432 : memref<10000x128xf32, #tpu.memory_space<hbm>>) target(%arg10 : memref<40x128xf32, #tpu.memory_space<vmem>>) offsets(%dma_start3A_429 : memref<40xi32, #tpu.memory_space<vmem>>) semaphore(%arg17 : memref<!tpu.dma_semaphore, #tpu.memory_space<semaphore_mem>>)
      } else {
      }
      %add3A_388 = arith.constant 3 : i32
      %add3A_389 = arith.addi %mul3A_259, %add3A_388 : i32
      %dma_wait3A_390 = arith.constant 0 : i32
      %dma_wait3A_391 = tpu.memref_slice %arg7[%add3A_389, %dma_wait3A_390] : memref<250x40xi32, #tpu.memory_space<vmem>> -> memref<1x40xi32, #tpu.memory_space<vmem>>
      %dma_wait3A_392 = tpu.memref_squeeze %dma_wait3A_391 : memref<1x40xi32, #tpu.memory_space<vmem>> -> memref<40xi32, #tpu.memory_space<vmem>>
      %dma_wait3A_393 = arith.constant 0 : i32
      %dma_wait3A_394 = arith.constant 0 : i32
      %dma_wait3A_395 = tpu.memref_slice %arg13[%dma_wait3A_393, %dma_wait3A_394] : memref<10000x128xf32, #tpu.memory_space<vmem_shared>> -> memref<10000x128xf32, #tpu.memory_space<vmem_shared>>
      tpu.wait_indirect_dma semaphore(%arg23 : memref<!tpu.dma_semaphore, #tpu.memory_space<semaphore_mem>>) src(%arg11 : memref<40x128xf32, #tpu.memory_space<vmem>>) dst(%dma_wait3A_395 : memref<10000x128xf32, #tpu.memory_space<vmem_shared>>)
      %add3A_396 = arith.constant 5 : i32
      %add3A_397 = arith.addi %mul3A_259, %add3A_396 : i32
      %add3A_398 = arith.constant 3 : i32
      %add3A_399 = arith.addi %add3A_397, %add3A_398 : i32
      %lt3A_400 = arith.constant 250 : i32
      %lt3A_401 = arith.cmpi slt, %add3A_399, %lt3A_400 : i32
      %convert_element_type3A_402 = arith.extui %lt3A_401 : i1 to i32
      %cond3A_403 = arith.constant 0 : i32
      %cond3A_404 = arith.cmpi ne, %convert_element_type3A_402, %cond3A_403 : i32
      scf.if %cond3A_404 {
        %add3A_423 = arith.constant 5 : i32
        %add3A_424 = arith.addi %mul3A_259, %add3A_423 : i32
        %add3A_425 = arith.constant 3 : i32
        %add3A_426 = arith.addi %add3A_424, %add3A_425 : i32
        %dma_start3A_427 = arith.constant 0 : i32
        %dma_start3A_428 = tpu.memref_slice %arg6[%add3A_426, %dma_start3A_427] : memref<250x40xi32, #tpu.memory_space<vmem>> -> memref<1x40xi32, #tpu.memory_space<vmem>>
        %dma_start3A_429 = tpu.memref_squeeze %dma_start3A_428 : memref<1x40xi32, #tpu.memory_space<vmem>> -> memref<40xi32, #tpu.memory_space<vmem>>
        %dma_start3A_430 = arith.constant 0 : i32
        %dma_start3A_431 = arith.constant 0 : i32
        %dma_start3A_432 = tpu.memref_slice %arg2[%dma_start3A_430, %dma_start3A_431] : memref<10000x128xf32, #tpu.memory_space<hbm>> -> memref<10000x128xf32, #tpu.memory_space<hbm>>
        tpu.enqueue_indirect_dma source(%dma_start3A_432 : memref<10000x128xf32, #tpu.memory_space<hbm>>) target(%arg11 : memref<40x128xf32, #tpu.memory_space<vmem>>) offsets(%dma_start3A_429 : memref<40xi32, #tpu.memory_space<vmem>>) semaphore(%arg18 : memref<!tpu.dma_semaphore, #tpu.memory_space<semaphore_mem>>)
      } else {
      }
      %add3A_405 = arith.constant 4 : i32
      %add3A_406 = arith.addi %mul3A_259, %add3A_405 : i32
      %dma_wait3A_407 = arith.constant 0 : i32
      %dma_wait3A_408 = tpu.memref_slice %arg7[%add3A_406, %dma_wait3A_407] : memref<250x40xi32, #tpu.memory_space<vmem>> -> memref<1x40xi32, #tpu.memory_space<vmem>>
      %dma_wait3A_409 = tpu.memref_squeeze %dma_wait3A_408 : memref<1x40xi32, #tpu.memory_space<vmem>> -> memref<40xi32, #tpu.memory_space<vmem>>
      %dma_wait3A_410 = arith.constant 0 : i32
      %dma_wait3A_411 = arith.constant 0 : i32
      %dma_wait3A_412 = tpu.memref_slice %arg13[%dma_wait3A_410, %dma_wait3A_411] : memref<10000x128xf32, #tpu.memory_space<vmem_shared>> -> memref<10000x128xf32, #tpu.memory_space<vmem_shared>>
      tpu.wait_indirect_dma semaphore(%arg24 : memref<!tpu.dma_semaphore, #tpu.memory_space<semaphore_mem>>) src(%arg12 : memref<40x128xf32, #tpu.memory_space<vmem>>) dst(%dma_wait3A_412 : memref<10000x128xf32, #tpu.memory_space<vmem_shared>>)
      %add3A_413 = arith.constant 5 : i32
      %add3A_414 = arith.addi %mul3A_259, %add3A_413 : i32
      %add3A_415 = arith.constant 4 : i32
      %add3A_416 = arith.addi %add3A_414, %add3A_415 : i32
      %lt3A_417 = arith.constant 250 : i32
      %lt3A_418 = arith.cmpi slt, %add3A_416, %lt3A_417 : i32
      %convert_element_type3A_419 = arith.extui %lt3A_418 : i1 to i32
      %cond3A_420 = arith.constant 0 : i32
      %cond3A_421 = arith.cmpi ne, %convert_element_type3A_419, %cond3A_420 : i32
      scf.if %cond3A_421 {
        %add3A_423 = arith.constant 5 : i32
        %add3A_424 = arith.addi %mul3A_259, %add3A_423 : i32
        %add3A_425 = arith.constant 4 : i32
        %add3A_426 = arith.addi %add3A_424, %add3A_425 : i32
        %dma_start3A_427 = arith.constant 0 : i32
        %dma_start3A_428 = tpu.memref_slice %arg6[%add3A_426, %dma_start3A_427] : memref<250x40xi32, #tpu.memory_space<vmem>> -> memref<1x40xi32, #tpu.memory_space<vmem>>
        %dma_start3A_429 = tpu.memref_squeeze %dma_start3A_428 : memref<1x40xi32, #tpu.memory_space<vmem>> -> memref<40xi32, #tpu.memory_space<vmem>>
        %dma_start3A_430 = arith.constant 0 : i32
        %dma_start3A_431 = arith.constant 0 : i32
        %dma_start3A_432 = tpu.memref_slice %arg2[%dma_start3A_430, %dma_start3A_431] : memref<10000x128xf32, #tpu.memory_space<hbm>> -> memref<10000x128xf32, #tpu.memory_space<hbm>>
        tpu.enqueue_indirect_dma source(%dma_start3A_432 : memref<10000x128xf32, #tpu.memory_space<hbm>>) target(%arg12 : memref<40x128xf32, #tpu.memory_space<vmem>>) offsets(%dma_start3A_429 : memref<40xi32, #tpu.memory_space<vmem>>) semaphore(%arg19 : memref<!tpu.dma_semaphore, #tpu.memory_space<semaphore_mem>>)
      } else {
      }
      %scan3A_422 = arith.constant 0 : i32
      scf.yield %scan3A_422 : i32
    }
    %scan3A_250 = arith.constant 50 : i32
    %barrier3A_251 = arith.constant 0 : index
    tpu.barrier barrier_id(%barrier3A_251)
    %mul3A_252 = arith.constant 625 : i32
    %mul3A_253 = arith.muli %arg1, %mul3A_252 : i32
    %mul3A_254 = arith.constant 625 : i32
    %mul3A_255 = arith.muli %arg1, %mul3A_254 : i32
    "tpu.region"() ({
      %run_scoped3A = tpu.sem_alloc : memref<!tpu.dma_semaphore, #tpu.memory_space<semaphore_mem>>
      %dma_start3A_256 = arith.constant 0 : i32
      %dma_start3A_257 = tpu.memref_slice %arg5[%arg0, %mul3A_255, %dma_start3A_256] : memref<2x10000x128xf32, #tpu.memory_space<hbm>> -> memref<1x625x128xf32, #tpu.memory_space<hbm>>
      %dma_start3A_258 = tpu.memref_squeeze %dma_start3A_257 : memref<1x625x128xf32, #tpu.memory_space<hbm>> -> memref<625x128xf32, #tpu.memory_space<hbm>>
      %dma_start3A_259 = arith.constant 0 : i32
      %dma_start3A_260 = tpu.memref_slice %arg13[%mul3A_253, %dma_start3A_259] : memref<10000x128xf32, #tpu.memory_space<vmem_shared>> -> memref<625x128xf32, #tpu.memory_space<vmem_shared>>
      tpu.enqueue_dma source(%dma_start3A_260 : memref<625x128xf32, #tpu.memory_space<vmem_shared>>) target(%dma_start3A_258 : memref<625x128xf32, #tpu.memory_space<hbm>>) target_semaphore(%run_scoped3A : memref<!tpu.dma_semaphore, #tpu.memory_space<semaphore_mem>>)
      %dma_wait3A_261 = arith.constant 0 : i32
      %dma_wait3A_262 = tpu.memref_slice %arg5[%arg0, %mul3A_255, %dma_wait3A_261] : memref<2x10000x128xf32, #tpu.memory_space<hbm>> -> memref<1x625x128xf32, #tpu.memory_space<hbm>>
      %dma_wait3A_263 = tpu.memref_squeeze %dma_wait3A_262 : memref<1x625x128xf32, #tpu.memory_space<hbm>> -> memref<625x128xf32, #tpu.memory_space<hbm>>
      %dma_wait3A_264 = arith.constant 0 : i32
      %dma_wait3A_265 = tpu.memref_slice %arg13[%mul3A_253, %dma_wait3A_264] : memref<10000x128xf32, #tpu.memory_space<vmem_shared>> -> memref<625x128xf32, #tpu.memory_space<vmem_shared>>
      tpu.wait_dma2 semaphore(%run_scoped3A : memref<!tpu.dma_semaphore, #tpu.memory_space<semaphore_mem>>) src(%dma_wait3A_265 : memref<625x128xf32, #tpu.memory_space<vmem_shared>>) dst(%dma_wait3A_263 : memref<625x128xf32, #tpu.memory_space<hbm>>)
      tpu.yield
    }) : () -> ()
    return
  }
}

#map = affine_map<(d0, d1) -> (0, 0)>
#map1 = affine_map<(d0, d1) -> (0, 0, 0)>
module attributes {stable_mosaic.version = 14 : i64} {
  func.func @_sc_agg(%arg0: i32, %arg1: i32, %arg2: memref<10000x128xf32, #tpu.memory_space<hbm>>, %arg3: memref<8000x40xi32, #tpu.memory_space<hbm>>, %arg4: memref<8000x40xi32, #tpu.memory_space<hbm>>, %arg5: memref<2x10000x128xf32, #tpu.memory_space<hbm>>, %arg6: memref<250x40xi32, #tpu.memory_space<vmem>>, %arg7: memref<250x40xi32, #tpu.memory_space<vmem>>, %arg8: memref<40x128xf32, #tpu.memory_space<vmem>>, %arg9: memref<40x128xf32, #tpu.memory_space<vmem>>, %arg10: memref<40x128xf32, #tpu.memory_space<vmem>>, %arg11: memref<40x128xf32, #tpu.memory_space<vmem>>, %arg12: memref<40x128xf32, #tpu.memory_space<vmem>>, %arg13: memref<10000x128xf32, #tpu.memory_space<vmem_shared>>, %arg14: memref<!tpu.dma_semaphore, #tpu.memory_space<semaphore_mem>>, %arg15: memref<!tpu.dma_semaphore, #tpu.memory_space<semaphore_mem>>, %arg16: memref<!tpu.dma_semaphore, #tpu.memory_space<semaphore_mem>>, %arg17: memref<!tpu.dma_semaphore, #tpu.memory_space<semaphore_mem>>, %arg18: memref<!tpu.dma_semaphore, #tpu.memory_space<semaphore_mem>>, %arg19: memref<!tpu.dma_semaphore, #tpu.memory_space<semaphore_mem>>, %arg20: memref<!tpu.dma_semaphore, #tpu.memory_space<semaphore_mem>>, %arg21: memref<!tpu.dma_semaphore, #tpu.memory_space<semaphore_mem>>, %arg22: memref<!tpu.dma_semaphore, #tpu.memory_space<semaphore_mem>>, %arg23: memref<!tpu.dma_semaphore, #tpu.memory_space<semaphore_mem>>, %arg24: memref<!tpu.dma_semaphore, #tpu.memory_space<semaphore_mem>>) attributes {dimension_semantics = [#tpu.dimension_semantics<core_parallel>, #tpu.dimension_semantics<subcore_parallel>], iteration_bounds = array<i64: 2, 16>, scalar_prefetch = 0 : i64, scratch_operands = 19 : i64, tpu.core_type = #tpu.core_type<sc_vector_subcore>, window_params = [{transform_indices = #map}, {transform_indices = #map}, {transform_indices = #map}, {transform_indices = #map1}]} {
    %mul3A = arith.constant 16 : i32
    %mul3A_0 = arith.muli %arg0, %mul3A : i32
    %add3A = arith.addi %mul3A_0, %arg1 : i32
    %mul3A_1 = arith.constant 250 : i32
    %mul3A_2 = arith.muli %add3A, %mul3A_1 : i32
    %dma_start3A = arith.constant 0 : i32
    %dma_start3A_3 = tpu.memref_slice %arg3[%mul3A_2, %dma_start3A] : memref<8000x40xi32, #tpu.memory_space<hbm>> -> memref<250x40xi32, #tpu.memory_space<hbm>>
    %dma_start3A_4 = arith.constant 0 : i32
    %dma_start3A_5 = tpu.memref_slice %arg3[%mul3A_2, %dma_start3A_4] : memref<8000x40xi32, #tpu.memory_space<hbm>> -> memref<250x40xi32, #tpu.memory_space<hbm>>
    tpu.enqueue_dma source(%dma_start3A_5 : memref<250x40xi32, #tpu.memory_space<hbm>>) target(%arg6 : memref<250x40xi32, #tpu.memory_space<vmem>>) target_semaphore(%arg14 : memref<!tpu.dma_semaphore, #tpu.memory_space<semaphore_mem>>)
    %dma_start3A_6 = arith.constant 0 : i32
    %dma_start3A_7 = tpu.memref_slice %arg4[%mul3A_2, %dma_start3A_6] : memref<8000x40xi32, #tpu.memory_space<hbm>> -> memref<250x40xi32, #tpu.memory_space<hbm>>
    %dma_start3A_8 = arith.constant 0 : i32
    %dma_start3A_9 = tpu.memref_slice %arg4[%mul3A_2, %dma_start3A_8] : memref<8000x40xi32, #tpu.memory_space<hbm>> -> memref<250x40xi32, #tpu.memory_space<hbm>>
    tpu.enqueue_dma source(%dma_start3A_9 : memref<250x40xi32, #tpu.memory_space<hbm>>) target(%arg7 : memref<250x40xi32, #tpu.memory_space<vmem>>) target_semaphore(%arg14 : memref<!tpu.dma_semaphore, #tpu.memory_space<semaphore_mem>>)
    %broadcast_in_dim3A = arith.constant 0.000000e+00 : f32
    %broadcast_in_dim3A_10 = vector.broadcast %broadcast_in_dim3A : f32 to vector<16xf32>
    %scan3A = arith.constant 0 : i32
    %scan3A_11 = arith.constant 0 : i32
    %scan3A_12 = arith.constant 40 : i32
    %scan3A_13 = arith.addi %scan3A_11, %scan3A_12 : i32
    %scan3A_14 = arith.constant 1 : i32
    %scan3A_15 = scf.for %scan3A_256 = %scan3A_11 to %scan3A_13 step %scan3A_14 iter_args(%scan3A_257 = %scan3A) -> (i32)  : i32 {
      %swap3A = arith.index_cast %scan3A_256 : i32 to index
      %swap3A_258 = arith.constant 0 : index
      %swap3A_259 = tpu.vector_load %arg8[%swap3A, %swap3A_258] {strides = array<i32>} : memref<40x128xf32, #tpu.memory_space<vmem>>, vector<1x16xf32>,
      %swap3A_260 = vector.shape_cast %swap3A_259 : vector<1x16xf32> to vector<16xf32>
      %swap3A_261 = vector.shape_cast %broadcast_in_dim3A_10 : vector<16xf32> to vector<1x16xf32>
      tpu.vector_store %arg8[%swap3A, %swap3A_258], %swap3A_261 {strides = array<i32>} : memref<40x128xf32, #tpu.memory_space<vmem>>, vector<1x16xf32>,
      %swap3A_262 = arith.index_cast %scan3A_256 : i32 to index
      %swap3A_263 = arith.constant 16 : index
      %swap3A_264 = tpu.vector_load %arg8[%swap3A_262, %swap3A_263] {strides = array<i32>} : memref<40x128xf32, #tpu.memory_space<vmem>>, vector<1x16xf32>,
      %swap3A_265 = vector.shape_cast %swap3A_264 : vector<1x16xf32> to vector<16xf32>
      %swap3A_266 = vector.shape_cast %broadcast_in_dim3A_10 : vector<16xf32> to vector<1x16xf32>
      tpu.vector_store %arg8[%swap3A_262, %swap3A_263], %swap3A_266 {strides = array<i32>} : memref<40x128xf32, #tpu.memory_space<vmem>>, vector<1x16xf32>,
      %swap3A_267 = arith.index_cast %scan3A_256 : i32 to index
      %swap3A_268 = arith.constant 32 : index
      %swap3A_269 = tpu.vector_load %arg8[%swap3A_267, %swap3A_268] {strides = array<i32>} : memref<40x128xf32, #tpu.memory_space<vmem>>, vector<1x16xf32>,
      %swap3A_270 = vector.shape_cast %swap3A_269 : vector<1x16xf32> to vector<16xf32>
      %swap3A_271 = vector.shape_cast %broadcast_in_dim3A_10 : vector<16xf32> to vector<1x16xf32>
      tpu.vector_store %arg8[%swap3A_267, %swap3A_268], %swap3A_271 {strides = array<i32>} : memref<40x128xf32, #tpu.memory_space<vmem>>, vector<1x16xf32>,
      %swap3A_272 = arith.index_cast %scan3A_256 : i32 to index
      %swap3A_273 = arith.constant 48 : index
      %swap3A_274 = tpu.vector_load %arg8[%swap3A_272, %swap3A_273] {strides = array<i32>} : memref<40x128xf32, #tpu.memory_space<vmem>>, vector<1x16xf32>,
      %swap3A_275 = vector.shape_cast %swap3A_274 : vector<1x16xf32> to vector<16xf32>
      %swap3A_276 = vector.shape_cast %broadcast_in_dim3A_10 : vector<16xf32> to vector<1x16xf32>
      tpu.vector_store %arg8[%swap3A_272, %swap3A_273], %swap3A_276 {strides = array<i32>} : memref<40x128xf32, #tpu.memory_space<vmem>>, vector<1x16xf32>,
      %swap3A_277 = arith.index_cast %scan3A_256 : i32 to index
      %swap3A_278 = arith.constant 64 : index
      %swap3A_279 = tpu.vector_load %arg8[%swap3A_277, %swap3A_278] {strides = array<i32>} : memref<40x128xf32, #tpu.memory_space<vmem>>, vector<1x16xf32>,
      %swap3A_280 = vector.shape_cast %swap3A_279 : vector<1x16xf32> to vector<16xf32>
      %swap3A_281 = vector.shape_cast %broadcast_in_dim3A_10 : vector<16xf32> to vector<1x16xf32>
      tpu.vector_store %arg8[%swap3A_277, %swap3A_278], %swap3A_281 {strides = array<i32>} : memref<40x128xf32, #tpu.memory_space<vmem>>, vector<1x16xf32>,
      %swap3A_282 = arith.index_cast %scan3A_256 : i32 to index
      %swap3A_283 = arith.constant 80 : index
      %swap3A_284 = tpu.vector_load %arg8[%swap3A_282, %swap3A_283] {strides = array<i32>} : memref<40x128xf32, #tpu.memory_space<vmem>>, vector<1x16xf32>,
      %swap3A_285 = vector.shape_cast %swap3A_284 : vector<1x16xf32> to vector<16xf32>
      %swap3A_286 = vector.shape_cast %broadcast_in_dim3A_10 : vector<16xf32> to vector<1x16xf32>
      tpu.vector_store %arg8[%swap3A_282, %swap3A_283], %swap3A_286 {strides = array<i32>} : memref<40x128xf32, #tpu.memory_space<vmem>>, vector<1x16xf32>,
      %swap3A_287 = arith.index_cast %scan3A_256 : i32 to index
      %swap3A_288 = arith.constant 96 : index
      %swap3A_289 = tpu.vector_load %arg8[%swap3A_287, %swap3A_288] {strides = array<i32>} : memref<40x128xf32, #tpu.memory_space<vmem>>, vector<1x16xf32>,
      %swap3A_290 = vector.shape_cast %swap3A_289 : vector<1x16xf32> to vector<16xf32>
      %swap3A_291 = vector.shape_cast %broadcast_in_dim3A_10 : vector<16xf32> to vector<1x16xf32>
      tpu.vector_store %arg8[%swap3A_287, %swap3A_288], %swap3A_291 {strides = array<i32>} : memref<40x128xf32, #tpu.memory_space<vmem>>, vector<1x16xf32>,
      %swap3A_292 = arith.index_cast %scan3A_256 : i32 to index
      %swap3A_293 = arith.constant 112 : index
      %swap3A_294 = tpu.vector_load %arg8[%swap3A_292, %swap3A_293] {strides = array<i32>} : memref<40x128xf32, #tpu.memory_space<vmem>>, vector<1x16xf32>,
      %swap3A_295 = vector.shape_cast %swap3A_294 : vector<1x16xf32> to vector<16xf32>
      %swap3A_296 = vector.shape_cast %broadcast_in_dim3A_10 : vector<16xf32> to vector<1x16xf32>
      tpu.vector_store %arg8[%swap3A_292, %swap3A_293], %swap3A_296 {strides = array<i32>} : memref<40x128xf32, #tpu.memory_space<vmem>>, vector<1x16xf32>,
      %scan3A_297 = arith.constant 0 : i32
      scf.yield %scan3A_297 : i32
    }
    %scan3A_16 = arith.constant 40 : i32
    %mul3A_17 = arith.constant 625 : i32
    %mul3A_18 = arith.muli %arg1, %mul3A_17 : i32
    %add3A_19 = arith.constant 0 : i32
    %add3A_20 = arith.addi %mul3A_18, %add3A_19 : i32
    %dma_start3A_21 = arith.constant 0 : i32
    %dma_start3A_22 = tpu.memref_slice %arg13[%add3A_20, %dma_start3A_21] : memref<10000x128xf32, #tpu.memory_space<vmem_shared>> -> memref<40x128xf32, #tpu.memory_space<vmem_shared>>
    %dma_start3A_23 = arith.constant 0 : i32
    %dma_start3A_24 = tpu.memref_slice %arg13[%add3A_20, %dma_start3A_23] : memref<10000x128xf32, #tpu.memory_space<vmem_shared>> -> memref<40x128xf32, #tpu.memory_space<vmem_shared>>
    tpu.enqueue_dma source(%arg8 : memref<40x128xf32, #tpu.memory_space<vmem>>) target(%dma_start3A_24 : memref<40x128xf32, #tpu.memory_space<vmem_shared>>) target_semaphore(%arg15 : memref<!tpu.dma_semaphore, #tpu.memory_space<semaphore_mem>>)
    %add3A_25 = arith.constant 40 : i32
    %add3A_26 = arith.addi %mul3A_18, %add3A_25 : i32
    %dma_start3A_27 = arith.constant 0 : i32
    %dma_start3A_28 = tpu.memref_slice %arg13[%add3A_26, %dma_start3A_27] : memref<10000x128xf32, #tpu.memory_space<vmem_shared>> -> memref<40x128xf32, #tpu.memory_space<vmem_shared>>
    %dma_start3A_29 = arith.constant 0 : i32
    %dma_start3A_30 = tpu.memref_slice %arg13[%add3A_26, %dma_start3A_29] : memref<10000x128xf32, #tpu.memory_space<vmem_shared>> -> memref<40x128xf32, #tpu.memory_space<vmem_shared>>
    tpu.enqueue_dma source(%arg8 : memref<40x128xf32, #tpu.memory_space<vmem>>) target(%dma_start3A_30 : memref<40x128xf32, #tpu.memory_space<vmem_shared>>) target_semaphore(%arg15 : memref<!tpu.dma_semaphore, #tpu.memory_space<semaphore_mem>>)
    %add3A_31 = arith.constant 80 : i32
    %add3A_32 = arith.addi %mul3A_18, %add3A_31 : i32
    %dma_start3A_33 = arith.constant 0 : i32
    %dma_start3A_34 = tpu.memref_slice %arg13[%add3A_32, %dma_start3A_33] : memref<10000x128xf32, #tpu.memory_space<vmem_shared>> -> memref<40x128xf32, #tpu.memory_space<vmem_shared>>
    %dma_start3A_35 = arith.constant 0 : i32
    %dma_start3A_36 = tpu.memref_slice %arg13[%add3A_32, %dma_start3A_35] : memref<10000x128xf32, #tpu.memory_space<vmem_shared>> -> memref<40x128xf32, #tpu.memory_space<vmem_shared>>
    tpu.enqueue_dma source(%arg8 : memref<40x128xf32, #tpu.memory_space<vmem>>) target(%dma_start3A_36 : memref<40x128xf32, #tpu.memory_space<vmem_shared>>) target_semaphore(%arg15 : memref<!tpu.dma_semaphore, #tpu.memory_space<semaphore_mem>>)
    %add3A_37 = arith.constant 120 : i32
    %add3A_38 = arith.addi %mul3A_18, %add3A_37 : i32
    %dma_start3A_39 = arith.constant 0 : i32
    %dma_start3A_40 = tpu.memref_slice %arg13[%add3A_38, %dma_start3A_39] : memref<10000x128xf32, #tpu.memory_space<vmem_shared>> -> memref<40x128xf32, #tpu.memory_space<vmem_shared>>
    %dma_start3A_41 = arith.constant 0 : i32
    %dma_start3A_42 = tpu.memref_slice %arg13[%add3A_38, %dma_start3A_41] : memref<10000x128xf32, #tpu.memory_space<vmem_shared>> -> memref<40x128xf32, #tpu.memory_space<vmem_shared>>
    tpu.enqueue_dma source(%arg8 : memref<40x128xf32, #tpu.memory_space<vmem>>) target(%dma_start3A_42 : memref<40x128xf32, #tpu.memory_space<vmem_shared>>) target_semaphore(%arg15 : memref<!tpu.dma_semaphore, #tpu.memory_space<semaphore_mem>>)
    %add3A_43 = arith.constant 160 : i32
    %add3A_44 = arith.addi %mul3A_18, %add3A_43 : i32
    %dma_start3A_45 = arith.constant 0 : i32
    %dma_start3A_46 = tpu.memref_slice %arg13[%add3A_44, %dma_start3A_45] : memref<10000x128xf32, #tpu.memory_space<vmem_shared>> -> memref<40x128xf32, #tpu.memory_space<vmem_shared>>
    %dma_start3A_47 = arith.constant 0 : i32
    %dma_start3A_48 = tpu.memref_slice %arg13[%add3A_44, %dma_start3A_47] : memref<10000x128xf32, #tpu.memory_space<vmem_shared>> -> memref<40x128xf32, #tpu.memory_space<vmem_shared>>
    tpu.enqueue_dma source(%arg8 : memref<40x128xf32, #tpu.memory_space<vmem>>) target(%dma_start3A_48 : memref<40x128xf32, #tpu.memory_space<vmem_shared>>) target_semaphore(%arg15 : memref<!tpu.dma_semaphore, #tpu.memory_space<semaphore_mem>>)
    %add3A_49 = arith.constant 200 : i32
    %add3A_50 = arith.addi %mul3A_18, %add3A_49 : i32
    %dma_start3A_51 = arith.constant 0 : i32
    %dma_start3A_52 = tpu.memref_slice %arg13[%add3A_50, %dma_start3A_51] : memref<10000x128xf32, #tpu.memory_space<vmem_shared>> -> memref<40x128xf32, #tpu.memory_space<vmem_shared>>
    %dma_start3A_53 = arith.constant 0 : i32
    %dma_start3A_54 = tpu.memref_slice %arg13[%add3A_50, %dma_start3A_53] : memref<10000x128xf32, #tpu.memory_space<vmem_shared>> -> memref<40x128xf32, #tpu.memory_space<vmem_shared>>
    tpu.enqueue_dma source(%arg8 : memref<40x128xf32, #tpu.memory_space<vmem>>) target(%dma_start3A_54 : memref<40x128xf32, #tpu.memory_space<vmem_shared>>) target_semaphore(%arg15 : memref<!tpu.dma_semaphore, #tpu.memory_space<semaphore_mem>>)
    %add3A_55 = arith.constant 240 : i32
    %add3A_56 = arith.addi %mul3A_18, %add3A_55 : i32
    %dma_start3A_57 = arith.constant 0 : i32
    %dma_start3A_58 = tpu.memref_slice %arg13[%add3A_56, %dma_start3A_57] : memref<10000x128xf32, #tpu.memory_space<vmem_shared>> -> memref<40x128xf32, #tpu.memory_space<vmem_shared>>
    %dma_start3A_59 = arith.constant 0 : i32
    %dma_start3A_60 = tpu.memref_slice %arg13[%add3A_56, %dma_start3A_59] : memref<10000x128xf32, #tpu.memory_space<vmem_shared>> -> memref<40x128xf32, #tpu.memory_space<vmem_shared>>
    tpu.enqueue_dma source(%arg8 : memref<40x128xf32, #tpu.memory_space<vmem>>) target(%dma_start3A_60 : memref<40x128xf32, #tpu.memory_space<vmem_shared>>) target_semaphore(%arg15 : memref<!tpu.dma_semaphore, #tpu.memory_space<semaphore_mem>>)
    %add3A_61 = arith.constant 280 : i32
    %add3A_62 = arith.addi %mul3A_18, %add3A_61 : i32
    %dma_start3A_63 = arith.constant 0 : i32
    %dma_start3A_64 = tpu.memref_slice %arg13[%add3A_62, %dma_start3A_63] : memref<10000x128xf32, #tpu.memory_space<vmem_shared>> -> memref<40x128xf32, #tpu.memory_space<vmem_shared>>
    %dma_start3A_65 = arith.constant 0 : i32
    %dma_start3A_66 = tpu.memref_slice %arg13[%add3A_62, %dma_start3A_65] : memref<10000x128xf32, #tpu.memory_space<vmem_shared>> -> memref<40x128xf32, #tpu.memory_space<vmem_shared>>
    tpu.enqueue_dma source(%arg8 : memref<40x128xf32, #tpu.memory_space<vmem>>) target(%dma_start3A_66 : memref<40x128xf32, #tpu.memory_space<vmem_shared>>) target_semaphore(%arg15 : memref<!tpu.dma_semaphore, #tpu.memory_space<semaphore_mem>>)
    %add3A_67 = arith.constant 320 : i32
    %add3A_68 = arith.addi %mul3A_18, %add3A_67 : i32
    %dma_start3A_69 = arith.constant 0 : i32
    %dma_start3A_70 = tpu.memref_slice %arg13[%add3A_68, %dma_start3A_69] : memref<10000x128xf32, #tpu.memory_space<vmem_shared>> -> memref<40x128xf32, #tpu.memory_space<vmem_shared>>
    %dma_start3A_71 = arith.constant 0 : i32
    %dma_start3A_72 = tpu.memref_slice %arg13[%add3A_68, %dma_start3A_71] : memref<10000x128xf32, #tpu.memory_space<vmem_shared>> -> memref<40x128xf32, #tpu.memory_space<vmem_shared>>
    tpu.enqueue_dma source(%arg8 : memref<40x128xf32, #tpu.memory_space<vmem>>) target(%dma_start3A_72 : memref<40x128xf32, #tpu.memory_space<vmem_shared>>) target_semaphore(%arg15 : memref<!tpu.dma_semaphore, #tpu.memory_space<semaphore_mem>>)
    %add3A_73 = arith.constant 360 : i32
    %add3A_74 = arith.addi %mul3A_18, %add3A_73 : i32
    %dma_start3A_75 = arith.constant 0 : i32
    %dma_start3A_76 = tpu.memref_slice %arg13[%add3A_74, %dma_start3A_75] : memref<10000x128xf32, #tpu.memory_space<vmem_shared>> -> memref<40x128xf32, #tpu.memory_space<vmem_shared>>
    %dma_start3A_77 = arith.constant 0 : i32
    %dma_start3A_78 = tpu.memref_slice %arg13[%add3A_74, %dma_start3A_77] : memref<10000x128xf32, #tpu.memory_space<vmem_shared>> -> memref<40x128xf32, #tpu.memory_space<vmem_shared>>
    tpu.enqueue_dma source(%arg8 : memref<40x128xf32, #tpu.memory_space<vmem>>) target(%dma_start3A_78 : memref<40x128xf32, #tpu.memory_space<vmem_shared>>) target_semaphore(%arg15 : memref<!tpu.dma_semaphore, #tpu.memory_space<semaphore_mem>>)
    %add3A_79 = arith.constant 400 : i32
    %add3A_80 = arith.addi %mul3A_18, %add3A_79 : i32
    %dma_start3A_81 = arith.constant 0 : i32
    %dma_start3A_82 = tpu.memref_slice %arg13[%add3A_80, %dma_start3A_81] : memref<10000x128xf32, #tpu.memory_space<vmem_shared>> -> memref<40x128xf32, #tpu.memory_space<vmem_shared>>
    %dma_start3A_83 = arith.constant 0 : i32
    %dma_start3A_84 = tpu.memref_slice %arg13[%add3A_80, %dma_start3A_83] : memref<10000x128xf32, #tpu.memory_space<vmem_shared>> -> memref<40x128xf32, #tpu.memory_space<vmem_shared>>
    tpu.enqueue_dma source(%arg8 : memref<40x128xf32, #tpu.memory_space<vmem>>) target(%dma_start3A_84 : memref<40x128xf32, #tpu.memory_space<vmem_shared>>) target_semaphore(%arg15 : memref<!tpu.dma_semaphore, #tpu.memory_space<semaphore_mem>>)
    %add3A_85 = arith.constant 440 : i32
    %add3A_86 = arith.addi %mul3A_18, %add3A_85 : i32
    %dma_start3A_87 = arith.constant 0 : i32
    %dma_start3A_88 = tpu.memref_slice %arg13[%add3A_86, %dma_start3A_87] : memref<10000x128xf32, #tpu.memory_space<vmem_shared>> -> memref<40x128xf32, #tpu.memory_space<vmem_shared>>
    %dma_start3A_89 = arith.constant 0 : i32
    %dma_start3A_90 = tpu.memref_slice %arg13[%add3A_86, %dma_start3A_89] : memref<10000x128xf32, #tpu.memory_space<vmem_shared>> -> memref<40x128xf32, #tpu.memory_space<vmem_shared>>
    tpu.enqueue_dma source(%arg8 : memref<40x128xf32, #tpu.memory_space<vmem>>) target(%dma_start3A_90 : memref<40x128xf32, #tpu.memory_space<vmem_shared>>) target_semaphore(%arg15 : memref<!tpu.dma_semaphore, #tpu.memory_space<semaphore_mem>>)
    %add3A_91 = arith.constant 480 : i32
    %add3A_92 = arith.addi %mul3A_18, %add3A_91 : i32
    %dma_start3A_93 = arith.constant 0 : i32
    %dma_start3A_94 = tpu.memref_slice %arg13[%add3A_92, %dma_start3A_93] : memref<10000x128xf32, #tpu.memory_space<vmem_shared>> -> memref<40x128xf32, #tpu.memory_space<vmem_shared>>
    %dma_start3A_95 = arith.constant 0 : i32
    %dma_start3A_96 = tpu.memref_slice %arg13[%add3A_92, %dma_start3A_95] : memref<10000x128xf32, #tpu.memory_space<vmem_shared>> -> memref<40x128xf32, #tpu.memory_space<vmem_shared>>
    tpu.enqueue_dma source(%arg8 : memref<40x128xf32, #tpu.memory_space<vmem>>) target(%dma_start3A_96 : memref<40x128xf32, #tpu.memory_space<vmem_shared>>) target_semaphore(%arg15 : memref<!tpu.dma_semaphore, #tpu.memory_space<semaphore_mem>>)
    %add3A_97 = arith.constant 520 : i32
    %add3A_98 = arith.addi %mul3A_18, %add3A_97 : i32
    %dma_start3A_99 = arith.constant 0 : i32
    %dma_start3A_100 = tpu.memref_slice %arg13[%add3A_98, %dma_start3A_99] : memref<10000x128xf32, #tpu.memory_space<vmem_shared>> -> memref<40x128xf32, #tpu.memory_space<vmem_shared>>
    %dma_start3A_101 = arith.constant 0 : i32
    %dma_start3A_102 = tpu.memref_slice %arg13[%add3A_98, %dma_start3A_101] : memref<10000x128xf32, #tpu.memory_space<vmem_shared>> -> memref<40x128xf32, #tpu.memory_space<vmem_shared>>
    tpu.enqueue_dma source(%arg8 : memref<40x128xf32, #tpu.memory_space<vmem>>) target(%dma_start3A_102 : memref<40x128xf32, #tpu.memory_space<vmem_shared>>) target_semaphore(%arg15 : memref<!tpu.dma_semaphore, #tpu.memory_space<semaphore_mem>>)
    %add3A_103 = arith.constant 560 : i32
    %add3A_104 = arith.addi %mul3A_18, %add3A_103 : i32
    %dma_start3A_105 = arith.constant 0 : i32
    %dma_start3A_106 = tpu.memref_slice %arg13[%add3A_104, %dma_start3A_105] : memref<10000x128xf32, #tpu.memory_space<vmem_shared>> -> memref<40x128xf32, #tpu.memory_space<vmem_shared>>
    %dma_start3A_107 = arith.constant 0 : i32
    %dma_start3A_108 = tpu.memref_slice %arg13[%add3A_104, %dma_start3A_107] : memref<10000x128xf32, #tpu.memory_space<vmem_shared>> -> memref<40x128xf32, #tpu.memory_space<vmem_shared>>
    tpu.enqueue_dma source(%arg8 : memref<40x128xf32, #tpu.memory_space<vmem>>) target(%dma_start3A_108 : memref<40x128xf32, #tpu.memory_space<vmem_shared>>) target_semaphore(%arg15 : memref<!tpu.dma_semaphore, #tpu.memory_space<semaphore_mem>>)
    %add3A_109 = arith.constant 625 : i32
    %add3A_110 = arith.addi %mul3A_18, %add3A_109 : i32
    %sub3A = arith.constant 25 : i32
    %sub3A_111 = arith.subi %add3A_110, %sub3A : i32
    "tpu.region"() ({
      %run_scoped3A = tpu.sem_alloc : memref<!tpu.dma_semaphore, #tpu.memory_space<semaphore_mem>>
      %dma_start3A_256 = arith.constant 0 : i32
      %dma_start3A_257 = arith.constant 0 : i32
      %dma_start3A_258 = tpu.memref_slice %arg8[%dma_start3A_256, %dma_start3A_257] : memref<40x128xf32, #tpu.memory_space<vmem>> -> memref<25x128xf32, #tpu.memory_space<vmem>>
      %dma_start3A_259 = arith.constant 0 : i32
      %dma_start3A_260 = tpu.memref_slice %arg13[%sub3A_111, %dma_start3A_259] : memref<10000x128xf32, #tpu.memory_space<vmem_shared>> -> memref<25x128xf32, #tpu.memory_space<vmem_shared>>
      %dma_start3A_261 = arith.constant 0 : i32
      %dma_start3A_262 = tpu.memref_slice %arg13[%sub3A_111, %dma_start3A_261] : memref<10000x128xf32, #tpu.memory_space<vmem_shared>> -> memref<25x128xf32, #tpu.memory_space<vmem_shared>>
      %dma_start3A_263 = arith.constant 0 : i32
      %dma_start3A_264 = arith.constant 0 : i32
      %dma_start3A_265 = tpu.memref_slice %arg8[%dma_start3A_263, %dma_start3A_264] : memref<40x128xf32, #tpu.memory_space<vmem>> -> memref<25x128xf32, #tpu.memory_space<vmem>>
      tpu.enqueue_dma source(%dma_start3A_265 : memref<25x128xf32, #tpu.memory_space<vmem>>) target(%dma_start3A_262 : memref<25x128xf32, #tpu.memory_space<vmem_shared>>) target_semaphore(%run_scoped3A : memref<!tpu.dma_semaphore, #tpu.memory_space<semaphore_mem>>)
      %dma_wait3A_266 = arith.constant 0 : i32
      %dma_wait3A_267 = arith.constant 0 : i32
      %dma_wait3A_268 = tpu.memref_slice %arg8[%dma_wait3A_266, %dma_wait3A_267] : memref<40x128xf32, #tpu.memory_space<vmem>> -> memref<25x128xf32, #tpu.memory_space<vmem>>
      %dma_wait3A_269 = arith.constant 0 : i32
      %dma_wait3A_270 = tpu.memref_slice %arg13[%sub3A_111, %dma_wait3A_269] : memref<10000x128xf32, #tpu.memory_space<vmem_shared>> -> memref<25x128xf32, #tpu.memory_space<vmem_shared>>
      %dma_wait3A_271 = arith.constant 0 : i32
      %dma_wait3A_272 = tpu.memref_slice %arg13[%sub3A_111, %dma_wait3A_271] : memref<10000x128xf32, #tpu.memory_space<vmem_shared>> -> memref<25x128xf32, #tpu.memory_space<vmem_shared>>
      %dma_wait3A_273 = arith.constant 0 : i32
      %dma_wait3A_274 = arith.constant 0 : i32
      %dma_wait3A_275 = tpu.memref_slice %arg8[%dma_wait3A_273, %dma_wait3A_274] : memref<40x128xf32, #tpu.memory_space<vmem>> -> memref<25x128xf32, #tpu.memory_space<vmem>>
      tpu.wait_dma2 semaphore(%run_scoped3A : memref<!tpu.dma_semaphore, #tpu.memory_space<semaphore_mem>>) src(%dma_wait3A_275 : memref<25x128xf32, #tpu.memory_space<vmem>>) dst(%dma_wait3A_272 : memref<25x128xf32, #tpu.memory_space<vmem_shared>>)
      tpu.yield
    }) : () -> ()
    %add3A_112 = arith.constant 0 : i32
    %add3A_113 = arith.addi %mul3A_18, %add3A_112 : i32
    %dma_wait3A = arith.constant 0 : i32
    %dma_wait3A_114 = tpu.memref_slice %arg13[%add3A_113, %dma_wait3A] : memref<10000x128xf32, #tpu.memory_space<vmem_shared>> -> memref<40x128xf32, #tpu.memory_space<vmem_shared>>
    %dma_wait3A_115 = arith.constant 0 : i32
    %dma_wait3A_116 = tpu.memref_slice %arg13[%add3A_113, %dma_wait3A_115] : memref<10000x128xf32, #tpu.memory_space<vmem_shared>> -> memref<40x128xf32, #tpu.memory_space<vmem_shared>>
    tpu.wait_dma2 semaphore(%arg15 : memref<!tpu.dma_semaphore, #tpu.memory_space<semaphore_mem>>) src(%arg8 : memref<40x128xf32, #tpu.memory_space<vmem>>) dst(%dma_wait3A_116 : memref<40x128xf32, #tpu.memory_space<vmem_shared>>)
    %add3A_117 = arith.constant 40 : i32
    %add3A_118 = arith.addi %mul3A_18, %add3A_117 : i32
    %dma_wait3A_119 = arith.constant 0 : i32
    %dma_wait3A_120 = tpu.memref_slice %arg13[%add3A_118, %dma_wait3A_119] : memref<10000x128xf32, #tpu.memory_space<vmem_shared>> -> memref<40x128xf32, #tpu.memory_space<vmem_shared>>
    %dma_wait3A_121 = arith.constant 0 : i32
    %dma_wait3A_122 = tpu.memref_slice %arg13[%add3A_118, %dma_wait3A_121] : memref<10000x128xf32, #tpu.memory_space<vmem_shared>> -> memref<40x128xf32, #tpu.memory_space<vmem_shared>>
    tpu.wait_dma2 semaphore(%arg15 : memref<!tpu.dma_semaphore, #tpu.memory_space<semaphore_mem>>) src(%arg8 : memref<40x128xf32, #tpu.memory_space<vmem>>) dst(%dma_wait3A_122 : memref<40x128xf32, #tpu.memory_space<vmem_shared>>)
    %add3A_123 = arith.constant 80 : i32
    %add3A_124 = arith.addi %mul3A_18, %add3A_123 : i32
    %dma_wait3A_125 = arith.constant 0 : i32
    %dma_wait3A_126 = tpu.memref_slice %arg13[%add3A_124, %dma_wait3A_125] : memref<10000x128xf32, #tpu.memory_space<vmem_shared>> -> memref<40x128xf32, #tpu.memory_space<vmem_shared>>
    %dma_wait3A_127 = arith.constant 0 : i32
    %dma_wait3A_128 = tpu.memref_slice %arg13[%add3A_124, %dma_wait3A_127] : memref<10000x128xf32, #tpu.memory_space<vmem_shared>> -> memref<40x128xf32, #tpu.memory_space<vmem_shared>>
    tpu.wait_dma2 semaphore(%arg15 : memref<!tpu.dma_semaphore, #tpu.memory_space<semaphore_mem>>) src(%arg8 : memref<40x128xf32, #tpu.memory_space<vmem>>) dst(%dma_wait3A_128 : memref<40x128xf32, #tpu.memory_space<vmem_shared>>)
    %add3A_129 = arith.constant 120 : i32
    %add3A_130 = arith.addi %mul3A_18, %add3A_129 : i32
    %dma_wait3A_131 = arith.constant 0 : i32
    %dma_wait3A_132 = tpu.memref_slice %arg13[%add3A_130, %dma_wait3A_131] : memref<10000x128xf32, #tpu.memory_space<vmem_shared>> -> memref<40x128xf32, #tpu.memory_space<vmem_shared>>
    %dma_wait3A_133 = arith.constant 0 : i32
    %dma_wait3A_134 = tpu.memref_slice %arg13[%add3A_130, %dma_wait3A_133] : memref<10000x128xf32, #tpu.memory_space<vmem_shared>> -> memref<40x128xf32, #tpu.memory_space<vmem_shared>>
    tpu.wait_dma2 semaphore(%arg15 : memref<!tpu.dma_semaphore, #tpu.memory_space<semaphore_mem>>) src(%arg8 : memref<40x128xf32, #tpu.memory_space<vmem>>) dst(%dma_wait3A_134 : memref<40x128xf32, #tpu.memory_space<vmem_shared>>)
    %add3A_135 = arith.constant 160 : i32
    %add3A_136 = arith.addi %mul3A_18, %add3A_135 : i32
    %dma_wait3A_137 = arith.constant 0 : i32
    %dma_wait3A_138 = tpu.memref_slice %arg13[%add3A_136, %dma_wait3A_137] : memref<10000x128xf32, #tpu.memory_space<vmem_shared>> -> memref<40x128xf32, #tpu.memory_space<vmem_shared>>
    %dma_wait3A_139 = arith.constant 0 : i32
    %dma_wait3A_140 = tpu.memref_slice %arg13[%add3A_136, %dma_wait3A_139] : memref<10000x128xf32, #tpu.memory_space<vmem_shared>> -> memref<40x128xf32, #tpu.memory_space<vmem_shared>>
    tpu.wait_dma2 semaphore(%arg15 : memref<!tpu.dma_semaphore, #tpu.memory_space<semaphore_mem>>) src(%arg8 : memref<40x128xf32, #tpu.memory_space<vmem>>) dst(%dma_wait3A_140 : memref<40x128xf32, #tpu.memory_space<vmem_shared>>)
    %add3A_141 = arith.constant 200 : i32
    %add3A_142 = arith.addi %mul3A_18, %add3A_141 : i32
    %dma_wait3A_143 = arith.constant 0 : i32
    %dma_wait3A_144 = tpu.memref_slice %arg13[%add3A_142, %dma_wait3A_143] : memref<10000x128xf32, #tpu.memory_space<vmem_shared>> -> memref<40x128xf32, #tpu.memory_space<vmem_shared>>
    %dma_wait3A_145 = arith.constant 0 : i32
    %dma_wait3A_146 = tpu.memref_slice %arg13[%add3A_142, %dma_wait3A_145] : memref<10000x128xf32, #tpu.memory_space<vmem_shared>> -> memref<40x128xf32, #tpu.memory_space<vmem_shared>>
    tpu.wait_dma2 semaphore(%arg15 : memref<!tpu.dma_semaphore, #tpu.memory_space<semaphore_mem>>) src(%arg8 : memref<40x128xf32, #tpu.memory_space<vmem>>) dst(%dma_wait3A_146 : memref<40x128xf32, #tpu.memory_space<vmem_shared>>)
    %add3A_147 = arith.constant 240 : i32
    %add3A_148 = arith.addi %mul3A_18, %add3A_147 : i32
    %dma_wait3A_149 = arith.constant 0 : i32
    %dma_wait3A_150 = tpu.memref_slice %arg13[%add3A_148, %dma_wait3A_149] : memref<10000x128xf32, #tpu.memory_space<vmem_shared>> -> memref<40x128xf32, #tpu.memory_space<vmem_shared>>
    %dma_wait3A_151 = arith.constant 0 : i32
    %dma_wait3A_152 = tpu.memref_slice %arg13[%add3A_148, %dma_wait3A_151] : memref<10000x128xf32, #tpu.memory_space<vmem_shared>> -> memref<40x128xf32, #tpu.memory_space<vmem_shared>>
    tpu.wait_dma2 semaphore(%arg15 : memref<!tpu.dma_semaphore, #tpu.memory_space<semaphore_mem>>) src(%arg8 : memref<40x128xf32, #tpu.memory_space<vmem>>) dst(%dma_wait3A_152 : memref<40x128xf32, #tpu.memory_space<vmem_shared>>)
    %add3A_153 = arith.constant 280 : i32
    %add3A_154 = arith.addi %mul3A_18, %add3A_153 : i32
    %dma_wait3A_155 = arith.constant 0 : i32
    %dma_wait3A_156 = tpu.memref_slice %arg13[%add3A_154, %dma_wait3A_155] : memref<10000x128xf32, #tpu.memory_space<vmem_shared>> -> memref<40x128xf32, #tpu.memory_space<vmem_shared>>
    %dma_wait3A_157 = arith.constant 0 : i32
    %dma_wait3A_158 = tpu.memref_slice %arg13[%add3A_154, %dma_wait3A_157] : memref<10000x128xf32, #tpu.memory_space<vmem_shared>> -> memref<40x128xf32, #tpu.memory_space<vmem_shared>>
    tpu.wait_dma2 semaphore(%arg15 : memref<!tpu.dma_semaphore, #tpu.memory_space<semaphore_mem>>) src(%arg8 : memref<40x128xf32, #tpu.memory_space<vmem>>) dst(%dma_wait3A_158 : memref<40x128xf32, #tpu.memory_space<vmem_shared>>)
    %add3A_159 = arith.constant 320 : i32
    %add3A_160 = arith.addi %mul3A_18, %add3A_159 : i32
    %dma_wait3A_161 = arith.constant 0 : i32
    %dma_wait3A_162 = tpu.memref_slice %arg13[%add3A_160, %dma_wait3A_161] : memref<10000x128xf32, #tpu.memory_space<vmem_shared>> -> memref<40x128xf32, #tpu.memory_space<vmem_shared>>
    %dma_wait3A_163 = arith.constant 0 : i32
    %dma_wait3A_164 = tpu.memref_slice %arg13[%add3A_160, %dma_wait3A_163] : memref<10000x128xf32, #tpu.memory_space<vmem_shared>> -> memref<40x128xf32, #tpu.memory_space<vmem_shared>>
    tpu.wait_dma2 semaphore(%arg15 : memref<!tpu.dma_semaphore, #tpu.memory_space<semaphore_mem>>) src(%arg8 : memref<40x128xf32, #tpu.memory_space<vmem>>) dst(%dma_wait3A_164 : memref<40x128xf32, #tpu.memory_space<vmem_shared>>)
    %add3A_165 = arith.constant 360 : i32
    %add3A_166 = arith.addi %mul3A_18, %add3A_165 : i32
    %dma_wait3A_167 = arith.constant 0 : i32
    %dma_wait3A_168 = tpu.memref_slice %arg13[%add3A_166, %dma_wait3A_167] : memref<10000x128xf32, #tpu.memory_space<vmem_shared>> -> memref<40x128xf32, #tpu.memory_space<vmem_shared>>
    %dma_wait3A_169 = arith.constant 0 : i32
    %dma_wait3A_170 = tpu.memref_slice %arg13[%add3A_166, %dma_wait3A_169] : memref<10000x128xf32, #tpu.memory_space<vmem_shared>> -> memref<40x128xf32, #tpu.memory_space<vmem_shared>>
    tpu.wait_dma2 semaphore(%arg15 : memref<!tpu.dma_semaphore, #tpu.memory_space<semaphore_mem>>) src(%arg8 : memref<40x128xf32, #tpu.memory_space<vmem>>) dst(%dma_wait3A_170 : memref<40x128xf32, #tpu.memory_space<vmem_shared>>)
    %add3A_171 = arith.constant 400 : i32
    %add3A_172 = arith.addi %mul3A_18, %add3A_171 : i32
    %dma_wait3A_173 = arith.constant 0 : i32
    %dma_wait3A_174 = tpu.memref_slice %arg13[%add3A_172, %dma_wait3A_173] : memref<10000x128xf32, #tpu.memory_space<vmem_shared>> -> memref<40x128xf32, #tpu.memory_space<vmem_shared>>
    %dma_wait3A_175 = arith.constant 0 : i32
    %dma_wait3A_176 = tpu.memref_slice %arg13[%add3A_172, %dma_wait3A_175] : memref<10000x128xf32, #tpu.memory_space<vmem_shared>> -> memref<40x128xf32, #tpu.memory_space<vmem_shared>>
    tpu.wait_dma2 semaphore(%arg15 : memref<!tpu.dma_semaphore, #tpu.memory_space<semaphore_mem>>) src(%arg8 : memref<40x128xf32, #tpu.memory_space<vmem>>) dst(%dma_wait3A_176 : memref<40x128xf32, #tpu.memory_space<vmem_shared>>)
    %add3A_177 = arith.constant 440 : i32
    %add3A_178 = arith.addi %mul3A_18, %add3A_177 : i32
    %dma_wait3A_179 = arith.constant 0 : i32
    %dma_wait3A_180 = tpu.memref_slice %arg13[%add3A_178, %dma_wait3A_179] : memref<10000x128xf32, #tpu.memory_space<vmem_shared>> -> memref<40x128xf32, #tpu.memory_space<vmem_shared>>
    %dma_wait3A_181 = arith.constant 0 : i32
    %dma_wait3A_182 = tpu.memref_slice %arg13[%add3A_178, %dma_wait3A_181] : memref<10000x128xf32, #tpu.memory_space<vmem_shared>> -> memref<40x128xf32, #tpu.memory_space<vmem_shared>>
    tpu.wait_dma2 semaphore(%arg15 : memref<!tpu.dma_semaphore, #tpu.memory_space<semaphore_mem>>) src(%arg8 : memref<40x128xf32, #tpu.memory_space<vmem>>) dst(%dma_wait3A_182 : memref<40x128xf32, #tpu.memory_space<vmem_shared>>)
    %add3A_183 = arith.constant 480 : i32
    %add3A_184 = arith.addi %mul3A_18, %add3A_183 : i32
    %dma_wait3A_185 = arith.constant 0 : i32
    %dma_wait3A_186 = tpu.memref_slice %arg13[%add3A_184, %dma_wait3A_185] : memref<10000x128xf32, #tpu.memory_space<vmem_shared>> -> memref<40x128xf32, #tpu.memory_space<vmem_shared>>
    %dma_wait3A_187 = arith.constant 0 : i32
    %dma_wait3A_188 = tpu.memref_slice %arg13[%add3A_184, %dma_wait3A_187] : memref<10000x128xf32, #tpu.memory_space<vmem_shared>> -> memref<40x128xf32, #tpu.memory_space<vmem_shared>>
    tpu.wait_dma2 semaphore(%arg15 : memref<!tpu.dma_semaphore, #tpu.memory_space<semaphore_mem>>) src(%arg8 : memref<40x128xf32, #tpu.memory_space<vmem>>) dst(%dma_wait3A_188 : memref<40x128xf32, #tpu.memory_space<vmem_shared>>)
    %add3A_189 = arith.constant 520 : i32
    %add3A_190 = arith.addi %mul3A_18, %add3A_189 : i32
    %dma_wait3A_191 = arith.constant 0 : i32
    %dma_wait3A_192 = tpu.memref_slice %arg13[%add3A_190, %dma_wait3A_191] : memref<10000x128xf32, #tpu.memory_space<vmem_shared>> -> memref<40x128xf32, #tpu.memory_space<vmem_shared>>
    %dma_wait3A_193 = arith.constant 0 : i32
    %dma_wait3A_194 = tpu.memref_slice %arg13[%add3A_190, %dma_wait3A_193] : memref<10000x128xf32, #tpu.memory_space<vmem_shared>> -> memref<40x128xf32, #tpu.memory_space<vmem_shared>>
    tpu.wait_dma2 semaphore(%arg15 : memref<!tpu.dma_semaphore, #tpu.memory_space<semaphore_mem>>) src(%arg8 : memref<40x128xf32, #tpu.memory_space<vmem>>) dst(%dma_wait3A_194 : memref<40x128xf32, #tpu.memory_space<vmem_shared>>)
    %add3A_195 = arith.constant 560 : i32
    %add3A_196 = arith.addi %mul3A_18, %add3A_195 : i32
    %dma_wait3A_197 = arith.constant 0 : i32
    %dma_wait3A_198 = tpu.memref_slice %arg13[%add3A_196, %dma_wait3A_197] : memref<10000x128xf32, #tpu.memory_space<vmem_shared>> -> memref<40x128xf32, #tpu.memory_space<vmem_shared>>
    %dma_wait3A_199 = arith.constant 0 : i32
    %dma_wait3A_200 = tpu.memref_slice %arg13[%add3A_196, %dma_wait3A_199] : memref<10000x128xf32, #tpu.memory_space<vmem_shared>> -> memref<40x128xf32, #tpu.memory_space<vmem_shared>>
    tpu.wait_dma2 semaphore(%arg15 : memref<!tpu.dma_semaphore, #tpu.memory_space<semaphore_mem>>) src(%arg8 : memref<40x128xf32, #tpu.memory_space<vmem>>) dst(%dma_wait3A_200 : memref<40x128xf32, #tpu.memory_space<vmem_shared>>)
    %dma_wait3A_201 = arith.constant 0 : i32
    %dma_wait3A_202 = tpu.memref_slice %arg3[%mul3A_2, %dma_wait3A_201] : memref<8000x40xi32, #tpu.memory_space<hbm>> -> memref<250x40xi32, #tpu.memory_space<hbm>>
    %dma_wait3A_203 = arith.constant 0 : i32
    %dma_wait3A_204 = tpu.memref_slice %arg3[%mul3A_2, %dma_wait3A_203] : memref<8000x40xi32, #tpu.memory_space<hbm>> -> memref<250x40xi32, #tpu.memory_space<hbm>>
    tpu.wait_dma2 semaphore(%arg14 : memref<!tpu.dma_semaphore, #tpu.memory_space<semaphore_mem>>) src(%dma_wait3A_204 : memref<250x40xi32, #tpu.memory_space<hbm>>) dst(%arg6 : memref<250x40xi32, #tpu.memory_space<vmem>>)
    %dma_wait3A_205 = arith.constant 0 : i32
    %dma_wait3A_206 = tpu.memref_slice %arg4[%mul3A_2, %dma_wait3A_205] : memref<8000x40xi32, #tpu.memory_space<hbm>> -> memref<250x40xi32, #tpu.memory_space<hbm>>
    %dma_wait3A_207 = arith.constant 0 : i32
    %dma_wait3A_208 = tpu.memref_slice %arg4[%mul3A_2, %dma_wait3A_207] : memref<8000x40xi32, #tpu.memory_space<hbm>> -> memref<250x40xi32, #tpu.memory_space<hbm>>
    tpu.wait_dma2 semaphore(%arg14 : memref<!tpu.dma_semaphore, #tpu.memory_space<semaphore_mem>>) src(%dma_wait3A_208 : memref<250x40xi32, #tpu.memory_space<hbm>>) dst(%arg7 : memref<250x40xi32, #tpu.memory_space<vmem>>)
    %dma_start3A_209 = arith.constant 0 : i32
    %dma_start3A_210 = arith.constant 0 : i32
    %dma_start3A_211 = tpu.memref_slice %arg6[%dma_start3A_209, %dma_start3A_210] : memref<250x40xi32, #tpu.memory_space<vmem>> -> memref<1x40xi32, #tpu.memory_space<vmem>>
    %dma_start3A_212 = tpu.memref_squeeze %dma_start3A_211 : memref<1x40xi32, #tpu.memory_space<vmem>> -> memref<40xi32, #tpu.memory_space<vmem>>
    %dma_start3A_213 = arith.constant 0 : i32
    %dma_start3A_214 = arith.constant 0 : i32
    %dma_start3A_215 = tpu.memref_slice %arg2[%dma_start3A_213, %dma_start3A_214] : memref<10000x128xf32, #tpu.memory_space<hbm>> -> memref<10000x128xf32, #tpu.memory_space<hbm>>
    tpu.enqueue_indirect_dma source(%dma_start3A_215 : memref<10000x128xf32, #tpu.memory_space<hbm>>) target(%arg8 : memref<40x128xf32, #tpu.memory_space<vmem>>) offsets(%dma_start3A_212 : memref<40xi32, #tpu.memory_space<vmem>>) semaphore(%arg15 : memref<!tpu.dma_semaphore, #tpu.memory_space<semaphore_mem>>)
    %dma_start3A_216 = arith.constant 1 : i32
    %dma_start3A_217 = arith.constant 0 : i32
    %dma_start3A_218 = tpu.memref_slice %arg6[%dma_start3A_216, %dma_start3A_217] : memref<250x40xi32, #tpu.memory_space<vmem>> -> memref<1x40xi32, #tpu.memory_space<vmem>>
    %dma_start3A_219 = tpu.memref_squeeze %dma_start3A_218 : memref<1x40xi32, #tpu.memory_space<vmem>> -> memref<40xi32, #tpu.memory_space<vmem>>
    %dma_start3A_220 = arith.constant 0 : i32
    %dma_start3A_221 = arith.constant 0 : i32
    %dma_start3A_222 = tpu.memref_slice %arg2[%dma_start3A_220, %dma_start3A_221] : memref<10000x128xf32, #tpu.memory_space<hbm>> -> memref<10000x128xf32, #tpu.memory_space<hbm>>
    tpu.enqueue_indirect_dma source(%dma_start3A_222 : memref<10000x128xf32, #tpu.memory_space<hbm>>) target(%arg9 : memref<40x128xf32, #tpu.memory_space<vmem>>) offsets(%dma_start3A_219 : memref<40xi32, #tpu.memory_space<vmem>>) semaphore(%arg16 : memref<!tpu.dma_semaphore, #tpu.memory_space<semaphore_mem>>)
    %dma_start3A_223 = arith.constant 2 : i32
    %dma_start3A_224 = arith.constant 0 : i32
    %dma_start3A_225 = tpu.memref_slice %arg6[%dma_start3A_223, %dma_start3A_224] : memref<250x40xi32, #tpu.memory_space<vmem>> -> memref<1x40xi32, #tpu.memory_space<vmem>>
    %dma_start3A_226 = tpu.memref_squeeze %dma_start3A_225 : memref<1x40xi32, #tpu.memory_space<vmem>> -> memref<40xi32, #tpu.memory_space<vmem>>
    %dma_start3A_227 = arith.constant 0 : i32
    %dma_start3A_228 = arith.constant 0 : i32
    %dma_start3A_229 = tpu.memref_slice %arg2[%dma_start3A_227, %dma_start3A_228] : memref<10000x128xf32, #tpu.memory_space<hbm>> -> memref<10000x128xf32, #tpu.memory_space<hbm>>
    tpu.enqueue_indirect_dma source(%dma_start3A_229 : memref<10000x128xf32, #tpu.memory_space<hbm>>) target(%arg10 : memref<40x128xf32, #tpu.memory_space<vmem>>) offsets(%dma_start3A_226 : memref<40xi32, #tpu.memory_space<vmem>>) semaphore(%arg17 : memref<!tpu.dma_semaphore, #tpu.memory_space<semaphore_mem>>)
    %dma_start3A_230 = arith.constant 3 : i32
    %dma_start3A_231 = arith.constant 0 : i32
    %dma_start3A_232 = tpu.memref_slice %arg6[%dma_start3A_230, %dma_start3A_231] : memref<250x40xi32, #tpu.memory_space<vmem>> -> memref<1x40xi32, #tpu.memory_space<vmem>>
    %dma_start3A_233 = tpu.memref_squeeze %dma_start3A_232 : memref<1x40xi32, #tpu.memory_space<vmem>> -> memref<40xi32, #tpu.memory_space<vmem>>
    %dma_start3A_234 = arith.constant 0 : i32
    %dma_start3A_235 = arith.constant 0 : i32
    %dma_start3A_236 = tpu.memref_slice %arg2[%dma_start3A_234, %dma_start3A_235] : memref<10000x128xf32, #tpu.memory_space<hbm>> -> memref<10000x128xf32, #tpu.memory_space<hbm>>
    tpu.enqueue_indirect_dma source(%dma_start3A_236 : memref<10000x128xf32, #tpu.memory_space<hbm>>) target(%arg11 : memref<40x128xf32, #tpu.memory_space<vmem>>) offsets(%dma_start3A_233 : memref<40xi32, #tpu.memory_space<vmem>>) semaphore(%arg18 : memref<!tpu.dma_semaphore, #tpu.memory_space<semaphore_mem>>)
    %dma_start3A_237 = arith.constant 4 : i32
    %dma_start3A_238 = arith.constant 0 : i32
    %dma_start3A_239 = tpu.memref_slice %arg6[%dma_start3A_237, %dma_start3A_238] : memref<250x40xi32, #tpu.memory_space<vmem>> -> memref<1x40xi32, #tpu.memory_space<vmem>>
    %dma_start3A_240 = tpu.memref_squeeze %dma_start3A_239 : memref<1x40xi32, #tpu.memory_space<vmem>> -> memref<40xi32, #tpu.memory_space<vmem>>
    %dma_start3A_241 = arith.constant 0 : i32
    %dma_start3A_242 = arith.constant 0 : i32
    %dma_start3A_243 = tpu.memref_slice %arg2[%dma_start3A_241, %dma_start3A_242] : memref<10000x128xf32, #tpu.memory_space<hbm>> -> memref<10000x128xf32, #tpu.memory_space<hbm>>
    tpu.enqueue_indirect_dma source(%dma_start3A_243 : memref<10000x128xf32, #tpu.memory_space<hbm>>) target(%arg12 : memref<40x128xf32, #tpu.memory_space<vmem>>) offsets(%dma_start3A_240 : memref<40xi32, #tpu.memory_space<vmem>>) semaphore(%arg19 : memref<!tpu.dma_semaphore, #tpu.memory_space<semaphore_mem>>)
    %barrier3A = arith.constant 0 : index
    tpu.barrier barrier_id(%barrier3A)
    %scan3A_244 = arith.constant 0 : i32
    %scan3A_245 = arith.constant 0 : i32
    %scan3A_246 = arith.constant 50 : i32
    %scan3A_247 = arith.addi %scan3A_245, %scan3A_246 : i32
    %scan3A_248 = arith.constant 1 : i32
    %scan3A_249 = scf.for %scan3A_256 = %scan3A_245 to %scan3A_247 step %scan3A_248 iter_args(%scan3A_257 = %scan3A_244) -> (i32)  : i32 {
      %mul3A_258 = arith.constant 5 : i32
      %mul3A_259 = arith.muli %mul3A_258, %scan3A_256 : i32
      %add3A_260 = arith.constant 0 : i32
      %add3A_261 = arith.addi %mul3A_259, %add3A_260 : i32
      %dma_wait3A_262 = arith.constant 0 : i32
      %dma_wait3A_263 = tpu.memref_slice %arg6[%add3A_261, %dma_wait3A_262] : memref<250x40xi32, #tpu.memory_space<vmem>> -> memref<1x40xi32, #tpu.memory_space<vmem>>
      %dma_wait3A_264 = tpu.memref_squeeze %dma_wait3A_263 : memref<1x40xi32, #tpu.memory_space<vmem>> -> memref<40xi32, #tpu.memory_space<vmem>>
      %dma_wait3A_265 = arith.constant 0 : i32
      %dma_wait3A_266 = arith.constant 0 : i32
      %dma_wait3A_267 = tpu.memref_slice %arg2[%dma_wait3A_265, %dma_wait3A_266] : memref<10000x128xf32, #tpu.memory_space<hbm>> -> memref<10000x128xf32, #tpu.memory_space<hbm>>
      tpu.wait_indirect_dma semaphore(%arg15 : memref<!tpu.dma_semaphore, #tpu.memory_space<semaphore_mem>>) src(%dma_wait3A_267 : memref<10000x128xf32, #tpu.memory_space<hbm>>) dst(%arg8 : memref<40x128xf32, #tpu.memory_space<vmem>>)
      %add3A_268 = arith.constant 0 : i32
      %add3A_269 = arith.addi %mul3A_259, %add3A_268 : i32
      %dma_start3A_270 = arith.constant 0 : i32
      %dma_start3A_271 = tpu.memref_slice %arg7[%add3A_269, %dma_start3A_270] : memref<250x40xi32, #tpu.memory_space<vmem>> -> memref<1x40xi32, #tpu.memory_space<vmem>>
      %dma_start3A_272 = tpu.memref_squeeze %dma_start3A_271 : memref<1x40xi32, #tpu.memory_space<vmem>> -> memref<40xi32, #tpu.memory_space<vmem>>
      %dma_start3A_273 = arith.constant 0 : i32
      %dma_start3A_274 = arith.constant 0 : i32
      %dma_start3A_275 = tpu.memref_slice %arg13[%dma_start3A_273, %dma_start3A_274] : memref<10000x128xf32, #tpu.memory_space<vmem_shared>> -> memref<10000x128xf32, #tpu.memory_space<vmem_shared>>
      tpu.enqueue_indirect_dma source(%arg8 : memref<40x128xf32, #tpu.memory_space<vmem>>) target(%dma_start3A_275 : memref<10000x128xf32, #tpu.memory_space<vmem_shared>>) offsets(%dma_start3A_272 : memref<40xi32, #tpu.memory_space<vmem>>) semaphore(%arg20 : memref<!tpu.dma_semaphore, #tpu.memory_space<semaphore_mem>>) {add = true}
      %add3A_276 = arith.constant 1 : i32
      %add3A_277 = arith.addi %mul3A_259, %add3A_276 : i32
      %dma_wait3A_278 = arith.constant 0 : i32
      %dma_wait3A_279 = tpu.memref_slice %arg6[%add3A_277, %dma_wait3A_278] : memref<250x40xi32, #tpu.memory_space<vmem>> -> memref<1x40xi32, #tpu.memory_space<vmem>>
      %dma_wait3A_280 = tpu.memref_squeeze %dma_wait3A_279 : memref<1x40xi32, #tpu.memory_space<vmem>> -> memref<40xi32, #tpu.memory_space<vmem>>
      %dma_wait3A_281 = arith.constant 0 : i32
      %dma_wait3A_282 = arith.constant 0 : i32
      %dma_wait3A_283 = tpu.memref_slice %arg2[%dma_wait3A_281, %dma_wait3A_282] : memref<10000x128xf32, #tpu.memory_space<hbm>> -> memref<10000x128xf32, #tpu.memory_space<hbm>>
      tpu.wait_indirect_dma semaphore(%arg16 : memref<!tpu.dma_semaphore, #tpu.memory_space<semaphore_mem>>) src(%dma_wait3A_283 : memref<10000x128xf32, #tpu.memory_space<hbm>>) dst(%arg9 : memref<40x128xf32, #tpu.memory_space<vmem>>)
      %add3A_284 = arith.constant 1 : i32
      %add3A_285 = arith.addi %mul3A_259, %add3A_284 : i32
      %dma_start3A_286 = arith.constant 0 : i32
      %dma_start3A_287 = tpu.memref_slice %arg7[%add3A_285, %dma_start3A_286] : memref<250x40xi32, #tpu.memory_space<vmem>> -> memref<1x40xi32, #tpu.memory_space<vmem>>
      %dma_start3A_288 = tpu.memref_squeeze %dma_start3A_287 : memref<1x40xi32, #tpu.memory_space<vmem>> -> memref<40xi32, #tpu.memory_space<vmem>>
      %dma_start3A_289 = arith.constant 0 : i32
      %dma_start3A_290 = arith.constant 0 : i32
      %dma_start3A_291 = tpu.memref_slice %arg13[%dma_start3A_289, %dma_start3A_290] : memref<10000x128xf32, #tpu.memory_space<vmem_shared>> -> memref<10000x128xf32, #tpu.memory_space<vmem_shared>>
      tpu.enqueue_indirect_dma source(%arg9 : memref<40x128xf32, #tpu.memory_space<vmem>>) target(%dma_start3A_291 : memref<10000x128xf32, #tpu.memory_space<vmem_shared>>) offsets(%dma_start3A_288 : memref<40xi32, #tpu.memory_space<vmem>>) semaphore(%arg21 : memref<!tpu.dma_semaphore, #tpu.memory_space<semaphore_mem>>) {add = true}
      %add3A_292 = arith.constant 2 : i32
      %add3A_293 = arith.addi %mul3A_259, %add3A_292 : i32
      %dma_wait3A_294 = arith.constant 0 : i32
      %dma_wait3A_295 = tpu.memref_slice %arg6[%add3A_293, %dma_wait3A_294] : memref<250x40xi32, #tpu.memory_space<vmem>> -> memref<1x40xi32, #tpu.memory_space<vmem>>
      %dma_wait3A_296 = tpu.memref_squeeze %dma_wait3A_295 : memref<1x40xi32, #tpu.memory_space<vmem>> -> memref<40xi32, #tpu.memory_space<vmem>>
      %dma_wait3A_297 = arith.constant 0 : i32
      %dma_wait3A_298 = arith.constant 0 : i32
      %dma_wait3A_299 = tpu.memref_slice %arg2[%dma_wait3A_297, %dma_wait3A_298] : memref<10000x128xf32, #tpu.memory_space<hbm>> -> memref<10000x128xf32, #tpu.memory_space<hbm>>
      tpu.wait_indirect_dma semaphore(%arg17 : memref<!tpu.dma_semaphore, #tpu.memory_space<semaphore_mem>>) src(%dma_wait3A_299 : memref<10000x128xf32, #tpu.memory_space<hbm>>) dst(%arg10 : memref<40x128xf32, #tpu.memory_space<vmem>>)
      %add3A_300 = arith.constant 2 : i32
      %add3A_301 = arith.addi %mul3A_259, %add3A_300 : i32
      %dma_start3A_302 = arith.constant 0 : i32
      %dma_start3A_303 = tpu.memref_slice %arg7[%add3A_301, %dma_start3A_302] : memref<250x40xi32, #tpu.memory_space<vmem>> -> memref<1x40xi32, #tpu.memory_space<vmem>>
      %dma_start3A_304 = tpu.memref_squeeze %dma_start3A_303 : memref<1x40xi32, #tpu.memory_space<vmem>> -> memref<40xi32, #tpu.memory_space<vmem>>
      %dma_start3A_305 = arith.constant 0 : i32
      %dma_start3A_306 = arith.constant 0 : i32
      %dma_start3A_307 = tpu.memref_slice %arg13[%dma_start3A_305, %dma_start3A_306] : memref<10000x128xf32, #tpu.memory_space<vmem_shared>> -> memref<10000x128xf32, #tpu.memory_space<vmem_shared>>
      tpu.enqueue_indirect_dma source(%arg10 : memref<40x128xf32, #tpu.memory_space<vmem>>) target(%dma_start3A_307 : memref<10000x128xf32, #tpu.memory_space<vmem_shared>>) offsets(%dma_start3A_304 : memref<40xi32, #tpu.memory_space<vmem>>) semaphore(%arg22 : memref<!tpu.dma_semaphore, #tpu.memory_space<semaphore_mem>>) {add = true}
      %add3A_308 = arith.constant 3 : i32
      %add3A_309 = arith.addi %mul3A_259, %add3A_308 : i32
      %dma_wait3A_310 = arith.constant 0 : i32
      %dma_wait3A_311 = tpu.memref_slice %arg6[%add3A_309, %dma_wait3A_310] : memref<250x40xi32, #tpu.memory_space<vmem>> -> memref<1x40xi32, #tpu.memory_space<vmem>>
      %dma_wait3A_312 = tpu.memref_squeeze %dma_wait3A_311 : memref<1x40xi32, #tpu.memory_space<vmem>> -> memref<40xi32, #tpu.memory_space<vmem>>
      %dma_wait3A_313 = arith.constant 0 : i32
      %dma_wait3A_314 = arith.constant 0 : i32
      %dma_wait3A_315 = tpu.memref_slice %arg2[%dma_wait3A_313, %dma_wait3A_314] : memref<10000x128xf32, #tpu.memory_space<hbm>> -> memref<10000x128xf32, #tpu.memory_space<hbm>>
      tpu.wait_indirect_dma semaphore(%arg18 : memref<!tpu.dma_semaphore, #tpu.memory_space<semaphore_mem>>) src(%dma_wait3A_315 : memref<10000x128xf32, #tpu.memory_space<hbm>>) dst(%arg11 : memref<40x128xf32, #tpu.memory_space<vmem>>)
      %add3A_316 = arith.constant 3 : i32
      %add3A_317 = arith.addi %mul3A_259, %add3A_316 : i32
      %dma_start3A_318 = arith.constant 0 : i32
      %dma_start3A_319 = tpu.memref_slice %arg7[%add3A_317, %dma_start3A_318] : memref<250x40xi32, #tpu.memory_space<vmem>> -> memref<1x40xi32, #tpu.memory_space<vmem>>
      %dma_start3A_320 = tpu.memref_squeeze %dma_start3A_319 : memref<1x40xi32, #tpu.memory_space<vmem>> -> memref<40xi32, #tpu.memory_space<vmem>>
      %dma_start3A_321 = arith.constant 0 : i32
      %dma_start3A_322 = arith.constant 0 : i32
      %dma_start3A_323 = tpu.memref_slice %arg13[%dma_start3A_321, %dma_start3A_322] : memref<10000x128xf32, #tpu.memory_space<vmem_shared>> -> memref<10000x128xf32, #tpu.memory_space<vmem_shared>>
      tpu.enqueue_indirect_dma source(%arg11 : memref<40x128xf32, #tpu.memory_space<vmem>>) target(%dma_start3A_323 : memref<10000x128xf32, #tpu.memory_space<vmem_shared>>) offsets(%dma_start3A_320 : memref<40xi32, #tpu.memory_space<vmem>>) semaphore(%arg23 : memref<!tpu.dma_semaphore, #tpu.memory_space<semaphore_mem>>) {add = true}
      %add3A_324 = arith.constant 4 : i32
      %add3A_325 = arith.addi %mul3A_259, %add3A_324 : i32
      %dma_wait3A_326 = arith.constant 0 : i32
      %dma_wait3A_327 = tpu.memref_slice %arg6[%add3A_325, %dma_wait3A_326] : memref<250x40xi32, #tpu.memory_space<vmem>> -> memref<1x40xi32, #tpu.memory_space<vmem>>
      %dma_wait3A_328 = tpu.memref_squeeze %dma_wait3A_327 : memref<1x40xi32, #tpu.memory_space<vmem>> -> memref<40xi32, #tpu.memory_space<vmem>>
      %dma_wait3A_329 = arith.constant 0 : i32
      %dma_wait3A_330 = arith.constant 0 : i32
      %dma_wait3A_331 = tpu.memref_slice %arg2[%dma_wait3A_329, %dma_wait3A_330] : memref<10000x128xf32, #tpu.memory_space<hbm>> -> memref<10000x128xf32, #tpu.memory_space<hbm>>
      tpu.wait_indirect_dma semaphore(%arg19 : memref<!tpu.dma_semaphore, #tpu.memory_space<semaphore_mem>>) src(%dma_wait3A_331 : memref<10000x128xf32, #tpu.memory_space<hbm>>) dst(%arg12 : memref<40x128xf32, #tpu.memory_space<vmem>>)
      %add3A_332 = arith.constant 4 : i32
      %add3A_333 = arith.addi %mul3A_259, %add3A_332 : i32
      %dma_start3A_334 = arith.constant 0 : i32
      %dma_start3A_335 = tpu.memref_slice %arg7[%add3A_333, %dma_start3A_334] : memref<250x40xi32, #tpu.memory_space<vmem>> -> memref<1x40xi32, #tpu.memory_space<vmem>>
      %dma_start3A_336 = tpu.memref_squeeze %dma_start3A_335 : memref<1x40xi32, #tpu.memory_space<vmem>> -> memref<40xi32, #tpu.memory_space<vmem>>
      %dma_start3A_337 = arith.constant 0 : i32
      %dma_start3A_338 = arith.constant 0 : i32
      %dma_start3A_339 = tpu.memref_slice %arg13[%dma_start3A_337, %dma_start3A_338] : memref<10000x128xf32, #tpu.memory_space<vmem_shared>> -> memref<10000x128xf32, #tpu.memory_space<vmem_shared>>
      tpu.enqueue_indirect_dma source(%arg12 : memref<40x128xf32, #tpu.memory_space<vmem>>) target(%dma_start3A_339 : memref<10000x128xf32, #tpu.memory_space<vmem_shared>>) offsets(%dma_start3A_336 : memref<40xi32, #tpu.memory_space<vmem>>) semaphore(%arg24 : memref<!tpu.dma_semaphore, #tpu.memory_space<semaphore_mem>>) {add = true}
      %add3A_340 = arith.constant 0 : i32
      %add3A_341 = arith.addi %mul3A_259, %add3A_340 : i32
      %dma_wait3A_342 = arith.constant 0 : i32
      %dma_wait3A_343 = tpu.memref_slice %arg7[%add3A_341, %dma_wait3A_342] : memref<250x40xi32, #tpu.memory_space<vmem>> -> memref<1x40xi32, #tpu.memory_space<vmem>>
      %dma_wait3A_344 = tpu.memref_squeeze %dma_wait3A_343 : memref<1x40xi32, #tpu.memory_space<vmem>> -> memref<40xi32, #tpu.memory_space<vmem>>
      %dma_wait3A_345 = arith.constant 0 : i32
      %dma_wait3A_346 = arith.constant 0 : i32
      %dma_wait3A_347 = tpu.memref_slice %arg13[%dma_wait3A_345, %dma_wait3A_346] : memref<10000x128xf32, #tpu.memory_space<vmem_shared>> -> memref<10000x128xf32, #tpu.memory_space<vmem_shared>>
      tpu.wait_indirect_dma semaphore(%arg20 : memref<!tpu.dma_semaphore, #tpu.memory_space<semaphore_mem>>) src(%arg8 : memref<40x128xf32, #tpu.memory_space<vmem>>) dst(%dma_wait3A_347 : memref<10000x128xf32, #tpu.memory_space<vmem_shared>>)
      %add3A_348 = arith.constant 5 : i32
      %add3A_349 = arith.addi %mul3A_259, %add3A_348 : i32
      %add3A_350 = arith.constant 0 : i32
      %add3A_351 = arith.addi %add3A_349, %add3A_350 : i32
      %lt3A = arith.constant 250 : i32
      %lt3A_352 = arith.cmpi slt, %add3A_351, %lt3A : i32
      %convert_element_type3A = arith.extui %lt3A_352 : i1 to i32
      %cond3A = arith.constant 0 : i32
      %cond3A_353 = arith.cmpi ne, %convert_element_type3A, %cond3A : i32
      scf.if %cond3A_353 {
        %add3A_423 = arith.constant 5 : i32
        %add3A_424 = arith.addi %mul3A_259, %add3A_423 : i32
        %add3A_425 = arith.constant 0 : i32
        %add3A_426 = arith.addi %add3A_424, %add3A_425 : i32
        %dma_start3A_427 = arith.constant 0 : i32
        %dma_start3A_428 = tpu.memref_slice %arg6[%add3A_426, %dma_start3A_427] : memref<250x40xi32, #tpu.memory_space<vmem>> -> memref<1x40xi32, #tpu.memory_space<vmem>>
        %dma_start3A_429 = tpu.memref_squeeze %dma_start3A_428 : memref<1x40xi32, #tpu.memory_space<vmem>> -> memref<40xi32, #tpu.memory_space<vmem>>
        %dma_start3A_430 = arith.constant 0 : i32
        %dma_start3A_431 = arith.constant 0 : i32
        %dma_start3A_432 = tpu.memref_slice %arg2[%dma_start3A_430, %dma_start3A_431] : memref<10000x128xf32, #tpu.memory_space<hbm>> -> memref<10000x128xf32, #tpu.memory_space<hbm>>
        tpu.enqueue_indirect_dma source(%dma_start3A_432 : memref<10000x128xf32, #tpu.memory_space<hbm>>) target(%arg8 : memref<40x128xf32, #tpu.memory_space<vmem>>) offsets(%dma_start3A_429 : memref<40xi32, #tpu.memory_space<vmem>>) semaphore(%arg15 : memref<!tpu.dma_semaphore, #tpu.memory_space<semaphore_mem>>)
      } else {
      }
      %add3A_354 = arith.constant 1 : i32
      %add3A_355 = arith.addi %mul3A_259, %add3A_354 : i32
      %dma_wait3A_356 = arith.constant 0 : i32
      %dma_wait3A_357 = tpu.memref_slice %arg7[%add3A_355, %dma_wait3A_356] : memref<250x40xi32, #tpu.memory_space<vmem>> -> memref<1x40xi32, #tpu.memory_space<vmem>>
      %dma_wait3A_358 = tpu.memref_squeeze %dma_wait3A_357 : memref<1x40xi32, #tpu.memory_space<vmem>> -> memref<40xi32, #tpu.memory_space<vmem>>
      %dma_wait3A_359 = arith.constant 0 : i32
      %dma_wait3A_360 = arith.constant 0 : i32
      %dma_wait3A_361 = tpu.memref_slice %arg13[%dma_wait3A_359, %dma_wait3A_360] : memref<10000x128xf32, #tpu.memory_space<vmem_shared>> -> memref<10000x128xf32, #tpu.memory_space<vmem_shared>>
      tpu.wait_indirect_dma semaphore(%arg21 : memref<!tpu.dma_semaphore, #tpu.memory_space<semaphore_mem>>) src(%arg9 : memref<40x128xf32, #tpu.memory_space<vmem>>) dst(%dma_wait3A_361 : memref<10000x128xf32, #tpu.memory_space<vmem_shared>>)
      %add3A_362 = arith.constant 5 : i32
      %add3A_363 = arith.addi %mul3A_259, %add3A_362 : i32
      %add3A_364 = arith.constant 1 : i32
      %add3A_365 = arith.addi %add3A_363, %add3A_364 : i32
      %lt3A_366 = arith.constant 250 : i32
      %lt3A_367 = arith.cmpi slt, %add3A_365, %lt3A_366 : i32
      %convert_element_type3A_368 = arith.extui %lt3A_367 : i1 to i32
      %cond3A_369 = arith.constant 0 : i32
      %cond3A_370 = arith.cmpi ne, %convert_element_type3A_368, %cond3A_369 : i32
      scf.if %cond3A_370 {
        %add3A_423 = arith.constant 5 : i32
        %add3A_424 = arith.addi %mul3A_259, %add3A_423 : i32
        %add3A_425 = arith.constant 1 : i32
        %add3A_426 = arith.addi %add3A_424, %add3A_425 : i32
        %dma_start3A_427 = arith.constant 0 : i32
        %dma_start3A_428 = tpu.memref_slice %arg6[%add3A_426, %dma_start3A_427] : memref<250x40xi32, #tpu.memory_space<vmem>> -> memref<1x40xi32, #tpu.memory_space<vmem>>
        %dma_start3A_429 = tpu.memref_squeeze %dma_start3A_428 : memref<1x40xi32, #tpu.memory_space<vmem>> -> memref<40xi32, #tpu.memory_space<vmem>>
        %dma_start3A_430 = arith.constant 0 : i32
        %dma_start3A_431 = arith.constant 0 : i32
        %dma_start3A_432 = tpu.memref_slice %arg2[%dma_start3A_430, %dma_start3A_431] : memref<10000x128xf32, #tpu.memory_space<hbm>> -> memref<10000x128xf32, #tpu.memory_space<hbm>>
        tpu.enqueue_indirect_dma source(%dma_start3A_432 : memref<10000x128xf32, #tpu.memory_space<hbm>>) target(%arg9 : memref<40x128xf32, #tpu.memory_space<vmem>>) offsets(%dma_start3A_429 : memref<40xi32, #tpu.memory_space<vmem>>) semaphore(%arg16 : memref<!tpu.dma_semaphore, #tpu.memory_space<semaphore_mem>>)
      } else {
      }
      %add3A_371 = arith.constant 2 : i32
      %add3A_372 = arith.addi %mul3A_259, %add3A_371 : i32
      %dma_wait3A_373 = arith.constant 0 : i32
      %dma_wait3A_374 = tpu.memref_slice %arg7[%add3A_372, %dma_wait3A_373] : memref<250x40xi32, #tpu.memory_space<vmem>> -> memref<1x40xi32, #tpu.memory_space<vmem>>
      %dma_wait3A_375 = tpu.memref_squeeze %dma_wait3A_374 : memref<1x40xi32, #tpu.memory_space<vmem>> -> memref<40xi32, #tpu.memory_space<vmem>>
      %dma_wait3A_376 = arith.constant 0 : i32
      %dma_wait3A_377 = arith.constant 0 : i32
      %dma_wait3A_378 = tpu.memref_slice %arg13[%dma_wait3A_376, %dma_wait3A_377] : memref<10000x128xf32, #tpu.memory_space<vmem_shared>> -> memref<10000x128xf32, #tpu.memory_space<vmem_shared>>
      tpu.wait_indirect_dma semaphore(%arg22 : memref<!tpu.dma_semaphore, #tpu.memory_space<semaphore_mem>>) src(%arg10 : memref<40x128xf32, #tpu.memory_space<vmem>>) dst(%dma_wait3A_378 : memref<10000x128xf32, #tpu.memory_space<vmem_shared>>)
      %add3A_379 = arith.constant 5 : i32
      %add3A_380 = arith.addi %mul3A_259, %add3A_379 : i32
      %add3A_381 = arith.constant 2 : i32
      %add3A_382 = arith.addi %add3A_380, %add3A_381 : i32
      %lt3A_383 = arith.constant 250 : i32
      %lt3A_384 = arith.cmpi slt, %add3A_382, %lt3A_383 : i32
      %convert_element_type3A_385 = arith.extui %lt3A_384 : i1 to i32
      %cond3A_386 = arith.constant 0 : i32
      %cond3A_387 = arith.cmpi ne, %convert_element_type3A_385, %cond3A_386 : i32
      scf.if %cond3A_387 {
        %add3A_423 = arith.constant 5 : i32
        %add3A_424 = arith.addi %mul3A_259, %add3A_423 : i32
        %add3A_425 = arith.constant 2 : i32
        %add3A_426 = arith.addi %add3A_424, %add3A_425 : i32
        %dma_start3A_427 = arith.constant 0 : i32
        %dma_start3A_428 = tpu.memref_slice %arg6[%add3A_426, %dma_start3A_427] : memref<250x40xi32, #tpu.memory_space<vmem>> -> memref<1x40xi32, #tpu.memory_space<vmem>>
        %dma_start3A_429 = tpu.memref_squeeze %dma_start3A_428 : memref<1x40xi32, #tpu.memory_space<vmem>> -> memref<40xi32, #tpu.memory_space<vmem>>
        %dma_start3A_430 = arith.constant 0 : i32
        %dma_start3A_431 = arith.constant 0 : i32
        %dma_start3A_432 = tpu.memref_slice %arg2[%dma_start3A_430, %dma_start3A_431] : memref<10000x128xf32, #tpu.memory_space<hbm>> -> memref<10000x128xf32, #tpu.memory_space<hbm>>
        tpu.enqueue_indirect_dma source(%dma_start3A_432 : memref<10000x128xf32, #tpu.memory_space<hbm>>) target(%arg10 : memref<40x128xf32, #tpu.memory_space<vmem>>) offsets(%dma_start3A_429 : memref<40xi32, #tpu.memory_space<vmem>>) semaphore(%arg17 : memref<!tpu.dma_semaphore, #tpu.memory_space<semaphore_mem>>)
      } else {
      }
      %add3A_388 = arith.constant 3 : i32
      %add3A_389 = arith.addi %mul3A_259, %add3A_388 : i32
      %dma_wait3A_390 = arith.constant 0 : i32
      %dma_wait3A_391 = tpu.memref_slice %arg7[%add3A_389, %dma_wait3A_390] : memref<250x40xi32, #tpu.memory_space<vmem>> -> memref<1x40xi32, #tpu.memory_space<vmem>>
      %dma_wait3A_392 = tpu.memref_squeeze %dma_wait3A_391 : memref<1x40xi32, #tpu.memory_space<vmem>> -> memref<40xi32, #tpu.memory_space<vmem>>
      %dma_wait3A_393 = arith.constant 0 : i32
      %dma_wait3A_394 = arith.constant 0 : i32
      %dma_wait3A_395 = tpu.memref_slice %arg13[%dma_wait3A_393, %dma_wait3A_394] : memref<10000x128xf32, #tpu.memory_space<vmem_shared>> -> memref<10000x128xf32, #tpu.memory_space<vmem_shared>>
      tpu.wait_indirect_dma semaphore(%arg23 : memref<!tpu.dma_semaphore, #tpu.memory_space<semaphore_mem>>) src(%arg11 : memref<40x128xf32, #tpu.memory_space<vmem>>) dst(%dma_wait3A_395 : memref<10000x128xf32, #tpu.memory_space<vmem_shared>>)
      %add3A_396 = arith.constant 5 : i32
      %add3A_397 = arith.addi %mul3A_259, %add3A_396 : i32
      %add3A_398 = arith.constant 3 : i32
      %add3A_399 = arith.addi %add3A_397, %add3A_398 : i32
      %lt3A_400 = arith.constant 250 : i32
      %lt3A_401 = arith.cmpi slt, %add3A_399, %lt3A_400 : i32
      %convert_element_type3A_402 = arith.extui %lt3A_401 : i1 to i32
      %cond3A_403 = arith.constant 0 : i32
      %cond3A_404 = arith.cmpi ne, %convert_element_type3A_402, %cond3A_403 : i32
      scf.if %cond3A_404 {
        %add3A_423 = arith.constant 5 : i32
        %add3A_424 = arith.addi %mul3A_259, %add3A_423 : i32
        %add3A_425 = arith.constant 3 : i32
        %add3A_426 = arith.addi %add3A_424, %add3A_425 : i32
        %dma_start3A_427 = arith.constant 0 : i32
        %dma_start3A_428 = tpu.memref_slice %arg6[%add3A_426, %dma_start3A_427] : memref<250x40xi32, #tpu.memory_space<vmem>> -> memref<1x40xi32, #tpu.memory_space<vmem>>
        %dma_start3A_429 = tpu.memref_squeeze %dma_start3A_428 : memref<1x40xi32, #tpu.memory_space<vmem>> -> memref<40xi32, #tpu.memory_space<vmem>>
        %dma_start3A_430 = arith.constant 0 : i32
        %dma_start3A_431 = arith.constant 0 : i32
        %dma_start3A_432 = tpu.memref_slice %arg2[%dma_start3A_430, %dma_start3A_431] : memref<10000x128xf32, #tpu.memory_space<hbm>> -> memref<10000x128xf32, #tpu.memory_space<hbm>>
        tpu.enqueue_indirect_dma source(%dma_start3A_432 : memref<10000x128xf32, #tpu.memory_space<hbm>>) target(%arg11 : memref<40x128xf32, #tpu.memory_space<vmem>>) offsets(%dma_start3A_429 : memref<40xi32, #tpu.memory_space<vmem>>) semaphore(%arg18 : memref<!tpu.dma_semaphore, #tpu.memory_space<semaphore_mem>>)
      } else {
      }
      %add3A_405 = arith.constant 4 : i32
      %add3A_406 = arith.addi %mul3A_259, %add3A_405 : i32
      %dma_wait3A_407 = arith.constant 0 : i32
      %dma_wait3A_408 = tpu.memref_slice %arg7[%add3A_406, %dma_wait3A_407] : memref<250x40xi32, #tpu.memory_space<vmem>> -> memref<1x40xi32, #tpu.memory_space<vmem>>
      %dma_wait3A_409 = tpu.memref_squeeze %dma_wait3A_408 : memref<1x40xi32, #tpu.memory_space<vmem>> -> memref<40xi32, #tpu.memory_space<vmem>>
      %dma_wait3A_410 = arith.constant 0 : i32
      %dma_wait3A_411 = arith.constant 0 : i32
      %dma_wait3A_412 = tpu.memref_slice %arg13[%dma_wait3A_410, %dma_wait3A_411] : memref<10000x128xf32, #tpu.memory_space<vmem_shared>> -> memref<10000x128xf32, #tpu.memory_space<vmem_shared>>
      tpu.wait_indirect_dma semaphore(%arg24 : memref<!tpu.dma_semaphore, #tpu.memory_space<semaphore_mem>>) src(%arg12 : memref<40x128xf32, #tpu.memory_space<vmem>>) dst(%dma_wait3A_412 : memref<10000x128xf32, #tpu.memory_space<vmem_shared>>)
      %add3A_413 = arith.constant 5 : i32
      %add3A_414 = arith.addi %mul3A_259, %add3A_413 : i32
      %add3A_415 = arith.constant 4 : i32
      %add3A_416 = arith.addi %add3A_414, %add3A_415 : i32
      %lt3A_417 = arith.constant 250 : i32
      %lt3A_418 = arith.cmpi slt, %add3A_416, %lt3A_417 : i32
      %convert_element_type3A_419 = arith.extui %lt3A_418 : i1 to i32
      %cond3A_420 = arith.constant 0 : i32
      %cond3A_421 = arith.cmpi ne, %convert_element_type3A_419, %cond3A_420 : i32
      scf.if %cond3A_421 {
        %add3A_423 = arith.constant 5 : i32
        %add3A_424 = arith.addi %mul3A_259, %add3A_423 : i32
        %add3A_425 = arith.constant 4 : i32
        %add3A_426 = arith.addi %add3A_424, %add3A_425 : i32
        %dma_start3A_427 = arith.constant 0 : i32
        %dma_start3A_428 = tpu.memref_slice %arg6[%add3A_426, %dma_start3A_427] : memref<250x40xi32, #tpu.memory_space<vmem>> -> memref<1x40xi32, #tpu.memory_space<vmem>>
        %dma_start3A_429 = tpu.memref_squeeze %dma_start3A_428 : memref<1x40xi32, #tpu.memory_space<vmem>> -> memref<40xi32, #tpu.memory_space<vmem>>
        %dma_start3A_430 = arith.constant 0 : i32
        %dma_start3A_431 = arith.constant 0 : i32
        %dma_start3A_432 = tpu.memref_slice %arg2[%dma_start3A_430, %dma_start3A_431] : memref<10000x128xf32, #tpu.memory_space<hbm>> -> memref<10000x128xf32, #tpu.memory_space<hbm>>
        tpu.enqueue_indirect_dma source(%dma_start3A_432 : memref<10000x128xf32, #tpu.memory_space<hbm>>) target(%arg12 : memref<40x128xf32, #tpu.memory_space<vmem>>) offsets(%dma_start3A_429 : memref<40xi32, #tpu.memory_space<vmem>>) semaphore(%arg19 : memref<!tpu.dma_semaphore, #tpu.memory_space<semaphore_mem>>)
      } else {
      }
      %scan3A_422 = arith.constant 0 : i32
      scf.yield %scan3A_422 : i32
    }
    %scan3A_250 = arith.constant 50 : i32
    %barrier3A_251 = arith.constant 0 : index
    tpu.barrier barrier_id(%barrier3A_251)
    %mul3A_252 = arith.constant 625 : i32
    %mul3A_253 = arith.muli %arg1, %mul3A_252 : i32
    %mul3A_254 = arith.constant 625 : i32
    %mul3A_255 = arith.muli %arg1, %mul3A_254 : i32
    "tpu.region"() ({
      %run_scoped3A = tpu.sem_alloc : memref<!tpu.dma_semaphore, #tpu.memory_space<semaphore_mem>>
      %dma_start3A_256 = arith.constant 0 : i32
      %dma_start3A_257 = tpu.memref_slice %arg5[%arg0, %mul3A_255, %dma_start3A_256] : memref<2x10000x128xf32, #tpu.memory_space<hbm>> -> memref<1x625x128xf32, #tpu.memory_space<hbm>>
      %dma_start3A_258 = tpu.memref_squeeze %dma_start3A_257 : memref<1x625x128xf32, #tpu.memory_space<hbm>> -> memref<625x128xf32, #tpu.memory_space<hbm>>
      %dma_start3A_259 = arith.constant 0 : i32
      %dma_start3A_260 = tpu.memref_slice %arg13[%mul3A_253, %dma_start3A_259] : memref<10000x128xf32, #tpu.memory_space<vmem_shared>> -> memref<625x128xf32, #tpu.memory_space<vmem_shared>>
      tpu.enqueue_dma source(%dma_start3A_260 : memref<625x128xf32, #tpu.memory_space<vmem_shared>>) target(%dma_start3A_258 : memref<625x128xf32, #tpu.memory_space<hbm>>) target_semaphore(%run_scoped3A : memref<!tpu.dma_semaphore, #tpu.memory_space<semaphore_mem>>)
      %dma_wait3A_261 = arith.constant 0 : i32
      %dma_wait3A_262 = tpu.memref_slice %arg5[%arg0, %mul3A_255, %dma_wait3A_261] : memref<2x10000x128xf32, #tpu.memory_space<hbm>> -> memref<1x625x128xf32, #tpu.memory_space<hbm>>
      %dma_wait3A_263 = tpu.memref_squeeze %dma_wait3A_262 : memref<1x625x128xf32, #tpu.memory_space<hbm>> -> memref<625x128xf32, #tpu.memory_space<hbm>>
      %dma_wait3A_264 = arith.constant 0 : i32
      %dma_wait3A_265 = tpu.memref_slice %arg13[%mul3A_253, %dma_wait3A_264] : memref<10000x128xf32, #tpu.memory_space<vmem_shared>> -> memref<625x128xf32, #tpu.memory_space<vmem_shared>>
      tpu.wait_dma2 semaphore(%run_scoped3A : memref<!tpu.dma_semaphore, #tpu.memory_space<semaphore_mem>>) src(%dma_wait3A_265 : memref<625x128xf32, #tpu.memory_space<vmem_shared>>) dst(%dma_wait3A_263 : memref<625x128xf32, #tpu.memory_space<hbm>>)
      tpu.yield
    }) : () -> ()
    return
  }
}

module attributes {stable_mosaic.version = 14 : i64} {
  func.func @_tc1_body(%arg0: memref<2x10000xf32, #tpu.memory_space<vmem>>, %arg1: memref<10000x128xf32, #tpu.memory_space<vmem>>, %arg2: memref<128x128xf32, #tpu.memory_space<vmem>>, %arg3: memref<10000x128xf32, #tpu.memory_space<vmem>>) attributes {dimension_semantics = [], scalar_prefetch = 0 : i64, scratch_operands = 0 : i64, tpu.core_type = #tpu.core_type<tc>} {
    %get3A = arith.constant 0 : index
    %get3A_0 = arith.constant 0 : index
    %get3A_1 = vector.load %arg0[%get3A, %get3A_0] : memref<2x10000xf32, #tpu.memory_space<vmem>>, vector<1x10000xf32>
    %get3A_2 = vector.shape_cast %get3A_1 : vector<1x10000xf32> to vector<10000xf32>
    %get3A_3 = arith.constant 1 : index
    %get3A_4 = arith.constant 0 : index
    %get3A_5 = vector.load %arg0[%get3A_3, %get3A_4] : memref<2x10000xf32, #tpu.memory_space<vmem>>, vector<1x10000xf32>
    %get3A_6 = vector.shape_cast %get3A_5 : vector<1x10000xf32> to vector<10000xf32>
    %add3A = arith.addf %get3A_2, %get3A_6 : vector<10000xf32>
    %add3A_7 = arith.constant 1.000000e+00 : f32
    %add3A_8 = vector.broadcast %add3A_7 : f32 to vector<10000xf32>
    %add3A_9 = arith.addf %add3A, %add3A_8 : vector<10000xf32>
    %rsqrt3A = math.rsqrt %add3A_9 : vector<10000xf32>
    %get3A_10 = arith.constant 0 : index
    %get3A_11 = arith.constant 0 : index
    %get3A_12 = vector.load %arg1[%get3A_10, %get3A_11] : memref<10000x128xf32, #tpu.memory_space<vmem>>, vector<10000x128xf32>
    %get3A_13 = arith.constant 0 : index
    %get3A_14 = arith.constant 0 : index
    %get3A_15 = vector.load %arg2[%get3A_13, %get3A_14] : memref<128x128xf32, #tpu.memory_space<vmem>>, vector<128x128xf32>
    %dot_general3A = arith.constant dense<0.000000e+00> : vector<10000x128xf32>
    %dot_general3A_16 = tpu.matmul %get3A_12, %get3A_15, %dot_general3A {dimension_numbers = #tpu.dot_dimension_numbers<[1], [0], [0], [1], [0, 0, 1, 1], [], []>, transpose_lhs_hint = false} : vector<10000x128xf32>, vector<128x128xf32>, vector<10000x128xf32> -> vector<10000x128xf32>
    %broadcast_in_dim3A = vector.shape_cast %rsqrt3A : vector<10000xf32> to vector<10000x1xf32>
    %mul3A = vector.broadcast %broadcast_in_dim3A : vector<10000x1xf32> to vector<10000x128xf32>
    %mul3A_17 = arith.mulf %dot_general3A_16, %mul3A : vector<10000x128xf32>
    %swap3A = arith.constant 0 : index
    %swap3A_18 = arith.constant 0 : index
    %swap3A_19 = vector.load %arg3[%swap3A, %swap3A_18] : memref<10000x128xf32, #tpu.memory_space<vmem>>, vector<10000x128xf32>
    tpu.vector_store %arg3[%swap3A, %swap3A_18], %mul3A_17 {strides = array<i32>} : memref<10000x128xf32, #tpu.memory_space<vmem>>, vector<10000x128xf32>,
    return
  }
}

module attributes {stable_mosaic.version = 14 : i64} {
  func.func @_tc2_body(%arg0: memref<2x10000x128xf32, #tpu.memory_space<vmem>>, %arg1: memref<10000x128xf32, #tpu.memory_space<vmem>>, %arg2: memref<2x10000xf32, #tpu.memory_space<vmem>>, %arg3: memref<1x128xf32, #tpu.memory_space<vmem>>, %arg4: memref<10000x128xf32, #tpu.memory_space<vmem>>) attributes {dimension_semantics = [], scalar_prefetch = 0 : i64, scratch_operands = 0 : i64, tpu.core_type = #tpu.core_type<tc>} {
    %get3A = arith.constant 0 : index
    %get3A_0 = arith.constant 0 : index
    %get3A_1 = vector.load %arg2[%get3A, %get3A_0] : memref<2x10000xf32, #tpu.memory_space<vmem>>, vector<1x10000xf32>
    %get3A_2 = vector.shape_cast %get3A_1 : vector<1x10000xf32> to vector<10000xf32>
    %get3A_3 = arith.constant 1 : index
    %get3A_4 = arith.constant 0 : index
    %get3A_5 = vector.load %arg2[%get3A_3, %get3A_4] : memref<2x10000xf32, #tpu.memory_space<vmem>>, vector<1x10000xf32>
    %get3A_6 = vector.shape_cast %get3A_5 : vector<1x10000xf32> to vector<10000xf32>
    %add3A = arith.addf %get3A_2, %get3A_6 : vector<10000xf32>
    %add3A_7 = arith.constant 1.000000e+00 : f32
    %add3A_8 = vector.broadcast %add3A_7 : f32 to vector<10000xf32>
    %add3A_9 = arith.addf %add3A, %add3A_8 : vector<10000xf32>
    %rsqrt3A = math.rsqrt %add3A_9 : vector<10000xf32>
    %get3A_10 = arith.constant 0 : index
    %get3A_11 = arith.constant 0 : index
    %get3A_12 = arith.constant 0 : index
    %get3A_13 = vector.load %arg0[%get3A_10, %get3A_11, %get3A_12] : memref<2x10000x128xf32, #tpu.memory_space<vmem>>, vector<1x10000x128xf32>
    %get3A_14 = vector.shape_cast %get3A_13 : vector<1x10000x128xf32> to vector<10000x128xf32>
    %get3A_15 = arith.constant 1 : index
    %get3A_16 = arith.constant 0 : index
    %get3A_17 = arith.constant 0 : index
    %get3A_18 = vector.load %arg0[%get3A_15, %get3A_16, %get3A_17] : memref<2x10000x128xf32, #tpu.memory_space<vmem>>, vector<1x10000x128xf32>
    %get3A_19 = vector.shape_cast %get3A_18 : vector<1x10000x128xf32> to vector<10000x128xf32>
    %add3A_20 = arith.addf %get3A_14, %get3A_19 : vector<10000x128xf32>
    %get3A_21 = arith.constant 0 : index
    %get3A_22 = arith.constant 0 : index
    %get3A_23 = vector.load %arg1[%get3A_21, %get3A_22] : memref<10000x128xf32, #tpu.memory_space<vmem>>, vector<10000x128xf32>
    %add3A_24 = arith.addf %add3A_20, %get3A_23 : vector<10000x128xf32>
    %broadcast_in_dim3A = vector.shape_cast %rsqrt3A : vector<10000xf32> to vector<10000x1xf32>
    %mul3A = vector.broadcast %broadcast_in_dim3A : vector<10000x1xf32> to vector<10000x128xf32>
    %mul3A_25 = arith.mulf %add3A_24, %mul3A : vector<10000x128xf32>
    %get3A_26 = arith.constant 0 : index
    %get3A_27 = arith.constant 0 : index
    %get3A_28 = vector.load %arg3[%get3A_26, %get3A_27] : memref<1x128xf32, #tpu.memory_space<vmem>>, vector<1x128xf32>
    %add3A_29 = vector.broadcast %get3A_28 : vector<1x128xf32> to vector<10000x128xf32>
    %add3A_30 = arith.addf %mul3A_25, %add3A_29 : vector<10000x128xf32>
    %max3A = arith.constant 0.000000e+00 : f32
    %max3A_31 = vector.broadcast %max3A : f32 to vector<10000x128xf32>
    %max3A_32 = arith.maximumf %add3A_30, %max3A_31 : vector<10000x128xf32>
    %swap3A = arith.constant 0 : index
    %swap3A_33 = arith.constant 0 : index
    %swap3A_34 = vector.load %arg4[%swap3A, %swap3A_33] : memref<10000x128xf32, #tpu.memory_space<vmem>>, vector<10000x128xf32>
    tpu.vector_store %arg4[%swap3A, %swap3A_33], %max3A_32 {strides = array<i32>} : memref<10000x128xf32, #tpu.memory_space<vmem>>, vector<10000x128xf32>,
    return
  }
}

module attributes {stable_mosaic.version = 14 : i64} {
  func.func @_tc3_body(%arg0: memref<2x10000x128xf32, #tpu.memory_space<vmem>>, %arg1: memref<2x10000xf32, #tpu.memory_space<vmem>>, %arg2: memref<10000x128xf32, #tpu.memory_space<vmem>>, %arg3: memref<128x128xf32, #tpu.memory_space<vmem>>, %arg4: memref<1x128xf32, #tpu.memory_space<vmem>>, %arg5: memref<128x128xf32, #tpu.memory_space<vmem>>, %arg6: memref<128x128xf32, #tpu.memory_space<vmem>>, %arg7: memref<1x128xf32, #tpu.memory_space<vmem>>, %arg8: memref<128x128xf32, #tpu.memory_space<vmem>>, %arg9: memref<1x128xf32, #tpu.memory_space<vmem>>, %arg10: memref<128x8xf32, #tpu.memory_space<vmem>>, %arg11: memref<1x8xf32, #tpu.memory_space<vmem>>, %arg12: memref<128x1xf32, #tpu.memory_space<vmem>>, %arg13: memref<1x1xf32, #tpu.memory_space<vmem>>, %arg14: memref<10000x8xf32, #tpu.memory_space<vmem>>, %arg15: memref<10000x1xf32, #tpu.memory_space<vmem>>) attributes {dimension_semantics = [], scalar_prefetch = 0 : i64, scratch_operands = 0 : i64, tpu.core_type = #tpu.core_type<tc>} {
    %get3A = arith.constant 0 : index
    %get3A_0 = arith.constant 0 : index
    %get3A_1 = vector.load %arg1[%get3A, %get3A_0] : memref<2x10000xf32, #tpu.memory_space<vmem>>, vector<1x10000xf32>
    %get3A_2 = vector.shape_cast %get3A_1 : vector<1x10000xf32> to vector<10000xf32>
    %get3A_3 = arith.constant 1 : index
    %get3A_4 = arith.constant 0 : index
    %get3A_5 = vector.load %arg1[%get3A_3, %get3A_4] : memref<2x10000xf32, #tpu.memory_space<vmem>>, vector<1x10000xf32>
    %get3A_6 = vector.shape_cast %get3A_5 : vector<1x10000xf32> to vector<10000xf32>
    %add3A = arith.addf %get3A_2, %get3A_6 : vector<10000xf32>
    %max3A = arith.constant 1.000000e+00 : f32
    %max3A_7 = vector.broadcast %max3A : f32 to vector<10000xf32>
    %max3A_8 = arith.maximumf %add3A, %max3A_7 : vector<10000xf32>
    %div3A = arith.constant 1.000000e+00 : f32
    %div3A_9 = vector.broadcast %div3A : f32 to vector<10000xf32>
    %div3A_10 = arith.divf %div3A_9, %max3A_8 : vector<10000xf32>
    %get3A_11 = arith.constant 0 : index
    %get3A_12 = arith.constant 0 : index
    %get3A_13 = arith.constant 0 : index
    %get3A_14 = vector.load %arg0[%get3A_11, %get3A_12, %get3A_13] : memref<2x10000x128xf32, #tpu.memory_space<vmem>>, vector<1x10000x128xf32>
    %get3A_15 = vector.shape_cast %get3A_14 : vector<1x10000x128xf32> to vector<10000x128xf32>
    %get3A_16 = arith.constant 1 : index
    %get3A_17 = arith.constant 0 : index
    %get3A_18 = arith.constant 0 : index
    %get3A_19 = vector.load %arg0[%get3A_16, %get3A_17, %get3A_18] : memref<2x10000x128xf32, #tpu.memory_space<vmem>>, vector<1x10000x128xf32>
    %get3A_20 = vector.shape_cast %get3A_19 : vector<1x10000x128xf32> to vector<10000x128xf32>
    %add3A_21 = arith.addf %get3A_15, %get3A_20 : vector<10000x128xf32>
    %broadcast_in_dim3A = vector.shape_cast %div3A_10 : vector<10000xf32> to vector<10000x1xf32>
    %mul3A = vector.broadcast %broadcast_in_dim3A : vector<10000x1xf32> to vector<10000x128xf32>
    %mul3A_22 = arith.mulf %add3A_21, %mul3A : vector<10000x128xf32>
    %get3A_23 = arith.constant 0 : index
    %get3A_24 = arith.constant 0 : index
    %get3A_25 = vector.load %arg2[%get3A_23, %get3A_24] : memref<10000x128xf32, #tpu.memory_space<vmem>>, vector<10000x128xf32>
    %get3A_26 = arith.constant 0 : index
    %get3A_27 = arith.constant 0 : index
    %get3A_28 = vector.load %arg3[%get3A_26, %get3A_27] : memref<128x128xf32, #tpu.memory_space<vmem>>, vector<128x128xf32>
    %dot_general3A = arith.constant dense<0.000000e+00> : vector<10000x128xf32>
    %dot_general3A_29 = tpu.matmul %mul3A_22, %get3A_28, %dot_general3A {dimension_numbers = #tpu.dot_dimension_numbers<[1], [0], [0], [1], [0, 0, 1, 1], [], []>, transpose_lhs_hint = false} : vector<10000x128xf32>, vector<128x128xf32>, vector<10000x128xf32> -> vector<10000x128xf32>
    %get3A_30 = arith.constant 0 : index
    %get3A_31 = arith.constant 0 : index
    %get3A_32 = vector.load %arg4[%get3A_30, %get3A_31] : memref<1x128xf32, #tpu.memory_space<vmem>>, vector<1x128xf32>
    %add3A_33 = vector.broadcast %get3A_32 : vector<1x128xf32> to vector<10000x128xf32>
    %add3A_34 = arith.addf %dot_general3A_29, %add3A_33 : vector<10000x128xf32>
    %get3A_35 = arith.constant 0 : index
    %get3A_36 = arith.constant 0 : index
    %get3A_37 = vector.load %arg5[%get3A_35, %get3A_36] : memref<128x128xf32, #tpu.memory_space<vmem>>, vector<128x128xf32>
    %dot_general3A_38 = arith.constant dense<0.000000e+00> : vector<10000x128xf32>
    %dot_general3A_39 = tpu.matmul %get3A_25, %get3A_37, %dot_general3A_38 {dimension_numbers = #tpu.dot_dimension_numbers<[1], [0], [0], [1], [0, 0, 1, 1], [], []>, transpose_lhs_hint = false} : vector<10000x128xf32>, vector<128x128xf32>, vector<10000x128xf32> -> vector<10000x128xf32>
    %add3A_40 = arith.addf %add3A_34, %dot_general3A_39 : vector<10000x128xf32>
    %max3A_41 = arith.constant 0.000000e+00 : f32
    %max3A_42 = vector.broadcast %max3A_41 : f32 to vector<10000x128xf32>
    %max3A_43 = arith.maximumf %add3A_40, %max3A_42 : vector<10000x128xf32>
    %get3A_44 = arith.constant 0 : index
    %get3A_45 = arith.constant 0 : index
    %get3A_46 = vector.load %arg6[%get3A_44, %get3A_45] : memref<128x128xf32, #tpu.memory_space<vmem>>, vector<128x128xf32>
    %dot_general3A_47 = arith.constant dense<0.000000e+00> : vector<10000x128xf32>
    %dot_general3A_48 = tpu.matmul %max3A_43, %get3A_46, %dot_general3A_47 {dimension_numbers = #tpu.dot_dimension_numbers<[1], [0], [0], [1], [0, 0, 1, 1], [], []>, transpose_lhs_hint = false} : vector<10000x128xf32>, vector<128x128xf32>, vector<10000x128xf32> -> vector<10000x128xf32>
    %get3A_49 = arith.constant 0 : index
    %get3A_50 = arith.constant 0 : index
    %get3A_51 = vector.load %arg7[%get3A_49, %get3A_50] : memref<1x128xf32, #tpu.memory_space<vmem>>, vector<1x128xf32>
    %add3A_52 = vector.broadcast %get3A_51 : vector<1x128xf32> to vector<10000x128xf32>
    %add3A_53 = arith.addf %dot_general3A_48, %add3A_52 : vector<10000x128xf32>
    %mul3A_54 = arith.constant 5.000000e-01 : f32
    %mul3A_55 = vector.broadcast %mul3A_54 : f32 to vector<10000x128xf32>
    %mul3A_56 = arith.mulf %mul3A_55, %add3A_53 : vector<10000x128xf32>
    %mul3A_57 = arith.constant 0.707106769 : f32
    %mul3A_58 = vector.broadcast %mul3A_57 : f32 to vector<10000x128xf32>
    %mul3A_59 = arith.mulf %add3A_53, %mul3A_58 : vector<10000x128xf32>
    %erf3A = math.erf %mul3A_59 : vector<10000x128xf32>
    %add3A_60 = arith.constant 1.000000e+00 : f32
    %add3A_61 = vector.broadcast %add3A_60 : f32 to vector<10000x128xf32>
    %add3A_62 = arith.addf %add3A_61, %erf3A : vector<10000x128xf32>
    %mul3A_63 = arith.mulf %mul3A_56, %add3A_62 : vector<10000x128xf32>
    %get3A_64 = arith.constant 0 : index
    %get3A_65 = arith.constant 0 : index
    %get3A_66 = vector.load %arg8[%get3A_64, %get3A_65] : memref<128x128xf32, #tpu.memory_space<vmem>>, vector<128x128xf32>
    %dot_general3A_67 = arith.constant dense<0.000000e+00> : vector<10000x128xf32>
    %dot_general3A_68 = tpu.matmul %mul3A_63, %get3A_66, %dot_general3A_67 {dimension_numbers = #tpu.dot_dimension_numbers<[1], [0], [0], [1], [0, 0, 1, 1], [], []>, transpose_lhs_hint = false} : vector<10000x128xf32>, vector<128x128xf32>, vector<10000x128xf32> -> vector<10000x128xf32>
    %get3A_69 = arith.constant 0 : index
    %get3A_70 = arith.constant 0 : index
    %get3A_71 = vector.load %arg9[%get3A_69, %get3A_70] : memref<1x128xf32, #tpu.memory_space<vmem>>, vector<1x128xf32>
    %add3A_72 = vector.broadcast %get3A_71 : vector<1x128xf32> to vector<10000x128xf32>
    %add3A_73 = arith.addf %dot_general3A_68, %add3A_72 : vector<10000x128xf32>
    %mul3A_74 = arith.constant 5.000000e-01 : f32
    %mul3A_75 = vector.broadcast %mul3A_74 : f32 to vector<10000x128xf32>
    %mul3A_76 = arith.mulf %mul3A_75, %add3A_73 : vector<10000x128xf32>
    %mul3A_77 = arith.constant 0.707106769 : f32
    %mul3A_78 = vector.broadcast %mul3A_77 : f32 to vector<10000x128xf32>
    %mul3A_79 = arith.mulf %add3A_73, %mul3A_78 : vector<10000x128xf32>
    %erf3A_80 = math.erf %mul3A_79 : vector<10000x128xf32>
    %add3A_81 = arith.constant 1.000000e+00 : f32
    %add3A_82 = vector.broadcast %add3A_81 : f32 to vector<10000x128xf32>
    %add3A_83 = arith.addf %add3A_82, %erf3A_80 : vector<10000x128xf32>
    %mul3A_84 = arith.mulf %mul3A_76, %add3A_83 : vector<10000x128xf32>
    %get3A_85 = arith.constant 0 : index
    %get3A_86 = arith.constant 0 : index
    %get3A_87 = vector.load %arg10[%get3A_85, %get3A_86] : memref<128x8xf32, #tpu.memory_space<vmem>>, vector<128x8xf32>
    %dot_general3A_88 = arith.constant dense<0.000000e+00> : vector<10000x8xf32>
    %dot_general3A_89 = tpu.matmul %mul3A_84, %get3A_87, %dot_general3A_88 {dimension_numbers = #tpu.dot_dimension_numbers<[1], [0], [0], [1], [0, 0, 1, 1], [], []>, transpose_lhs_hint = false} : vector<10000x128xf32>, vector<128x8xf32>, vector<10000x8xf32> -> vector<10000x8xf32>
    %get3A_90 = arith.constant 0 : index
    %get3A_91 = arith.constant 0 : index
    %get3A_92 = vector.load %arg11[%get3A_90, %get3A_91] : memref<1x8xf32, #tpu.memory_space<vmem>>, vector<1x8xf32>
    %add3A_93 = vector.broadcast %get3A_92 : vector<1x8xf32> to vector<10000x8xf32>
    %add3A_94 = arith.addf %dot_general3A_89, %add3A_93 : vector<10000x8xf32>
    %swap3A = arith.constant 0 : index
    %swap3A_95 = arith.constant 0 : index
    %swap3A_96 = vector.load %arg14[%swap3A, %swap3A_95] : memref<10000x8xf32, #tpu.memory_space<vmem>>, vector<10000x8xf32>
    tpu.vector_store %arg14[%swap3A, %swap3A_95], %add3A_94 {strides = array<i32>} : memref<10000x8xf32, #tpu.memory_space<vmem>>, vector<10000x8xf32>,
    %get3A_97 = arith.constant 0 : index
    %get3A_98 = arith.constant 0 : index
    %get3A_99 = vector.load %arg12[%get3A_97, %get3A_98] : memref<128x1xf32, #tpu.memory_space<vmem>>, vector<128x1xf32>
    %dot_general3A_100 = arith.constant dense<0.000000e+00> : vector<10000x1xf32>
    %dot_general3A_101 = tpu.matmul %max3A_43, %get3A_99, %dot_general3A_100 {dimension_numbers = #tpu.dot_dimension_numbers<[1], [0], [0], [1], [0, 0, 1, 1], [], []>, transpose_lhs_hint = false} : vector<10000x128xf32>, vector<128x1xf32>, vector<10000x1xf32> -> vector<10000x1xf32>
    %get3A_102 = arith.constant 0 : index
    %get3A_103 = arith.constant 0 : index
    %get3A_104 = vector.load %arg13[%get3A_102, %get3A_103] : memref<1x1xf32, #tpu.memory_space<vmem>>, vector<1x1xf32>
    %add3A_105 = vector.broadcast %get3A_104 : vector<1x1xf32> to vector<10000x1xf32>
    %add3A_106 = arith.addf %dot_general3A_101, %add3A_105 : vector<10000x1xf32>
    %swap3A_107 = arith.constant 0 : index
    %swap3A_108 = arith.constant 0 : index
    %swap3A_109 = vector.load %arg15[%swap3A_107, %swap3A_108] : memref<10000x1xf32, #tpu.memory_space<vmem>>, vector<10000x1xf32>
    tpu.vector_store %arg15[%swap3A_107, %swap3A_108], %add3A_106 {strides = array<i32>} : memref<10000x1xf32, #tpu.memory_space<vmem>>, vector<10000x1xf32>,
    return
  }
}

</mosaic_0001>

<sc_bundles>
// kernel: kernel.11.cloned.1.call-start
scs
__scs_entry_jumppad:
0x0: {  	(pc) =	sbr.rel $0x88, $3  }
0x1: {  	(tag) =	ssettag $0x0;
	lr =	simm.s32 $0x1  }
0x2: {  	[smem:$0x3F92] =	sst lr;
	_ =	strace $0xD0000000  }
0x3: {  	_ = 	snop  }
0x4: {  	_ = 	snop  }
0x5: {  	_ = 	snop  }
0x6: {  	_ = 	snop  }
0x7: {  	_ = 	snop  }
__scs_overlays_trampoline_lowered:
0x8: {  	[smem:$0x3FA1] =	sst s0  }
0x9: {  	[smem:$0x3FA2] =	sst s1  }
0xa: {  	[smem:$0x3FA3] =	sst s2  }
0xb: {  	[smem:$0x3FA4] =	sst s3  }
0xc: {  	[smem:$0x3FA5] =	sst s4  }
0xd: {  	[smem:$0x3FA6] =	sst s5  }
0xe: {  	[smem:$0x3FA7] =	sst s6  }
0xf: {  	[smem:$0x3FA8] =	sst s7  }
0x10: {  	[smem:$0x3FA9] =	sst s8  }
0x11: {  	[smem:$0x3FAA] =	sst s9;
	s0 =	simm.s32 @!p0 $0x0  }
0x12: {  	s1 =	sld [smem:$0x3F90];
	s0 =	simm.s32 @p0 $0x1  }
0x13: {  	[smem:$0x3FAB] =	sst s0;
	s0 =	simm.s32 @!p1 $0x0  }
0x14: {  	s2 =	sld [smem:$0x3F8F];
	s0 =	simm.s32 @p1 $0x1  }
0x15: {  	[smem:$0x3FAC] =	sst s0;
	s0 =	simm.s32 @!p2 $0x0  }
0x16: {  	s3 =	sld [smem:$0x3FDB];
	s0 =	simm.s32 @p2 $0x1  }
0x17: {  	s4 =	simm.s32 $0x1BF5;
	[smem:$0x3FAE] =	sst s0  }
0x18: {  	s0 =	sld [smem:$0x3F91];
	_ =	swait.ge [sflag:s4], $0x0  }
0x19: {  	s7 =	sld [smem:$0x3F92]  }
0x1a: {  	s8 =	sadd.s32 $0xFFFFE003, lr  }
0x1b: {  	s9 =	sadd.s32 $0xFFFFFEF7, lr;
	s5 =	simm.s32 $0xFFFFFFFF;
	p2 =	slt.u32 s8, $0xFFFFF086  }
0x1c: {  	p1 =	slt.u32 s9, $0xF7A;
	s5 =	simm.s32 @!p2 $0x0  }
0x1d: {  	s5 =	simm.s32 @p1 $0x1;
	p0 =	seq.s32 s7, s2  }
0x1e: {  	s7 =	smul.u32 @!p0 $0xF7A, s2;
	p2 =	seq.s32 @!p0 s5, $0x0  }
0x1f: {  	s9 =	smul.u32 $0xF7A, s1;
	s8 =	simm.s32 @!p0 $0x1BF5;
	p2 =	por !p2, p0  }
0x20: {  	[sflag:s8] =	ssyncset.s32 @!p0 $0xFFFFF086;
	s6 =	sadd.s32 @!p0 s3, s7;
	s7 =	simm.s32 @!p0 $0x108  }
0x21: {  	s3 =	sadd.s32 s3, s9;
	s6 =	sadd.s32 @!p0 $0x88, s6;
	s7 =	simm.s32 @p2 $0x1082  }
0x22: {  	[simem:s7], [sflag:s8] =	dma.local @!p0 [hbm:s6], $0xF7A  }
0x23: {  	s9 =	sor.u32 $0xD0000000, s2;
	s6 =	simm.s32 $0x108;
	_ =	swait.ge @!p0 [sflag:s8], $0x0  }
0x24: {  	s3 =	sadd.s32 $0x88, s3;
	s6 =	simm.s32 @!p1 $0x1082;
	[sflag:s4] =	ssyncset.s32 $0xFFFFF086  }
0x25: {  	[simem:s6], [sflag:s4] =	dma.local [hbm:s3], $0xF7A  }
0x26: {  	[smem:$0x3F92] =	sst s1;
	(tag) =	ssettag s2;
	_ =	strace s9  }
0x27: {  	s1 =	sld [smem:$0x3FA2]  }
0x28: {  	s2 =	sld [smem:$0x3FA3]  }
0x29: {  	s4 =	sld [smem:$0x3FA5]  }
0x2a: {  	p0 =	seq.s32 s5, $0x0;
	s5 =	sld [smem:$0x3FA6]  }
0x2b: {  	s6 =	sld [smem:$0x3FA7]  }
0x2c: {  	s7 =	sld [smem:$0x3FA8]  }
0x2d: {  	s3 =	simm.s32 $0x108;
	s8 =	sld [smem:$0x3FA9]  }
0x2e: {  	s3 =	simm.s32 @!p0 $0x1082;
	s9 =	sld [smem:$0x3FAA]  }
0x2f: {  	lr =	sadd.s32 s0, s3;
	s0 =	sld [smem:$0x3FA1]  }
0x30: {  	s3 =	sld [smem:$0x3FA4]  }
0x31: {  	[smem:$0x3FAD] =	sst s10  }
0x32: {  	s10 =	sld [smem:$0x3FAB];
	_ =	sdelay $0x3  }
0x33: {  	p0 =	seq.s32 s10, $0x1;
	s10 =	sld [smem:$0x3FAD];
	_ =	sdelay $0x3  }
0x34: {  	[smem:$0x3FAD] =	sst s10  }
0x35: {  	s10 =	sld [smem:$0x3FAC];
	_ =	sdelay $0x3  }
0x36: {  	p1 =	seq.s32 s10, $0x1;
	s10 =	sld [smem:$0x3FAD];
	_ =	sdelay $0x3  }
0x37: {  	[smem:$0x3FAD] =	sst s10  }
0x38: {  	s10 =	sld [smem:$0x3FAE]  }
0x39: {  	_ = 	snop;
	(pc) =	sbr.ind lr, $3  }
0x3a: {  	_ = 	snop  }
0x3b: {  	_ = 	snop  }
0x3c: {  	p2 =	seq.s32 s10, $0x1;
	s10 =	sld [smem:$0x3FAD]  }
0x3d: {  	_ =	shalt  }
0x3e: {  	_ =	shalt  }
0x3f: {  	_ =	shalt  }
0x40: {  	_ =	shalt  }
0x41: {  	_ =	shalt  }
0x42: {  	_ =	shalt  }
0x43: {  	_ =	shalt  }
0x44: {  	_ =	shalt  }
0x45: {  	_ =	shalt  }
0x46: {  	_ =	shalt  }
0x47: {  	_ =	shalt  }
0x48: {  	_ =	shalt  }
0x49: {  	_ =	shalt  }
0x4a: {  	_ =	shalt  }
0x4b: {  	_ =	shalt  }
0x4c: {  	_ =	shalt  }
0x4d: {  	_ =	shalt  }
0x4e: {  	_ =	shalt  }
0x4f: {  	_ =	shalt  }
0x50: {  	_ =	shalt  }
0x51: {  	_ =	shalt  }
0x52: {  	_ =	shalt  }
0x53: {  	_ =	shalt  }
0x54: {  	_ =	shalt  }
0x55: {  	_ =	shalt  }
0x56: {  	_ =	shalt  }
0x57: {  	_ =	shalt  }
0x58: {  	_ =	shalt  }
0x59: {  	_ =	shalt  }
0x5a: {  	_ =	shalt  }
0x5b: {  	_ =	shalt  }
0x5c: {  	_ =	shalt  }
0x5d: {  	_ =	shalt  }
0x5e: {  	_ =	shalt  }
0x5f: {  	_ =	shalt  }
0x60: {  	_ =	shalt  }
0x61: {  	_ =	shalt  }
0x62: {  	_ =	shalt  }
0x63: {  	_ =	shalt  }
0x64: {  	_ =	shalt  }
0x65: {  	_ =	shalt  }
0x66: {  	_ =	shalt  }
0x67: {  	_ =	shalt  }
0x68: {  	_ =	shalt  }
0x69: {  	_ =	shalt  }
0x6a: {  	_ =	shalt  }
0x6b: {  	_ =	shalt  }
0x6c: {  	_ =	shalt  }
0x6d: {  	_ =	shalt  }
0x6e: {  	_ =	shalt  }
0x6f: {  	_ =	shalt  }
0x70: {  	_ =	shalt  }
0x71: {  	_ =	shalt  }
0x72: {  	_ =	shalt  }
0x73: {  	_ =	shalt  }
0x74: {  	_ =	shalt  }
0x75: {  	_ =	shalt  }
0x76: {  	_ =	shalt  }
0x77: {  	_ =	shalt  }
0x78: {  	_ =	shalt  }
0x79: {  	_ =	shalt  }
0x7a: {  	_ =	shalt  }
0x7b: {  	_ =	shalt  }
0x7c: {  	_ =	shalt  }
0x7d: {  	_ =	shalt  }
0x7e: {  	_ =	shalt  }
0x7f: {  	_ =	shalt  }
0x80: {  	_ =	shalt  }
0x81: {  	_ =	shalt  }
0x82: {  	_ =	shalt  }
0x83: {  	_ =	shalt  }
0x84: {  	_ =	shalt  }
0x85: {  	_ =	shalt  }
0x86: {  	_ =	shalt  }
0x87: {  	_ =	shalt  }
.Lfunc_end0:
.L_simem_size_0:
called_computation.1_lowered:
.L_overlay_start_0:
0x88: {  	s2 =	sld [smem:$0x3FD9]  }
0x89: {  	s3 =	sld [smem:$0x3FFE];
	_ =	sdelay $0x1  }
0x8a: {  	s1 =	srdreg.scid  }
0x8b: {  	s0 =	sand.u32 $0x1, s1  }
0x8c: {  	s16 =	sshll.u32 s0, $0xA;
	s2 =	sadd.s32 s3, s2  }
0x8d: {  	s2 =	sadd.s32 s2, s16  }
0x8e: {  	[smem:$0x3FB9] =	sst s2  }
0x8f: {  	_ = 	snop  }
0x90: {  	(tm) =	ssettm $0x1  }
0x91: {  	s17 =	sld [smem:$0x3FFB];
	_ =	sdelay $0x3  }
0x92: {  	_ =	strace s17  }
0x93: {  	s2 =	sld [smem:$0x3FFC];
	_ =	sdelay $0x3  }
0x94: {  	_ =	strace s2  }
0x95: {  	s2 =	sld [smem:$0x3FFD];
	_ =	sdelay $0x3  }
0x96: {  	_ =	strace s2  }
0x97: {  	_ =	strace $0x8FFFFFFF  }
0x98: {  	s18 =	sld [smem:$0x3FDB];
	_ =	sdelay $0x1  }
0x99: {  	s19 =	simm.s32 $_scs_section_size  }
0x9a: {  	s4 =	simm.s32 $_size__tile_overlayer_lowered;
	s5 =	simm.s32 $_tile_overlayer_lowered  }
0x9b: {  	s22 =	simm.s32 $0x1BFF;
	s21 =	sshll.u32 s5, $0x1;
	s2 =	sadd.s32 s19, s18  }
0x9c: {  	s6 =	simm.s32 $0x0;
	s20 =	sshll.u32 s4, $0x1;
	s4 =	sadd.s32 s21, s2  }
0x9d: {  	[timem:s6], [sflag:s22] =	dma.local [hbm:s4], s20  }
0x9e: {  	_ =	swait.ge [sflag:s22], s20  }
0x9f: {  	s3 =	ssub.s32 $0x0, s20;
	[sflag:s22] =	ssyncset.done $0x0  }
0xa0: {  	[sflag:s22] =	ssyncadd.s32 s3;
	_ =	sdelay $0x1  }
0xa1: {  	s23 =	simm.s32 $0x1B8B  }
0xa2: {  	_ =	swait.ge [sflag:s23], $0x1  }
0xa3: {  	[sflag:s23] =	ssyncset.done $0x0  }
0xa4: {  	s25 =	simm.s32 $0x1B8E;
	s24 =	sld [smem:$0x3FFE];
	[sflag:s23] =	ssyncadd.s32 $0xFFFFFFFF  }
0xa5: {  	s26 =	simm.s32 $execute0_lowered;
	[smem:$0x3FD2] =	sst s25  }
0xa6: {  	s4 =	sshll.u32 s26, $0x1;
	_ =	strace $0x80000049;
	[dreg:$0x1] =	wrdreg $0xFFFFFFFF  }
0xa7: {  	s28 =	simm.s32 $_size_execute0_lowered;
	s2 =	sadd.s32 s2, s4;
	[dreg:$0x0] =	wrdreg $0x0  }
0xa8: {  	s4 =	sshll.u32 s28, $0x1;
	[dreg:$0x2] =	wrdreg s2  }
0xa9: {  	[dreg:$0x3] =	wrdreg s4  }
0xaa: {  	[dreg:$0x4] =	wrdreg $0xC0  }
0xab: {  	_ =	task [dreg:s6], $0x5FFFF  }
0xac: {  	[dreg:$0x1] =	wrdreg $0xFFFFFFFF  }
0xad: {  	[dreg:$0x0] =	wrdreg $0x60  }
0xae: {  	[dreg:$0x2] =	wrdreg s24  }
0xaf: {  	[dreg:$0x3] =	wrdreg $0xB2200  }
0xb0: {  	[dreg:$0x4] =	wrdreg $0x9  }
0xb1: {  	_ =	task.clear_ibuf [dreg:s6], $0x5FFFF;
	_ =	strace $0x90000049  }
0xb2: {  	s29 =	simm.s32 $0x9;
	_ =	strace $0x8000004B  }
0xb3: {  	_ =	swait.ge [sflag:s29], $0x1  }
0xb4: {  	[sflag:s29] =	ssyncadd.s32 $0xFFFFFFFF  }
0xb5: {  	_ =	strace $0x9000004B  }
0xb6: {  	_ =	sfence  }
0xb7: {  	s30 =	sld [smem:$0x0];
	_ =	sdelay $0x2  }
0xb8: {  	s31 =	sshll.u32 s1, $0xD;
	s1 =	sshrl.u32 s1, $0x2  }
0xb9: {  	s3 =	sand.u32 $0x4000, s31;
	s1 =	sadd.s32 s1, s30  }
0xba: {  	s0 =	sor.u32 s3, s0;
	s1 =	sshll.u32 s1, $0x11  }
0xbb: {  	s0 =	sor.u32 s1, s0  }
0xbc: {  	s0 =	sadd.s32 $0x8F2B, s0  }
0xbd: {  	[sflag:s0] =	ssyncadd.remote.s32 $0x1  }
0xbe: {  	_ =	sfence.sel $0xFFFF  }
0xbf: {  	[dreg:$0x0] =	wrdreg $0xFFFFFFFF;
	(pc) =	sbr.abs _section_cstart, $3  }
0xc0: {  	[dreg:$0x1] =	wrdreg $0xFFFFFFFF  }
0xc1: {  	_ =	task.clear_ibuf [dreg:s6], $0x2FFFF;
	_ =	strace $0x9FFFFFFF  }
0xc2: {  	(tm) =	ssettm $0x7FFFFFFF  }
0xc3: {  	_ =	shalt  }
tec
execute0_lowered:
.L_overlay_start_1:
0x0: {  	(tag) =	ssettag $0x1  }
0x1: {  	s0 =	rddreg [dreg:$0x0]  }
0x2: {  	s2 =	rddreg [dreg:$0x1]  }
0x3: {  	s1 =	srdreg.scid;
	s7 =	stileid.u32  }
0x4: {  	s4 =	simm.s32 $0x0;
	s28 =	simm.s32 $0xC;
	s1 =	sand.u32 $0x1, s1  }
0x5: {  	s29 =	simm.s32 $0x2;
	s3 =	smul.u32 $0x13880, s7;
	s12 =	sshll.u32 s1, $0x4  }
0x6: {  	s30 =	simm.s32 $0x1;
	s5 =	smul.u32 $0x138800, s1;
	s6 =	sor.u32 s7, s12  }
0x7: {  	s31 =	simm.s32 $0x28;
	s8 =	simm.s32 $0x5;
	s6 =	smul.u32 $0x4E2, s6  }
0x8: {  	[smem:$0x7FF] =	sst s4;
	s4 =	sadd.s32 $0x15E00, s0;
	s7 =	smul.u32 $0x4E200, s7  }
0x9: {  	_ =	strace $0x8000004A;
	s5 =	sadd.s32 s3, s5;
	s6 =	sadd.s32 s6, s0  }
0xa: {  	s5 =	sshrl.u32 s5, $0x3;
	s15 =	sshrl.u32 s7, $0x2;
	s14 =	sadd.s32 $0x2200, s6  }
0xb: {  	s16 =	sadd.s32 s15, s2;
	s6 =	sadd.s32 $0xC000, s6;
	[dreg:$0x3] =	wrdreg s14  }
0xc: {  	s0 =	sadd.s32 s5, s0;
	s5 =	sadd.s32 $0x1400, s16;
	[dreg:$0x4] =	wrdreg s6  }
0xd: {  	s9 =	simm.s32 $0x6;
	s17 =	sadd.s32 $0x2800, s16;
	[dreg:$0x5] =	wrdreg s5  }
0xe: {  	s10 =	simm.s32 $0x7;
	s18 =	sadd.s32 $0x3C00, s16;
	[dreg:$0x6] =	wrdreg s17  }
0xf: {  	s11 =	simm.s32 $0x8;
	s19 =	sadd.s32 $0x5000, s16;
	[dreg:$0x7] =	wrdreg s18  }
0x10: {  	s1 =	ssub.s32 $0x2, s1;
	s20 =	sadd.s32 $0x6400, s16;
	[dreg:$0x8] =	wrdreg s19  }
0x11: {  	s13 =	sshrl.u32 s1, $0x1;
	s21 =	sadd.s32 $0x7800, s16;
	[dreg:$0x9] =	wrdreg s20  }
0x12: {  	s12 =	simm.s32 $0x9;
	s22 =	sadd.s32 $0x8C00, s16;
	[dreg:$0xa] =	wrdreg s21  }
0x13: {  	s1 =	ssub.s32 s1, s13;
	s23 =	sadd.s32 $0xA000, s16;
	[dreg:$0xb] =	wrdreg s22  }
0x14: {  	s13 =	simm.s32 $0xA;
	s24 =	sadd.s32 $0xB400, s16;
	[dreg:$0xc] =	wrdreg s23  }
0x15: {  	s7 =	sadd.s32 s3, s2;
	s25 =	sadd.s32 $0xC800, s16;
	[dreg:$0xd] =	wrdreg s24  }
0x16: {  	s3 =	simm.s32 $0x9E20;
	s26 =	sadd.s32 $0xDC00, s16;
	[dreg:$0xe] =	wrdreg s25  }
0x17: {  	s15 =	simm.s32 $0x0;
	[dreg:$0xf] =	wrdreg s26;
	s19 =	sadd.s32 $0xF000, s16  }
0x18: {  	s20 =	sadd.s32 $0x10400, s16;
	s21 =	sadd.s32 $0x11800, s16;
	s22 =	sadd.s32 $0x12C00, s16  }
0x19: {  	s23 =	sadd.s32 $0x3D000, s0;
	s24 =	smax.u32 s1, $0x1;
	s26 =	simm.s32 $0x4E20  }
0x1a: {  	s0 =	simm.s32 $0x6220;
	s25 =	simm.s32 $0x7620;
	s1 =	simm.s32 $0x8A20  }
0x1b: {  	v0 =	vimm.f32 $0.0e+00;
	s5 =	simm.s32 $0x3;
	s6 =	simm.s32 $0x4;
	s14 =	simm.s32 $0xB  }
.LBB2_1:
0x1c: {  	s16 =	simm.s32 $0x0;
	s17 =	rddreg [dreg:$0x3]  }
0x1d: {  	[tilespmem:s16], [sflag:$0x1] =	stream.linear.gather [hbm4b:s17+s16], $0x2710, $0x38;
	[tilespmem:$0x1EAA0] =	vst v63  }
0x1e: {  	s18 =	simm.s32 $0x2710;
	s17 =	rddreg [dreg:$0x4]  }
0x1f: {  	[tilespmem:s18], [sflag:$0x1] =	stream.linear.gather [hbm4b:s17+s16], $0x2710, $0x38;
	[tilespmem:$0x1EAA0] =	vst v63  }
0x20: {  	s16 =	simm.s32 $0x0;
	s17 =	simm.s32 $0x200  }
.LBB2_2:
0x21: {  	p0 =	sne.s32 s17, $0x4E00;
	[tilespmem:s16+$0x4E90] =	vst v0  }
0x22: {  	[tilespmem:s16+$0x4E20] =	vst v0  }
0x23: {  	[tilespmem:s16+$0x4E30] =	vst v0  }
.Ltmp0:
0x24: {  	[tilespmem:s16+$0x4E40] =	vst v0;
	(pc) =	sbr.rel @p0 .LBB2_2-.Ltmp0, $4  }
0x25: {  	[tilespmem:s16+$0x4E50] =	vst v0  }
0x26: {  	[tilespmem:s16+$0x4E60] =	vst v0  }
0x27: {  	[tilespmem:s16+$0x4E70] =	vst v0  }
0x28: {  	[tilespmem:s16+$0x4E80] =	vst v0;
	s16 =	sshra.s32 s17, $0x2;
	s17 =	sadd.s32 $0x200, s17  }
0x29: {  	[tilespmem:s16+$0x4E90] =	vst v0  }
0x2a: {  	[tilespmem:s16+$0x4E20] =	vst v0  }
0x2b: {  	[tilespmem:s16+$0x4E30] =	vst v0  }
0x2c: {  	[tilespmem:s16+$0x4E40] =	vst v0  }
0x2d: {  	[tilespmem:s16+$0x4E50] =	vst v0  }
0x2e: {  	[tilespmem:s16+$0x4E60] =	vst v0  }
0x2f: {  	[tilespmem:s16+$0x4E70] =	vst v0  }
0x30: {  	[tilespmem:s16+$0x4E80] =	vst v0  }
0x31: {  	[spmem:s7] =	stream.linear.scatter [tilespmem:s26], [sflag:$0x2], $0x1400, $0x38;
	[tilespmem:$0x1EAA0] =	vst v63  }
0x32: {  	s17 =	rddreg [dreg:$0x5]  }
0x33: {  	[spmem:s17] =	stream.linear.scatter [tilespmem:s26], [sflag:$0x2], $0x1400, $0x38;
	[tilespmem:$0x1EAA0] =	vst v63  }
0x34: {  	s18 =	rddreg [dreg:$0x6]  }
0x35: {  	[spmem:s18] =	stream.linear.scatter [tilespmem:s26], [sflag:$0x2], $0x1400, $0x38;
	[tilespmem:$0x1EAA0] =	vst v63  }
0x36: {  	s17 =	rddreg [dreg:$0x7]  }
0x37: {  	[spmem:s17] =	stream.linear.scatter [tilespmem:s26], [sflag:$0x2], $0x1400, $0x38;
	[tilespmem:$0x1EAA0] =	vst v63  }
0x38: {  	s18 =	rddreg [dreg:$0x8]  }
0x39: {  	[spmem:s18] =	stream.linear.scatter [tilespmem:s26], [sflag:$0x2], $0x1400, $0x38;
	[tilespmem:$0x1EAA0] =	vst v63  }
0x3a: {  	s17 =	rddreg [dreg:$0x9]  }
0x3b: {  	[spmem:s17] =	stream.linear.scatter [tilespmem:s26], [sflag:$0x2], $0x1400, $0x38;
	[tilespmem:$0x1EAA0] =	vst v63  }
0x3c: {  	s18 =	rddreg [dreg:$0xa]  }
0x3d: {  	[spmem:s18] =	stream.linear.scatter [tilespmem:s26], [sflag:$0x2], $0x1400, $0x38;
	[tilespmem:$0x1EAA0] =	vst v63  }
0x3e: {  	s17 =	rddreg [dreg:$0xb]  }
0x3f: {  	[spmem:s17] =	stream.linear.scatter [tilespmem:s26], [sflag:$0x2], $0x1400, $0x38;
	[tilespmem:$0x1EAA0] =	vst v63  }
0x40: {  	s18 =	rddreg [dreg:$0xc]  }
0x41: {  	[spmem:s18] =	stream.linear.scatter [tilespmem:s26], [sflag:$0x2], $0x1400, $0x38;
	[tilespmem:$0x1EAA0] =	vst v63  }
0x42: {  	s17 =	rddreg [dreg:$0xd]  }
0x43: {  	[spmem:s17] =	stream.linear.scatter [tilespmem:s26], [sflag:$0x2], $0x1400, $0x38;
	[tilespmem:$0x1EAA0] =	vst v63  }
0x44: {  	s18 =	rddreg [dreg:$0xe]  }
0x45: {  	[spmem:s18] =	stream.linear.scatter [tilespmem:s26], [sflag:$0x2], $0x1400, $0x38;
	[tilespmem:$0x1EAA0] =	vst v63  }
0x46: {  	s17 =	rddreg [dreg:$0xf]  }
0x47: {  	[spmem:s17] =	stream.linear.scatter [tilespmem:s26], [sflag:$0x2], $0x1400, $0x38;
	[tilespmem:$0x1EAA0] =	vst v63  }
0x48: {  	_ = 	snop  }
0x49: {  	[spmem:s19] =	stream.linear.scatter [tilespmem:s26], [sflag:$0x2], $0x1400, $0x38;
	[tilespmem:$0x1EAA0] =	vst v63  }
0x4a: {  	_ = 	snop  }
0x4b: {  	[spmem:s20] =	stream.linear.scatter [tilespmem:s26], [sflag:$0x2], $0x1400, $0x38;
	[tilespmem:$0x1EAA0] =	vst v63  }
0x4c: {  	_ = 	snop  }
0x4d: {  	[spmem:s21] =	stream.linear.scatter [tilespmem:s26], [sflag:$0x2], $0x1400, $0x38;
	[tilespmem:$0x1EAA0] =	vst v63  }
0x4e: {  	_ = 	snop  }
0x4f: {  	[spmem:s22] =	stream.linear.scatter [tilespmem:s26], [sflag:$0xC], $0xC80, $0x38;
	[tilespmem:$0x1EAA0] =	vst v63  }
0x50: {  	_ =	swait.ge [sflag:s28], $0xC80  }
0x51: {  	[sflag:s28] =	ssyncset.done $0x0  }
0x52: {  	[sflag:s28] =	ssyncadd.s32 $0xFFFFF380  }
0x53: {  	_ =	swait.ge [sflag:s29], $0x1400  }
0x54: {  	[sflag:s29] =	ssyncset.done $0x0  }
0x55: {  	[sflag:s29] =	ssyncadd.s32 $0xFFFFEC00  }
0x56: {  	_ =	swait.ge [sflag:s29], $0x1400  }
0x57: {  	[sflag:s29] =	ssyncset.done $0x0  }
0x58: {  	[sflag:s29] =	ssyncadd.s32 $0xFFFFEC00  }
0x59: {  	_ =	swait.ge [sflag:s29], $0x1400  }
0x5a: {  	[sflag:s29] =	ssyncset.done $0x0  }
0x5b: {  	[sflag:s29] =	ssyncadd.s32 $0xFFFFEC00  }
0x5c: {  	_ =	swait.ge [sflag:s29], $0x1400  }
0x5d: {  	[sflag:s29] =	ssyncset.done $0x0  }
0x5e: {  	[sflag:s29] =	ssyncadd.s32 $0xFFFFEC00  }
0x5f: {  	_ =	swait.ge [sflag:s29], $0x1400  }
0x60: {  	[sflag:s29] =	ssyncset.done $0x0  }
0x61: {  	[sflag:s29] =	ssyncadd.s32 $0xFFFFEC00  }
0x62: {  	_ =	swait.ge [sflag:s29], $0x1400  }
0x63: {  	[sflag:s29] =	ssyncset.done $0x0  }
0x64: {  	[sflag:s29] =	ssyncadd.s32 $0xFFFFEC00  }
0x65: {  	_ =	swait.ge [sflag:s29], $0x1400  }
0x66: {  	[sflag:s29] =	ssyncset.done $0x0  }
0x67: {  	[sflag:s29] =	ssyncadd.s32 $0xFFFFEC00  }
0x68: {  	_ =	swait.ge [sflag:s29], $0x1400  }
0x69: {  	[sflag:s29] =	ssyncset.done $0x0  }
0x6a: {  	[sflag:s29] =	ssyncadd.s32 $0xFFFFEC00  }
0x6b: {  	_ =	swait.ge [sflag:s29], $0x1400  }
0x6c: {  	[sflag:s29] =	ssyncset.done $0x0  }
0x6d: {  	[sflag:s29] =	ssyncadd.s32 $0xFFFFEC00  }
0x6e: {  	_ =	swait.ge [sflag:s29], $0x1400  }
0x6f: {  	[sflag:s29] =	ssyncset.done $0x0  }
0x70: {  	[sflag:s29] =	ssyncadd.s32 $0xFFFFEC00  }
0x71: {  	_ =	swait.ge [sflag:s29], $0x1400  }
0x72: {  	[sflag:s29] =	ssyncset.done $0x0  }
0x73: {  	[sflag:s29] =	ssyncadd.s32 $0xFFFFEC00  }
0x74: {  	_ =	swait.ge [sflag:s29], $0x1400  }
0x75: {  	[sflag:s29] =	ssyncset.done $0x0  }
0x76: {  	[sflag:s29] =	ssyncadd.s32 $0xFFFFEC00  }
0x77: {  	_ =	swait.ge [sflag:s29], $0x1400  }
0x78: {  	[sflag:s29] =	ssyncset.done $0x0  }
0x79: {  	[sflag:s29] =	ssyncadd.s32 $0xFFFFEC00  }
0x7a: {  	_ =	swait.ge [sflag:s29], $0x1400  }
0x7b: {  	[sflag:s29] =	ssyncset.done $0x0  }
0x7c: {  	[sflag:s29] =	ssyncadd.s32 $0xFFFFEC00  }
0x7d: {  	_ =	swait.ge [sflag:s29], $0x1400  }
0x7e: {  	[sflag:s29] =	ssyncset.done $0x0  }
0x7f: {  	[sflag:s29] =	ssyncadd.s32 $0xFFFFEC00  }
0x80: {  	_ =	swait.ge [sflag:s30], $0x2710  }
0x81: {  	[sflag:s30] =	ssyncset.done $0x0  }
0x82: {  	[sflag:s30] =	ssyncadd.s32 $0xFFFFD8F0  }
0x83: {  	_ =	swait.ge [sflag:s30], $0x2710  }
0x84: {  	[sflag:s30] =	ssyncset.done $0x0  }
0x85: {  	s18 =	simm.s32 $0x0;
	[sflag:s30] =	ssyncadd.s32 $0xFFFFD8F0  }
0x86: {  	[tilespmem:s26], [sflag:$0x2] =	stream.indirect.gather [hbm4b:s4+s31], $0x80, s18, s31, $0xb8;
	[tilespmem:$0x1EAA0] =	vst v63  }
0x87: {  	_ = 	snop  }
0x88: {  	[tilespmem:s0], [sflag:$0x3] =	stream.indirect.gather [hbm4b:s4+s31], $0x80, s31, s31, $0xb8;
	[tilespmem:$0x1EAA0] =	vst v63  }
0x89: {  	s17 =	simm.s32 $0x50  }
0x8a: {  	[tilespmem:s25], [sflag:$0x4] =	stream.indirect.gather [hbm4b:s4+s31], $0x80, s17, s31, $0xb8;
	[tilespmem:$0x1EAA0] =	vst v63  }
0x8b: {  	s18 =	simm.s32 $0x78  }
0x8c: {  	[tilespmem:s1], [sflag:$0x5] =	stream.indirect.gather [hbm4b:s4+s31], $0x80, s18, s31, $0xb8;
	[tilespmem:$0x1EAA0] =	vst v63  }
0x8d: {  	s17 =	simm.s32 $0xA0  }
0x8e: {  	[tilespmem:s3], [sflag:$0x6] =	stream.indirect.gather [hbm4b:s4+s31], $0x80, s17, s31, $0xb8;
	[tilespmem:$0x1EAA0] =	vst v63  }
0x8f: {  	[bflag:$0x0] =	sbarrier.arrive $0xFFFF  }
0x90: {  	_ =	swait.ge [sflag:s29], $0x1400  }
0x91: {  	[sflag:s29] =	ssyncset.done $0x0  }
0x92: {  	s18 =	simm.s32 $0x2710;
	[sflag:s29] =	ssyncadd.s32 $0xFFFFEC00  }
0x93: {  	[spmem:s2] =	stream.indirect.scatter.add.f32 [tilespmem:s26], [sflag:$0x7], $0x80, s18, s31, $0xb8;
	[tilespmem:$0x1EAA0] =	vst v63  }
0x94: {  	_ =	swait.ge [sflag:s5], $0x1400  }
0x95: {  	[sflag:s5] =	ssyncset.done $0x0  }
0x96: {  	s17 =	simm.s32 $0x2738;
	[sflag:s5] =	ssyncadd.s32 $0xFFFFEC00  }
0x97: {  	[spmem:s2] =	stream.indirect.scatter.add.f32 [tilespmem:s0], [sflag:$0x8], $0x80, s17, s31, $0xb8;
	[tilespmem:$0x1EAA0] =	vst v63  }
0x98: {  	_ =	swait.ge [sflag:s6], $0x1400  }
0x99: {  	[sflag:s6] =	ssyncset.done $0x0  }
0x9a: {  	s18 =	simm.s32 $0x2760;
	[sflag:s6] =	ssyncadd.s32 $0xFFFFEC00  }
0x9b: {  	[spmem:s2] =	stream.indirect.scatter.add.f32 [tilespmem:s25], [sflag:$0x9], $0x80, s18, s31, $0xb8;
	[tilespmem:$0x1EAA0] =	vst v63  }
0x9c: {  	_ =	swait.ge [sflag:s8], $0x1400  }
0x9d: {  	[sflag:s8] =	ssyncset.done $0x0  }
0x9e: {  	s17 =	simm.s32 $0x2788;
	[sflag:s8] =	ssyncadd.s32 $0xFFFFEC00  }
0x9f: {  	[spmem:s2] =	stream.indirect.scatter.add.f32 [tilespmem:s1], [sflag:$0xA], $0x80, s17, s31, $0xb8;
	[tilespmem:$0x1EAA0] =	vst v63  }
0xa0: {  	_ =	swait.ge [sflag:s9], $0x1400  }
0xa1: {  	[sflag:s9] =	ssyncset.done $0x0  }
0xa2: {  	s18 =	simm.s32 $0x27B0;
	[sflag:s9] =	ssyncadd.s32 $0xFFFFEC00  }
0xa3: {  	[spmem:s2] =	stream.indirect.scatter.add.f32 [tilespmem:s3], [sflag:$0xB], $0x80, s18, s31, $0xb8;
	[tilespmem:$0x1EAA0] =	vst v63  }
0xa4: {  	_ =	swait.ge [sflag:s10], $0x1400  }
0xa5: {  	[sflag:s10] =	ssyncset.done $0x0  }
0xa6: {  	s17 =	simm.s32 $0xC8;
	[sflag:s10] =	ssyncadd.s32 $0xFFFFEC00  }
0xa7: {  	[tilespmem:s26], [sflag:$0x2] =	stream.indirect.gather [hbm4b:s4+s31], $0x80, s17, s31, $0xb8;
	[tilespmem:$0x1EAA0] =	vst v63  }
0xa8: {  	_ =	swait.ge [sflag:s11], $0x1400  }
0xa9: {  	[sflag:s11] =	ssyncset.done $0x0  }
0xaa: {  	s18 =	simm.s32 $0xF0;
	[sflag:s11] =	ssyncadd.s32 $0xFFFFEC00  }
0xab: {  	[tilespmem:s0], [sflag:$0x3] =	stream.indirect.gather [hbm4b:s4+s31], $0x80, s18, s31, $0xb8;
	[tilespmem:$0x1EAA0] =	vst v63  }
0xac: {  	_ =	swait.ge [sflag:s12], $0x1400  }
0xad: {  	[sflag:s12] =	ssyncset.done $0x0  }
0xae: {  	s17 =	simm.s32 $0x118;
	[sflag:s12] =	ssyncadd.s32 $0xFFFFEC00  }
0xaf: {  	[tilespmem:s25], [sflag:$0x4] =	stream.indirect.gather [hbm4b:s4+s31], $0x80, s17, s31, $0xb8;
	[tilespmem:$0x1EAA0] =	vst v63  }
0xb0: {  	_ =	swait.ge [sflag:s13], $0x1400  }
0xb1: {  	[sflag:s13] =	ssyncset.done $0x0  }
0xb2: {  	s18 =	simm.s32 $0x140;
	[sflag:s13] =	ssyncadd.s32 $0xFFFFEC00  }
0xb3: {  	[tilespmem:s1], [sflag:$0x5] =	stream.indirect.gather [hbm4b:s4+s31], $0x80, s18, s31, $0xb8;
	[tilespmem:$0x1EAA0] =	vst v63  }
0xb4: {  	_ =	swait.ge [sflag:s14], $0x1400  }
0xb5: {  	[sflag:s14] =	ssyncset.done $0x0  }
0xb6: {  	s16 =	simm.s32 $0x320;
	s17 =	simm.s32 $0x168;
	[sflag:s14] =	ssyncadd.s32 $0xFFFFEC00  }
.LBB2_4:
0xb7: {  	[tilespmem:s3], [sflag:$0x6] =	stream.indirect.gather [hbm4b:s4+s31], $0x80, s17, s31, $0xb8;
	[tilespmem:$0x1EAA0] =	vst v63  }
0xb8: {  	s17 =	smov.u32 s16  }
0xb9: {  	p0 =	sne.s32 s16, $0x9600;
	s16 =	sadd.s32 $0x320, s16;
	_ =	swait.ge [sflag:s29], $0x1400  }
0xba: {  	s17 =	sshra.s32 s17, $0x2;
	[sflag:s29] =	ssyncset.done $0x0  }
0xbb: {  	s18 =	sadd.s32 $0x2710, s17;
	[sflag:s29] =	ssyncadd.s32 $0xFFFFEC00  }
0xbc: {  	[spmem:s2] =	stream.indirect.scatter.add.f32 [tilespmem:s26], [sflag:$0x7], $0x80, s18, s31, $0xb8;
	[tilespmem:$0x1EAA0] =	vst v63  }
0xbd: {  	_ =	swait.ge [sflag:s5], $0x1400  }
0xbe: {  	[sflag:s5] =	ssyncset.done $0x0  }
0xbf: {  	s18 =	sadd.s32 $0x2738, s17;
	[sflag:s5] =	ssyncadd.s32 $0xFFFFEC00  }
0xc0: {  	[spmem:s2] =	stream.indirect.scatter.add.f32 [tilespmem:s0], [sflag:$0x8], $0x80, s18, s31, $0xb8;
	[tilespmem:$0x1EAA0] =	vst v63  }
0xc1: {  	_ =	swait.ge [sflag:s6], $0x1400  }
0xc2: {  	[sflag:s6] =	ssyncset.done $0x0  }
0xc3: {  	s18 =	sadd.s32 $0x2760, s17;
	[sflag:s6] =	ssyncadd.s32 $0xFFFFEC00  }
0xc4: {  	[spmem:s2] =	stream.indirect.scatter.add.f32 [tilespmem:s25], [sflag:$0x9], $0x80, s18, s31, $0xb8;
	[tilespmem:$0x1EAA0] =	vst v63  }
0xc5: {  	_ =	swait.ge [sflag:s8], $0x1400  }
0xc6: {  	[sflag:s8] =	ssyncset.done $0x0  }
0xc7: {  	s18 =	sadd.s32 $0x2788, s17;
	[sflag:s8] =	ssyncadd.s32 $0xFFFFEC00  }
0xc8: {  	[spmem:s2] =	stream.indirect.scatter.add.f32 [tilespmem:s1], [sflag:$0xA], $0x80, s18, s31, $0xb8;
	[tilespmem:$0x1EAA0] =	vst v63  }
0xc9: {  	_ =	swait.ge [sflag:s9], $0x1400  }
0xca: {  	[sflag:s9] =	ssyncset.done $0x0  }
0xcb: {  	s18 =	sadd.s32 $0x27B0, s17;
	[sflag:s9] =	ssyncadd.s32 $0xFFFFEC00  }
0xcc: {  	[spmem:s2] =	stream.indirect.scatter.add.f32 [tilespmem:s3], [sflag:$0xB], $0x80, s18, s31, $0xb8;
	[tilespmem:$0x1EAA0] =	vst v63  }
0xcd: {  	_ =	swait.ge [sflag:s10], $0x1400  }
0xce: {  	[sflag:s10] =	ssyncset.done $0x0  }
0xcf: {  	s18 =	sadd.s32 $0xC8, s17;
	[sflag:s10] =	ssyncadd.s32 $0xFFFFEC00  }
0xd0: {  	[tilespmem:s26], [sflag:$0x2] =	stream.indirect.gather [hbm4b:s4+s31], $0x80, s18, s31, $0xb8;
	[tilespmem:$0x1EAA0] =	vst v63  }
0xd1: {  	_ =	swait.ge [sflag:s11], $0x1400  }
0xd2: {  	[sflag:s11] =	ssyncset.done $0x0  }
0xd3: {  	s18 =	sadd.s32 $0xF0, s17;
	[sflag:s11] =	ssyncadd.s32 $0xFFFFEC00  }
0xd4: {  	[tilespmem:s0], [sflag:$0x3] =	stream.indirect.gather [hbm4b:s4+s31], $0x80, s18, s31, $0xb8;
	[tilespmem:$0x1EAA0] =	vst v63  }
0xd5: {  	_ =	swait.ge [sflag:s12], $0x1400  }
0xd6: {  	[sflag:s12] =	ssyncset.done $0x0  }
0xd7: {  	s18 =	sadd.s32 $0x118, s17;
	[sflag:s12] =	ssyncadd.s32 $0xFFFFEC00  }
0xd8: {  	[tilespmem:s25], [sflag:$0x4] =	stream.indirect.gather [hbm4b:s4+s31], $0x80, s18, s31, $0xb8;
	[tilespmem:$0x1EAA0] =	vst v63  }
0xd9: {  	_ =	swait.ge [sflag:s13], $0x1400  }
0xda: {  	[sflag:s13] =	ssyncset.done $0x0  }
.Ltmp1:
0xdb: {  	s18 =	sadd.s32 $0x140, s17;
	[sflag:s13] =	ssyncadd.s32 $0xFFFFEC00;
	(pc) =	sbr.rel @p0 .LBB2_4-.Ltmp1, $4  }
0xdc: {  	[tilespmem:s1], [sflag:$0x5] =	stream.indirect.gather [hbm4b:s4+s31], $0x80, s18, s31, $0xb8;
	[tilespmem:$0x1EAA0] =	vst v63  }
0xdd: {  	_ =	swait.ge [sflag:s14], $0x1400  }
0xde: {  	[sflag:s14] =	ssyncset.done $0x0  }
0xdf: {  	s17 =	sadd.s32 $0x168, s17;
	[sflag:s14] =	ssyncadd.s32 $0xFFFFEC00  }
0xe0: {  	[tilespmem:s3], [sflag:$0x6] =	stream.indirect.gather [hbm4b:s4+s31], $0x80, s17, s31, $0xb8;
	[tilespmem:$0x1EAA0] =	vst v63  }
0xe1: {  	_ =	swait.ge [sflag:s29], $0x1400  }
0xe2: {  	[sflag:s29] =	ssyncset.done $0x0  }
0xe3: {  	s16 =	simm.s32 $0x4D58;
	[sflag:s29] =	ssyncadd.s32 $0xFFFFEC00  }
0xe4: {  	[spmem:s2] =	stream.indirect.scatter.add.f32 [tilespmem:s26], [sflag:$0x7], $0x80, s16, s31, $0xb8;
	[tilespmem:$0x1EAA0] =	vst v63  }
0xe5: {  	_ =	swait.ge [sflag:s5], $0x1400  }
0xe6: {  	[sflag:s5] =	ssyncset.done $0x0  }
0xe7: {  	s17 =	simm.s32 $0x4D80;
	[sflag:s5] =	ssyncadd.s32 $0xFFFFEC00  }
0xe8: {  	[spmem:s2] =	stream.indirect.scatter.add.f32 [tilespmem:s0], [sflag:$0x8], $0x80, s17, s31, $0xb8;
	[tilespmem:$0x1EAA0] =	vst v63  }
0xe9: {  	_ =	swait.ge [sflag:s6], $0x1400  }
0xea: {  	[sflag:s6] =	ssyncset.done $0x0  }
0xeb: {  	s18 =	simm.s32 $0x4DA8;
	[sflag:s6] =	ssyncadd.s32 $0xFFFFEC00  }
0xec: {  	[spmem:s2] =	stream.indirect.scatter.add.f32 [tilespmem:s25], [sflag:$0x9], $0x80, s18, s31, $0xb8;
	[tilespmem:$0x1EAA0] =	vst v63  }
0xed: {  	_ =	swait.ge [sflag:s8], $0x1400  }
0xee: {  	[sflag:s8] =	ssyncset.done $0x0  }
0xef: {  	s17 =	simm.s32 $0x4DD0;
	[sflag:s8] =	ssyncadd.s32 $0xFFFFEC00  }
0xf0: {  	[spmem:s2] =	stream.indirect.scatter.add.f32 [tilespmem:s1], [sflag:$0xA], $0x80, s17, s31, $0xb8;
	[tilespmem:$0x1EAA0] =	vst v63  }
0xf1: {  	_ =	swait.ge [sflag:s9], $0x1400  }
0xf2: {  	[sflag:s9] =	ssyncset.done $0x0  }
0xf3: {  	s18 =	simm.s32 $0x4DF8;
	[sflag:s9] =	ssyncadd.s32 $0xFFFFEC00  }
0xf4: {  	[spmem:s2] =	stream.indirect.scatter.add.f32 [tilespmem:s3], [sflag:$0xB], $0x80, s18, s31, $0xb8;
	[tilespmem:$0x1EAA0] =	vst v63  }
0xf5: {  	_ =	swait.ge [sflag:s10], $0x1400  }
0xf6: {  	[sflag:s10] =	ssyncset.done $0x0  }
0xf7: {  	[sflag:s10] =	ssyncadd.s32 $0xFFFFEC00  }
0xf8: {  	_ =	swait.ge [sflag:s11], $0x1400  }
0xf9: {  	[sflag:s11] =	ssyncset.done $0x0  }
0xfa: {  	[sflag:s11] =	ssyncadd.s32 $0xFFFFEC00  }
0xfb: {  	_ =	swait.ge [sflag:s12], $0x1400  }
0xfc: {  	[sflag:s12] =	ssyncset.done $0x0  }
0xfd: {  	[sflag:s12] =	ssyncadd.s32 $0xFFFFEC00  }
0xfe: {  	_ =	swait.ge [sflag:s13], $0x1400  }
0xff: {  	[sflag:s13] =	ssyncset.done $0x0  }
0x100: {  	[sflag:s13] =	ssyncadd.s32 $0xFFFFEC00  }
0x101: {  	s17 =	stileid.u32;
	_ =	swait.ge [sflag:s14], $0x1400  }
0x102: {  	s15 =	sadd.s32 $0x1, s15;
	s16 =	sshll.u32 s17, $0x6;
	[sflag:s14] =	ssyncset.done $0x0  }
0x103: {  	p0 =	sne.s32 s15, s24;
	s16 =	sor.u32 $0x1C0C, s16;
	[sflag:s14] =	ssyncadd.s32 $0xFFFFEC00  }
.Ltmp2:
0x104: {  	s18 =	sshrl.u32 s7, $0x3;
	[bflag:$0x0] =	sbarrier.arrive $0xFFFF;
	(pc) =	sbr.rel @p0 .LBB2_1-.Ltmp2, $4  }
0x105: {  	[hbm:s23], [sflag:s16] =	dma.local [spmem:s18], $0x2710  }
0x106: {  	_ =	swait.ge [sflag:s28], $0x2710  }
0x107: {  	[sflag:s28] =	ssyncset.done $0x0  }
0x108: {  	[sflag:s28] =	ssyncadd.s32 $0xFFFFD8F0  }
0x109: {  	_ =	sfence.sel $0x180000  }
0x10a: {  	[bflag:$0x0] =	sbarrier.arrive $0xFFFF  }
0x10b: {  	_ =	strace $0x9000004A  }
0x10c: {  	s0 =	stileid.u32;
	[bflag:$0x2] =	sbarrier.arrive $0xFFFF  }
0x10d: {  	p0 =	sne.s32 s0, $0x0;
	s0 =	rddreg [dreg:$0x2]  }
0x10e: {  	s0 =	sadd.s32 @!p0 $0x100000, s0  }
0x10f: {  	[sflag:s0] =	ssyncadd.tile.s32 @!p0 $0x1;
	_ =	shalt  }
.Lfunc_end2:
_tile_overlayer_lowered:
.L_overlay_start_2:
0x110: {  	(tag) =	ssettag $0x2  }
0x111: {  	s0 =	rddreg [dreg:$0x0];
	s2 =	stileid.u32  }
0x112: {  	s1 =	rddreg [dreg:$0x1];
	p0 =	sne.s32 s2, $0x0  }
0x113: {  	s3 =	rddreg [dreg:$0x2];
	[bflag:$0x3] =	sbarrier.arrive $0xFFFF;
	s2 =	simm.s32 @!p0 $0x1C0C  }
0x114: {  	[timem:s3], [sflag:s2] =	dma.local @!p0 [hbm:s0], s1  }
0x115: {  	s0 =	simm.s32 @!p0 $0xC  }
0x116: {  	_ =	swait.ge @!p0 [sflag:s0], s1  }
0x117: {  	s1 =	ssub.s32 @!p0 $0x0, s1;
	[sflag:s0] =	ssyncset.done @!p0 $0x0  }
0x118: {  	[sflag:s0] =	ssyncadd.s32 @!p0 s1  }
0x119: {  	[bflag:$0x3] =	sbarrier.arrive $0xFFFF  }
0x11a: {  	_ =	shalt  }

// kernel: kernel.14.cloned.1.call-start
scs
__scs_entry_jumppad:
0x0: {  	(pc) =	sbr.rel $0x88, $3  }
0x1: {  	(tag) =	ssettag $0x0;
	lr =	simm.s32 $0x1  }
0x2: {  	[smem:$0x3F92] =	sst lr;
	_ =	strace $0xD0000000  }
0x3: {  	_ = 	snop  }
0x4: {  	_ = 	snop  }
0x5: {  	_ = 	snop  }
0x6: {  	_ = 	snop  }
0x7: {  	_ = 	snop  }
__scs_overlays_trampoline_lowered:
0x8: {  	[smem:$0x3FA1] =	sst s0  }
0x9: {  	[smem:$0x3FA2] =	sst s1  }
0xa: {  	[smem:$0x3FA3] =	sst s2  }
0xb: {  	[smem:$0x3FA4] =	sst s3  }
0xc: {  	[smem:$0x3FA5] =	sst s4  }
0xd: {  	[smem:$0x3FA6] =	sst s5  }
0xe: {  	[smem:$0x3FA7] =	sst s6  }
0xf: {  	[smem:$0x3FA8] =	sst s7  }
0x10: {  	[smem:$0x3FA9] =	sst s8  }
0x11: {  	[smem:$0x3FAA] =	sst s9;
	s0 =	simm.s32 @!p0 $0x0  }
0x12: {  	s1 =	sld [smem:$0x3F90];
	s0 =	simm.s32 @p0 $0x1  }
0x13: {  	[smem:$0x3FAB] =	sst s0;
	s0 =	simm.s32 @!p1 $0x0  }
0x14: {  	s2 =	sld [smem:$0x3F8F];
	s0 =	simm.s32 @p1 $0x1  }
0x15: {  	[smem:$0x3FAC] =	sst s0;
	s0 =	simm.s32 @!p2 $0x0  }
0x16: {  	s3 =	sld [smem:$0x3FDB];
	s0 =	simm.s32 @p2 $0x1  }
0x17: {  	s4 =	simm.s32 $0x1BF5;
	[smem:$0x3FAE] =	sst s0  }
0x18: {  	s0 =	sld [smem:$0x3F91];
	_ =	swait.ge [sflag:s4], $0x0  }
0x19: {  	s7 =	sld [smem:$0x3F92]  }
0x1a: {  	s8 =	sadd.s32 $0xFFFFE003, lr  }
0x1b: {  	s9 =	sadd.s32 $0xFFFFFEF7, lr;
	s5 =	simm.s32 $0xFFFFFFFF;
	p2 =	slt.u32 s8, $0xFFFFF086  }
0x1c: {  	p1 =	slt.u32 s9, $0xF7A;
	s5 =	simm.s32 @!p2 $0x0  }
0x1d: {  	s5 =	simm.s32 @p1 $0x1;
	p0 =	seq.s32 s7, s2  }
0x1e: {  	s7 =	smul.u32 @!p0 $0xF7A, s2;
	p2 =	seq.s32 @!p0 s5, $0x0  }
0x1f: {  	s9 =	smul.u32 $0xF7A, s1;
	s8 =	simm.s32 @!p0 $0x1BF5;
	p2 =	por !p2, p0  }
0x20: {  	[sflag:s8] =	ssyncset.s32 @!p0 $0xFFFFF086;
	s6 =	sadd.s32 @!p0 s3, s7;
	s7 =	simm.s32 @!p0 $0x108  }
0x21: {  	s3 =	sadd.s32 s3, s9;
	s6 =	sadd.s32 @!p0 $0x88, s6;
	s7 =	simm.s32 @p2 $0x1082  }
0x22: {  	[simem:s7], [sflag:s8] =	dma.local @!p0 [hbm:s6], $0xF7A  }
0x23: {  	s9 =	sor.u32 $0xD0000000, s2;
	s6 =	simm.s32 $0x108;
	_ =	swait.ge @!p0 [sflag:s8], $0x0  }
0x24: {  	s3 =	sadd.s32 $0x88, s3;
	s6 =	simm.s32 @!p1 $0x1082;
	[sflag:s4] =	ssyncset.s32 $0xFFFFF086  }
0x25: {  	[simem:s6], [sflag:s4] =	dma.local [hbm:s3], $0xF7A  }
0x26: {  	[smem:$0x3F92] =	sst s1;
	(tag) =	ssettag s2;
	_ =	strace s9  }
0x27: {  	s1 =	sld [smem:$0x3FA2]  }
0x28: {  	s2 =	sld [smem:$0x3FA3]  }
0x29: {  	s4 =	sld [smem:$0x3FA5]  }
0x2a: {  	p0 =	seq.s32 s5, $0x0;
	s5 =	sld [smem:$0x3FA6]  }
0x2b: {  	s6 =	sld [smem:$0x3FA7]  }
0x2c: {  	s7 =	sld [smem:$0x3FA8]  }
0x2d: {  	s3 =	simm.s32 $0x108;
	s8 =	sld [smem:$0x3FA9]  }
0x2e: {  	s3 =	simm.s32 @!p0 $0x1082;
	s9 =	sld [smem:$0x3FAA]  }
0x2f: {  	lr =	sadd.s32 s0, s3;
	s0 =	sld [smem:$0x3FA1]  }
0x30: {  	s3 =	sld [smem:$0x3FA4]  }
0x31: {  	[smem:$0x3FAD] =	sst s10  }
0x32: {  	s10 =	sld [smem:$0x3FAB];
	_ =	sdelay $0x3  }
0x33: {  	p0 =	seq.s32 s10, $0x1;
	s10 =	sld [smem:$0x3FAD];
	_ =	sdelay $0x3  }
0x34: {  	[smem:$0x3FAD] =	sst s10  }
0x35: {  	s10 =	sld [smem:$0x3FAC];
	_ =	sdelay $0x3  }
0x36: {  	p1 =	seq.s32 s10, $0x1;
	s10 =	sld [smem:$0x3FAD];
	_ =	sdelay $0x3  }
0x37: {  	[smem:$0x3FAD] =	sst s10  }
0x38: {  	s10 =	sld [smem:$0x3FAE]  }
0x39: {  	_ = 	snop;
	(pc) =	sbr.ind lr, $3  }
0x3a: {  	_ = 	snop  }
0x3b: {  	_ = 	snop  }
0x3c: {  	p2 =	seq.s32 s10, $0x1;
	s10 =	sld [smem:$0x3FAD]  }
0x3d: {  	_ =	shalt  }
0x3e: {  	_ =	shalt  }
0x3f: {  	_ =	shalt  }
0x40: {  	_ =	shalt  }
0x41: {  	_ =	shalt  }
0x42: {  	_ =	shalt  }
0x43: {  	_ =	shalt  }
0x44: {  	_ =	shalt  }
0x45: {  	_ =	shalt  }
0x46: {  	_ =	shalt  }
0x47: {  	_ =	shalt  }
0x48: {  	_ =	shalt  }
0x49: {  	_ =	shalt  }
0x4a: {  	_ =	shalt  }
0x4b: {  	_ =	shalt  }
0x4c: {  	_ =	shalt  }
0x4d: {  	_ =	shalt  }
0x4e: {  	_ =	shalt  }
0x4f: {  	_ =	shalt  }
0x50: {  	_ =	shalt  }
0x51: {  	_ =	shalt  }
0x52: {  	_ =	shalt  }
0x53: {  	_ =	shalt  }
0x54: {  	_ =	shalt  }
0x55: {  	_ =	shalt  }
0x56: {  	_ =	shalt  }
0x57: {  	_ =	shalt  }
0x58: {  	_ =	shalt  }
0x59: {  	_ =	shalt  }
0x5a: {  	_ =	shalt  }
0x5b: {  	_ =	shalt  }
0x5c: {  	_ =	shalt  }
0x5d: {  	_ =	shalt  }
0x5e: {  	_ =	shalt  }
0x5f: {  	_ =	shalt  }
0x60: {  	_ =	shalt  }
0x61: {  	_ =	shalt  }
0x62: {  	_ =	shalt  }
0x63: {  	_ =	shalt  }
0x64: {  	_ =	shalt  }
0x65: {  	_ =	shalt  }
0x66: {  	_ =	shalt  }
0x67: {  	_ =	shalt  }
0x68: {  	_ =	shalt  }
0x69: {  	_ =	shalt  }
0x6a: {  	_ =	shalt  }
0x6b: {  	_ =	shalt  }
0x6c: {  	_ =	shalt  }
0x6d: {  	_ =	shalt  }
0x6e: {  	_ =	shalt  }
0x6f: {  	_ =	shalt  }
0x70: {  	_ =	shalt  }
0x71: {  	_ =	shalt  }
0x72: {  	_ =	shalt  }
0x73: {  	_ =	shalt  }
0x74: {  	_ =	shalt  }
0x75: {  	_ =	shalt  }
0x76: {  	_ =	shalt  }
0x77: {  	_ =	shalt  }
0x78: {  	_ =	shalt  }
0x79: {  	_ =	shalt  }
0x7a: {  	_ =	shalt  }
0x7b: {  	_ =	shalt  }
0x7c: {  	_ =	shalt  }
0x7d: {  	_ =	shalt  }
0x7e: {  	_ =	shalt  }
0x7f: {  	_ =	shalt  }
0x80: {  	_ =	shalt  }
0x81: {  	_ =	shalt  }
0x82: {  	_ =	shalt  }
0x83: {  	_ =	shalt  }
0x84: {  	_ =	shalt  }
0x85: {  	_ =	shalt  }
0x86: {  	_ =	shalt  }
0x87: {  	_ =	shalt  }
.Lfunc_end0:
.L_simem_size_0:
called_computation.2_lowered:
.L_overlay_start_0:
0x88: {  	s2 =	sld [smem:$0x3FD9]  }
0x89: {  	s3 =	sld [smem:$0x3FFE];
	_ =	sdelay $0x1  }
0x8a: {  	s1 =	srdreg.scid  }
0x8b: {  	s0 =	sand.u32 $0x1, s1  }
0x8c: {  	s16 =	sshll.u32 s0, $0xA;
	s2 =	sadd.s32 s3, s2  }
0x8d: {  	s2 =	sadd.s32 s2, s16  }
0x8e: {  	[smem:$0x3FB9] =	sst s2  }
0x8f: {  	_ = 	snop  }
0x90: {  	(tm) =	ssettm $0x1  }
0x91: {  	s17 =	sld [smem:$0x3FFB];
	_ =	sdelay $0x3  }
0x92: {  	_ =	strace s17  }
0x93: {  	s2 =	sld [smem:$0x3FFC];
	_ =	sdelay $0x3  }
0x94: {  	_ =	strace s2  }
0x95: {  	s2 =	sld [smem:$0x3FFD];
	_ =	sdelay $0x3  }
0x96: {  	_ =	strace s2  }
0x97: {  	_ =	strace $0x8FFFFFFF  }
0x98: {  	s18 =	sld [smem:$0x3FDB];
	_ =	sdelay $0x1  }
0x99: {  	s19 =	simm.s32 $_scs_section_size  }
0x9a: {  	s4 =	simm.s32 $_size__tile_overlayer_lowered;
	s5 =	simm.s32 $_tile_overlayer_lowered  }
0x9b: {  	s22 =	simm.s32 $0x1BFF;
	s21 =	sshll.u32 s5, $0x1;
	s2 =	sadd.s32 s19, s18  }
0x9c: {  	s6 =	simm.s32 $0x0;
	s20 =	sshll.u32 s4, $0x1;
	s4 =	sadd.s32 s21, s2  }
0x9d: {  	[timem:s6], [sflag:s22] =	dma.local [hbm:s4], s20  }
0x9e: {  	_ =	swait.ge [sflag:s22], s20  }
0x9f: {  	s3 =	ssub.s32 $0x0, s20;
	[sflag:s22] =	ssyncset.done $0x0  }
0xa0: {  	[sflag:s22] =	ssyncadd.s32 s3;
	_ =	sdelay $0x1  }
0xa1: {  	s23 =	simm.s32 $0x1B8B  }
0xa2: {  	_ =	swait.ge [sflag:s23], $0x1  }
0xa3: {  	[sflag:s23] =	ssyncset.done $0x0  }
0xa4: {  	s25 =	simm.s32 $0x1B8E;
	s24 =	sld [smem:$0x3FFE];
	[sflag:s23] =	ssyncadd.s32 $0xFFFFFFFF  }
0xa5: {  	s26 =	simm.s32 $execute0_lowered;
	[smem:$0x3FD2] =	sst s25  }
0xa6: {  	s4 =	sshll.u32 s26, $0x1;
	_ =	strace $0x8000004C;
	[dreg:$0x1] =	wrdreg $0xFFFFFFFF  }
0xa7: {  	s28 =	simm.s32 $_size_execute0_lowered;
	s2 =	sadd.s32 s2, s4;
	[dreg:$0x0] =	wrdreg $0x0  }
0xa8: {  	s4 =	sshll.u32 s28, $0x1;
	[dreg:$0x2] =	wrdreg s2  }
0xa9: {  	[dreg:$0x3] =	wrdreg s4  }
0xaa: {  	[dreg:$0x4] =	wrdreg $0xC0  }
0xab: {  	_ =	task [dreg:s6], $0x5FFFF  }
0xac: {  	[dreg:$0x1] =	wrdreg $0xFFFFFFFF  }
0xad: {  	[dreg:$0x0] =	wrdreg $0x60  }
0xae: {  	[dreg:$0x2] =	wrdreg s24  }
0xaf: {  	[dreg:$0x3] =	wrdreg $0xB2200  }
0xb0: {  	[dreg:$0x4] =	wrdreg $0x9  }
0xb1: {  	_ =	task.clear_ibuf [dreg:s6], $0x5FFFF;
	_ =	strace $0x9000004C  }
0xb2: {  	s29 =	simm.s32 $0x9;
	_ =	strace $0x8000004E  }
0xb3: {  	_ =	swait.ge [sflag:s29], $0x1  }
0xb4: {  	[sflag:s29] =	ssyncadd.s32 $0xFFFFFFFF  }
0xb5: {  	_ =	strace $0x9000004E  }
0xb6: {  	_ =	sfence  }
0xb7: {  	s30 =	sld [smem:$0x0];
	_ =	sdelay $0x2  }
0xb8: {  	s31 =	sshll.u32 s1, $0xD;
	s1 =	sshrl.u32 s1, $0x2  }
0xb9: {  	s3 =	sand.u32 $0x4000, s31;
	s1 =	sadd.s32 s1, s30  }
0xba: {  	s0 =	sor.u32 s3, s0;
	s1 =	sshll.u32 s1, $0x11  }
0xbb: {  	s0 =	sor.u32 s1, s0  }
0xbc: {  	s0 =	sadd.s32 $0x8F2B, s0  }
0xbd: {  	[sflag:s0] =	ssyncadd.remote.s32 $0x1  }
0xbe: {  	_ =	sfence.sel $0xFFFF  }
0xbf: {  	[dreg:$0x0] =	wrdreg $0xFFFFFFFF;
	(pc) =	sbr.abs _section_cstart, $3  }
0xc0: {  	[dreg:$0x1] =	wrdreg $0xFFFFFFFF  }
0xc1: {  	_ =	task.clear_ibuf [dreg:s6], $0x2FFFF;
	_ =	strace $0x9FFFFFFF  }
0xc2: {  	(tm) =	ssettm $0x7FFFFFFF  }
0xc3: {  	_ =	shalt  }
tec
execute0_lowered:
.L_overlay_start_1:
0x0: {  	(tag) =	ssettag $0x1  }
0x1: {  	s0 =	rddreg [dreg:$0x0]  }
0x2: {  	s2 =	rddreg [dreg:$0x1]  }
0x3: {  	s1 =	srdreg.scid;
	s7 =	stileid.u32  }
0x4: {  	s4 =	simm.s32 $0x0;
	s28 =	simm.s32 $0xC;
	s1 =	sand.u32 $0x1, s1  }
0x5: {  	s29 =	simm.s32 $0x2;
	s3 =	smul.u32 $0x13880, s7;
	s12 =	sshll.u32 s1, $0x4  }
0x6: {  	s30 =	simm.s32 $0x1;
	s5 =	smul.u32 $0x138800, s1;
	s6 =	sor.u32 s7, s12  }
0x7: {  	s31 =	simm.s32 $0x28;
	s8 =	simm.s32 $0x5;
	s6 =	smul.u32 $0x4E2, s6  }
0x8: {  	[smem:$0x7FF] =	sst s4;
	s4 =	sadd.s32 $0x15E00, s0;
	s7 =	smul.u32 $0x4E200, s7  }
0x9: {  	_ =	strace $0x8000004D;
	s5 =	sadd.s32 s3, s5;
	s6 =	sadd.s32 s6, s0  }
0xa: {  	s5 =	sshrl.u32 s5, $0x3;
	s15 =	sshrl.u32 s7, $0x2;
	s14 =	sadd.s32 $0x2200, s6  }
0xb: {  	s16 =	sadd.s32 s15, s2;
	s6 =	sadd.s32 $0xC000, s6;
	[dreg:$0x3] =	wrdreg s14  }
0xc: {  	s0 =	sadd.s32 s5, s0;
	s5 =	sadd.s32 $0x1400, s16;
	[dreg:$0x4] =	wrdreg s6  }
0xd: {  	s9 =	simm.s32 $0x6;
	s17 =	sadd.s32 $0x2800, s16;
	[dreg:$0x5] =	wrdreg s5  }
0xe: {  	s10 =	simm.s32 $0x7;
	s18 =	sadd.s32 $0x3C00, s16;
	[dreg:$0x6] =	wrdreg s17  }
0xf: {  	s11 =	simm.s32 $0x8;
	s19 =	sadd.s32 $0x5000, s16;
	[dreg:$0x7] =	wrdreg s18  }
0x10: {  	s1 =	ssub.s32 $0x2, s1;
	s20 =	sadd.s32 $0x6400, s16;
	[dreg:$0x8] =	wrdreg s19  }
0x11: {  	s13 =	sshrl.u32 s1, $0x1;
	s21 =	sadd.s32 $0x7800, s16;
	[dreg:$0x9] =	wrdreg s20  }
0x12: {  	s12 =	simm.s32 $0x9;
	s22 =	sadd.s32 $0x8C00, s16;
	[dreg:$0xa] =	wrdreg s21  }
0x13: {  	s1 =	ssub.s32 s1, s13;
	s23 =	sadd.s32 $0xA000, s16;
	[dreg:$0xb] =	wrdreg s22  }
0x14: {  	s13 =	simm.s32 $0xA;
	s24 =	sadd.s32 $0xB400, s16;
	[dreg:$0xc] =	wrdreg s23  }
0x15: {  	s7 =	sadd.s32 s3, s2;
	s25 =	sadd.s32 $0xC800, s16;
	[dreg:$0xd] =	wrdreg s24  }
0x16: {  	s3 =	simm.s32 $0x9E20;
	s26 =	sadd.s32 $0xDC00, s16;
	[dreg:$0xe] =	wrdreg s25  }
0x17: {  	s15 =	simm.s32 $0x0;
	[dreg:$0xf] =	wrdreg s26;
	s19 =	sadd.s32 $0xF000, s16  }
0x18: {  	s20 =	sadd.s32 $0x10400, s16;
	s21 =	sadd.s32 $0x11800, s16;
	s22 =	sadd.s32 $0x12C00, s16  }
0x19: {  	s23 =	sadd.s32 $0x3D000, s0;
	s24 =	smax.u32 s1, $0x1;
	s26 =	simm.s32 $0x4E20  }
0x1a: {  	s0 =	simm.s32 $0x6220;
	s25 =	simm.s32 $0x7620;
	s1 =	simm.s32 $0x8A20  }
0x1b: {  	v0 =	vimm.f32 $0.0e+00;
	s5 =	simm.s32 $0x3;
	s6 =	simm.s32 $0x4;
	s14 =	simm.s32 $0xB  }
.LBB2_1:
0x1c: {  	s16 =	simm.s32 $0x0;
	s17 =	rddreg [dreg:$0x3]  }
0x1d: {  	[tilespmem:s16], [sflag:$0x1] =	stream.linear.gather [hbm4b:s17+s16], $0x2710, $0x38;
	[tilespmem:$0x1EAA0] =	vst v63  }
0x1e: {  	s18 =	simm.s32 $0x2710;
	s17 =	rddreg [dreg:$0x4]  }
0x1f: {  	[tilespmem:s18], [sflag:$0x1] =	stream.linear.gather [hbm4b:s17+s16], $0x2710, $0x38;
	[tilespmem:$0x1EAA0] =	vst v63  }
0x20: {  	s16 =	simm.s32 $0x0;
	s17 =	simm.s32 $0x200  }
.LBB2_2:
0x21: {  	p0 =	sne.s32 s17, $0x4E00;
	[tilespmem:s16+$0x4E90] =	vst v0  }
0x22: {  	[tilespmem:s16+$0x4E20] =	vst v0  }
0x23: {  	[tilespmem:s16+$0x4E30] =	vst v0  }
.Ltmp0:
0x24: {  	[tilespmem:s16+$0x4E40] =	vst v0;
	(pc) =	sbr.rel @p0 .LBB2_2-.Ltmp0, $4  }
0x25: {  	[tilespmem:s16+$0x4E50] =	vst v0  }
0x26: {  	[tilespmem:s16+$0x4E60] =	vst v0  }
0x27: {  	[tilespmem:s16+$0x4E70] =	vst v0  }
0x28: {  	[tilespmem:s16+$0x4E80] =	vst v0;
	s16 =	sshra.s32 s17, $0x2;
	s17 =	sadd.s32 $0x200, s17  }
0x29: {  	[tilespmem:s16+$0x4E90] =	vst v0  }
0x2a: {  	[tilespmem:s16+$0x4E20] =	vst v0  }
0x2b: {  	[tilespmem:s16+$0x4E30] =	vst v0  }
0x2c: {  	[tilespmem:s16+$0x4E40] =	vst v0  }
0x2d: {  	[tilespmem:s16+$0x4E50] =	vst v0  }
0x2e: {  	[tilespmem:s16+$0x4E60] =	vst v0  }
0x2f: {  	[tilespmem:s16+$0x4E70] =	vst v0  }
0x30: {  	[tilespmem:s16+$0x4E80] =	vst v0  }
0x31: {  	[spmem:s7] =	stream.linear.scatter [tilespmem:s26], [sflag:$0x2], $0x1400, $0x38;
	[tilespmem:$0x1EAA0] =	vst v63  }
0x32: {  	s17 =	rddreg [dreg:$0x5]  }
0x33: {  	[spmem:s17] =	stream.linear.scatter [tilespmem:s26], [sflag:$0x2], $0x1400, $0x38;
	[tilespmem:$0x1EAA0] =	vst v63  }
0x34: {  	s18 =	rddreg [dreg:$0x6]  }
0x35: {  	[spmem:s18] =	stream.linear.scatter [tilespmem:s26], [sflag:$0x2], $0x1400, $0x38;
	[tilespmem:$0x1EAA0] =	vst v63  }
0x36: {  	s17 =	rddreg [dreg:$0x7]  }
0x37: {  	[spmem:s17] =	stream.linear.scatter [tilespmem:s26], [sflag:$0x2], $0x1400, $0x38;
	[tilespmem:$0x1EAA0] =	vst v63  }
0x38: {  	s18 =	rddreg [dreg:$0x8]  }
0x39: {  	[spmem:s18] =	stream.linear.scatter [tilespmem:s26], [sflag:$0x2], $0x1400, $0x38;
	[tilespmem:$0x1EAA0] =	vst v63  }
0x3a: {  	s17 =	rddreg [dreg:$0x9]  }
0x3b: {  	[spmem:s17] =	stream.linear.scatter [tilespmem:s26], [sflag:$0x2], $0x1400, $0x38;
	[tilespmem:$0x1EAA0] =	vst v63  }
0x3c: {  	s18 =	rddreg [dreg:$0xa]  }
0x3d: {  	[spmem:s18] =	stream.linear.scatter [tilespmem:s26], [sflag:$0x2], $0x1400, $0x38;
	[tilespmem:$0x1EAA0] =	vst v63  }
0x3e: {  	s17 =	rddreg [dreg:$0xb]  }
0x3f: {  	[spmem:s17] =	stream.linear.scatter [tilespmem:s26], [sflag:$0x2], $0x1400, $0x38;
	[tilespmem:$0x1EAA0] =	vst v63  }
0x40: {  	s18 =	rddreg [dreg:$0xc]  }
0x41: {  	[spmem:s18] =	stream.linear.scatter [tilespmem:s26], [sflag:$0x2], $0x1400, $0x38;
	[tilespmem:$0x1EAA0] =	vst v63  }
0x42: {  	s17 =	rddreg [dreg:$0xd]  }
0x43: {  	[spmem:s17] =	stream.linear.scatter [tilespmem:s26], [sflag:$0x2], $0x1400, $0x38;
	[tilespmem:$0x1EAA0] =	vst v63  }
0x44: {  	s18 =	rddreg [dreg:$0xe]  }
0x45: {  	[spmem:s18] =	stream.linear.scatter [tilespmem:s26], [sflag:$0x2], $0x1400, $0x38;
	[tilespmem:$0x1EAA0] =	vst v63  }
0x46: {  	s17 =	rddreg [dreg:$0xf]  }
0x47: {  	[spmem:s17] =	stream.linear.scatter [tilespmem:s26], [sflag:$0x2], $0x1400, $0x38;
	[tilespmem:$0x1EAA0] =	vst v63  }
0x48: {  	_ = 	snop  }
0x49: {  	[spmem:s19] =	stream.linear.scatter [tilespmem:s26], [sflag:$0x2], $0x1400, $0x38;
	[tilespmem:$0x1EAA0] =	vst v63  }
0x4a: {  	_ = 	snop  }
0x4b: {  	[spmem:s20] =	stream.linear.scatter [tilespmem:s26], [sflag:$0x2], $0x1400, $0x38;
	[tilespmem:$0x1EAA0] =	vst v63  }
0x4c: {  	_ = 	snop  }
0x4d: {  	[spmem:s21] =	stream.linear.scatter [tilespmem:s26], [sflag:$0x2], $0x1400, $0x38;
	[tilespmem:$0x1EAA0] =	vst v63  }
0x4e: {  	_ = 	snop  }
0x4f: {  	[spmem:s22] =	stream.linear.scatter [tilespmem:s26], [sflag:$0xC], $0xC80, $0x38;
	[tilespmem:$0x1EAA0] =	vst v63  }
0x50: {  	_ =	swait.ge [sflag:s28], $0xC80  }
0x51: {  	[sflag:s28] =	ssyncset.done $0x0  }
0x52: {  	[sflag:s28] =	ssyncadd.s32 $0xFFFFF380  }
0x53: {  	_ =	swait.ge [sflag:s29], $0x1400  }
0x54: {  	[sflag:s29] =	ssyncset.done $0x0  }
0x55: {  	[sflag:s29] =	ssyncadd.s32 $0xFFFFEC00  }
0x56: {  	_ =	swait.ge [sflag:s29], $0x1400  }
0x57: {  	[sflag:s29] =	ssyncset.done $0x0  }
0x58: {  	[sflag:s29] =	ssyncadd.s32 $0xFFFFEC00  }
0x59: {  	_ =	swait.ge [sflag:s29], $0x1400  }
0x5a: {  	[sflag:s29] =	ssyncset.done $0x0  }
0x5b: {  	[sflag:s29] =	ssyncadd.s32 $0xFFFFEC00  }
0x5c: {  	_ =	swait.ge [sflag:s29], $0x1400  }
0x5d: {  	[sflag:s29] =	ssyncset.done $0x0  }
0x5e: {  	[sflag:s29] =	ssyncadd.s32 $0xFFFFEC00  }
0x5f: {  	_ =	swait.ge [sflag:s29], $0x1400  }
0x60: {  	[sflag:s29] =	ssyncset.done $0x0  }
0x61: {  	[sflag:s29] =	ssyncadd.s32 $0xFFFFEC00  }
0x62: {  	_ =	swait.ge [sflag:s29], $0x1400  }
0x63: {  	[sflag:s29] =	ssyncset.done $0x0  }
0x64: {  	[sflag:s29] =	ssyncadd.s32 $0xFFFFEC00  }
0x65: {  	_ =	swait.ge [sflag:s29], $0x1400  }
0x66: {  	[sflag:s29] =	ssyncset.done $0x0  }
0x67: {  	[sflag:s29] =	ssyncadd.s32 $0xFFFFEC00  }
0x68: {  	_ =	swait.ge [sflag:s29], $0x1400  }
0x69: {  	[sflag:s29] =	ssyncset.done $0x0  }
0x6a: {  	[sflag:s29] =	ssyncadd.s32 $0xFFFFEC00  }
0x6b: {  	_ =	swait.ge [sflag:s29], $0x1400  }
0x6c: {  	[sflag:s29] =	ssyncset.done $0x0  }
0x6d: {  	[sflag:s29] =	ssyncadd.s32 $0xFFFFEC00  }
0x6e: {  	_ =	swait.ge [sflag:s29], $0x1400  }
0x6f: {  	[sflag:s29] =	ssyncset.done $0x0  }
0x70: {  	[sflag:s29] =	ssyncadd.s32 $0xFFFFEC00  }
0x71: {  	_ =	swait.ge [sflag:s29], $0x1400  }
0x72: {  	[sflag:s29] =	ssyncset.done $0x0  }
0x73: {  	[sflag:s29] =	ssyncadd.s32 $0xFFFFEC00  }
0x74: {  	_ =	swait.ge [sflag:s29], $0x1400  }
0x75: {  	[sflag:s29] =	ssyncset.done $0x0  }
0x76: {  	[sflag:s29] =	ssyncadd.s32 $0xFFFFEC00  }
0x77: {  	_ =	swait.ge [sflag:s29], $0x1400  }
0x78: {  	[sflag:s29] =	ssyncset.done $0x0  }
0x79: {  	[sflag:s29] =	ssyncadd.s32 $0xFFFFEC00  }
0x7a: {  	_ =	swait.ge [sflag:s29], $0x1400  }
0x7b: {  	[sflag:s29] =	ssyncset.done $0x0  }
0x7c: {  	[sflag:s29] =	ssyncadd.s32 $0xFFFFEC00  }
0x7d: {  	_ =	swait.ge [sflag:s29], $0x1400  }
0x7e: {  	[sflag:s29] =	ssyncset.done $0x0  }
0x7f: {  	[sflag:s29] =	ssyncadd.s32 $0xFFFFEC00  }
0x80: {  	_ =	swait.ge [sflag:s30], $0x2710  }
0x81: {  	[sflag:s30] =	ssyncset.done $0x0  }
0x82: {  	[sflag:s30] =	ssyncadd.s32 $0xFFFFD8F0  }
0x83: {  	_ =	swait.ge [sflag:s30], $0x2710  }
0x84: {  	[sflag:s30] =	ssyncset.done $0x0  }
0x85: {  	s18 =	simm.s32 $0x0;
	[sflag:s30] =	ssyncadd.s32 $0xFFFFD8F0  }
0x86: {  	[tilespmem:s26], [sflag:$0x2] =	stream.indirect.gather [hbm4b:s4+s31], $0x80, s18, s31, $0xb8;
	[tilespmem:$0x1EAA0] =	vst v63  }
0x87: {  	_ = 	snop  }
0x88: {  	[tilespmem:s0], [sflag:$0x3] =	stream.indirect.gather [hbm4b:s4+s31], $0x80, s31, s31, $0xb8;
	[tilespmem:$0x1EAA0] =	vst v63  }
0x89: {  	s17 =	simm.s32 $0x50  }
0x8a: {  	[tilespmem:s25], [sflag:$0x4] =	stream.indirect.gather [hbm4b:s4+s31], $0x80, s17, s31, $0xb8;
	[tilespmem:$0x1EAA0] =	vst v63  }
0x8b: {  	s18 =	simm.s32 $0x78  }
0x8c: {  	[tilespmem:s1], [sflag:$0x5] =	stream.indirect.gather [hbm4b:s4+s31], $0x80, s18, s31, $0xb8;
	[tilespmem:$0x1EAA0] =	vst v63  }
0x8d: {  	s17 =	simm.s32 $0xA0  }
0x8e: {  	[tilespmem:s3], [sflag:$0x6] =	stream.indirect.gather [hbm4b:s4+s31], $0x80, s17, s31, $0xb8;
	[tilespmem:$0x1EAA0] =	vst v63  }
0x8f: {  	[bflag:$0x0] =	sbarrier.arrive $0xFFFF  }
0x90: {  	_ =	swait.ge [sflag:s29], $0x1400  }
0x91: {  	[sflag:s29] =	ssyncset.done $0x0  }
0x92: {  	s18 =	simm.s32 $0x2710;
	[sflag:s29] =	ssyncadd.s32 $0xFFFFEC00  }
0x93: {  	[spmem:s2] =	stream.indirect.scatter.add.f32 [tilespmem:s26], [sflag:$0x7], $0x80, s18, s31, $0xb8;
	[tilespmem:$0x1EAA0] =	vst v63  }
0x94: {  	_ =	swait.ge [sflag:s5], $0x1400  }
0x95: {  	[sflag:s5] =	ssyncset.done $0x0  }
0x96: {  	s17 =	simm.s32 $0x2738;
	[sflag:s5] =	ssyncadd.s32 $0xFFFFEC00  }
0x97: {  	[spmem:s2] =	stream.indirect.scatter.add.f32 [tilespmem:s0], [sflag:$0x8], $0x80, s17, s31, $0xb8;
	[tilespmem:$0x1EAA0] =	vst v63  }
0x98: {  	_ =	swait.ge [sflag:s6], $0x1400  }
0x99: {  	[sflag:s6] =	ssyncset.done $0x0  }
0x9a: {  	s18 =	simm.s32 $0x2760;
	[sflag:s6] =	ssyncadd.s32 $0xFFFFEC00  }
0x9b: {  	[spmem:s2] =	stream.indirect.scatter.add.f32 [tilespmem:s25], [sflag:$0x9], $0x80, s18, s31, $0xb8;
	[tilespmem:$0x1EAA0] =	vst v63  }
0x9c: {  	_ =	swait.ge [sflag:s8], $0x1400  }
0x9d: {  	[sflag:s8] =	ssyncset.done $0x0  }
0x9e: {  	s17 =	simm.s32 $0x2788;
	[sflag:s8] =	ssyncadd.s32 $0xFFFFEC00  }
0x9f: {  	[spmem:s2] =	stream.indirect.scatter.add.f32 [tilespmem:s1], [sflag:$0xA], $0x80, s17, s31, $0xb8;
	[tilespmem:$0x1EAA0] =	vst v63  }
0xa0: {  	_ =	swait.ge [sflag:s9], $0x1400  }
0xa1: {  	[sflag:s9] =	ssyncset.done $0x0  }
0xa2: {  	s18 =	simm.s32 $0x27B0;
	[sflag:s9] =	ssyncadd.s32 $0xFFFFEC00  }
0xa3: {  	[spmem:s2] =	stream.indirect.scatter.add.f32 [tilespmem:s3], [sflag:$0xB], $0x80, s18, s31, $0xb8;
	[tilespmem:$0x1EAA0] =	vst v63  }
0xa4: {  	_ =	swait.ge [sflag:s10], $0x1400  }
0xa5: {  	[sflag:s10] =	ssyncset.done $0x0  }
0xa6: {  	s17 =	simm.s32 $0xC8;
	[sflag:s10] =	ssyncadd.s32 $0xFFFFEC00  }
0xa7: {  	[tilespmem:s26], [sflag:$0x2] =	stream.indirect.gather [hbm4b:s4+s31], $0x80, s17, s31, $0xb8;
	[tilespmem:$0x1EAA0] =	vst v63  }
0xa8: {  	_ =	swait.ge [sflag:s11], $0x1400  }
0xa9: {  	[sflag:s11] =	ssyncset.done $0x0  }
0xaa: {  	s18 =	simm.s32 $0xF0;
	[sflag:s11] =	ssyncadd.s32 $0xFFFFEC00  }
0xab: {  	[tilespmem:s0], [sflag:$0x3] =	stream.indirect.gather [hbm4b:s4+s31], $0x80, s18, s31, $0xb8;
	[tilespmem:$0x1EAA0] =	vst v63  }
0xac: {  	_ =	swait.ge [sflag:s12], $0x1400  }
0xad: {  	[sflag:s12] =	ssyncset.done $0x0  }
0xae: {  	s17 =	simm.s32 $0x118;
	[sflag:s12] =	ssyncadd.s32 $0xFFFFEC00  }
0xaf: {  	[tilespmem:s25], [sflag:$0x4] =	stream.indirect.gather [hbm4b:s4+s31], $0x80, s17, s31, $0xb8;
	[tilespmem:$0x1EAA0] =	vst v63  }
0xb0: {  	_ =	swait.ge [sflag:s13], $0x1400  }
0xb1: {  	[sflag:s13] =	ssyncset.done $0x0  }
0xb2: {  	s18 =	simm.s32 $0x140;
	[sflag:s13] =	ssyncadd.s32 $0xFFFFEC00  }
0xb3: {  	[tilespmem:s1], [sflag:$0x5] =	stream.indirect.gather [hbm4b:s4+s31], $0x80, s18, s31, $0xb8;
	[tilespmem:$0x1EAA0] =	vst v63  }
0xb4: {  	_ =	swait.ge [sflag:s14], $0x1400  }
0xb5: {  	[sflag:s14] =	ssyncset.done $0x0  }
0xb6: {  	s16 =	simm.s32 $0x320;
	s17 =	simm.s32 $0x168;
	[sflag:s14] =	ssyncadd.s32 $0xFFFFEC00  }
.LBB2_4:
0xb7: {  	[tilespmem:s3], [sflag:$0x6] =	stream.indirect.gather [hbm4b:s4+s31], $0x80, s17, s31, $0xb8;
	[tilespmem:$0x1EAA0] =	vst v63  }
0xb8: {  	s17 =	smov.u32 s16  }
0xb9: {  	p0 =	sne.s32 s16, $0x9600;
	s16 =	sadd.s32 $0x320, s16;
	_ =	swait.ge [sflag:s29], $0x1400  }
0xba: {  	s17 =	sshra.s32 s17, $0x2;
	[sflag:s29] =	ssyncset.done $0x0  }
0xbb: {  	s18 =	sadd.s32 $0x2710, s17;
	[sflag:s29] =	ssyncadd.s32 $0xFFFFEC00  }
0xbc: {  	[spmem:s2] =	stream.indirect.scatter.add.f32 [tilespmem:s26], [sflag:$0x7], $0x80, s18, s31, $0xb8;
	[tilespmem:$0x1EAA0] =	vst v63  }
0xbd: {  	_ =	swait.ge [sflag:s5], $0x1400  }
0xbe: {  	[sflag:s5] =	ssyncset.done $0x0  }
0xbf: {  	s18 =	sadd.s32 $0x2738, s17;
	[sflag:s5] =	ssyncadd.s32 $0xFFFFEC00  }
0xc0: {  	[spmem:s2] =	stream.indirect.scatter.add.f32 [tilespmem:s0], [sflag:$0x8], $0x80, s18, s31, $0xb8;
	[tilespmem:$0x1EAA0] =	vst v63  }
0xc1: {  	_ =	swait.ge [sflag:s6], $0x1400  }
0xc2: {  	[sflag:s6] =	ssyncset.done $0x0  }
0xc3: {  	s18 =	sadd.s32 $0x2760, s17;
	[sflag:s6] =	ssyncadd.s32 $0xFFFFEC00  }
0xc4: {  	[spmem:s2] =	stream.indirect.scatter.add.f32 [tilespmem:s25], [sflag:$0x9], $0x80, s18, s31, $0xb8;
	[tilespmem:$0x1EAA0] =	vst v63  }
0xc5: {  	_ =	swait.ge [sflag:s8], $0x1400  }
0xc6: {  	[sflag:s8] =	ssyncset.done $0x0  }
0xc7: {  	s18 =	sadd.s32 $0x2788, s17;
	[sflag:s8] =	ssyncadd.s32 $0xFFFFEC00  }
0xc8: {  	[spmem:s2] =	stream.indirect.scatter.add.f32 [tilespmem:s1], [sflag:$0xA], $0x80, s18, s31, $0xb8;
	[tilespmem:$0x1EAA0] =	vst v63  }
0xc9: {  	_ =	swait.ge [sflag:s9], $0x1400  }
0xca: {  	[sflag:s9] =	ssyncset.done $0x0  }
0xcb: {  	s18 =	sadd.s32 $0x27B0, s17;
	[sflag:s9] =	ssyncadd.s32 $0xFFFFEC00  }
0xcc: {  	[spmem:s2] =	stream.indirect.scatter.add.f32 [tilespmem:s3], [sflag:$0xB], $0x80, s18, s31, $0xb8;
	[tilespmem:$0x1EAA0] =	vst v63  }
0xcd: {  	_ =	swait.ge [sflag:s10], $0x1400  }
0xce: {  	[sflag:s10] =	ssyncset.done $0x0  }
0xcf: {  	s18 =	sadd.s32 $0xC8, s17;
	[sflag:s10] =	ssyncadd.s32 $0xFFFFEC00  }
0xd0: {  	[tilespmem:s26], [sflag:$0x2] =	stream.indirect.gather [hbm4b:s4+s31], $0x80, s18, s31, $0xb8;
	[tilespmem:$0x1EAA0] =	vst v63  }
0xd1: {  	_ =	swait.ge [sflag:s11], $0x1400  }
0xd2: {  	[sflag:s11] =	ssyncset.done $0x0  }
0xd3: {  	s18 =	sadd.s32 $0xF0, s17;
	[sflag:s11] =	ssyncadd.s32 $0xFFFFEC00  }
0xd4: {  	[tilespmem:s0], [sflag:$0x3] =	stream.indirect.gather [hbm4b:s4+s31], $0x80, s18, s31, $0xb8;
	[tilespmem:$0x1EAA0] =	vst v63  }
0xd5: {  	_ =	swait.ge [sflag:s12], $0x1400  }
0xd6: {  	[sflag:s12] =	ssyncset.done $0x0  }
0xd7: {  	s18 =	sadd.s32 $0x118, s17;
	[sflag:s12] =	ssyncadd.s32 $0xFFFFEC00  }
0xd8: {  	[tilespmem:s25], [sflag:$0x4] =	stream.indirect.gather [hbm4b:s4+s31], $0x80, s18, s31, $0xb8;
	[tilespmem:$0x1EAA0] =	vst v63  }
0xd9: {  	_ =	swait.ge [sflag:s13], $0x1400  }
0xda: {  	[sflag:s13] =	ssyncset.done $0x0  }
.Ltmp1:
0xdb: {  	s18 =	sadd.s32 $0x140, s17;
	[sflag:s13] =	ssyncadd.s32 $0xFFFFEC00;
	(pc) =	sbr.rel @p0 .LBB2_4-.Ltmp1, $4  }
0xdc: {  	[tilespmem:s1], [sflag:$0x5] =	stream.indirect.gather [hbm4b:s4+s31], $0x80, s18, s31, $0xb8;
	[tilespmem:$0x1EAA0] =	vst v63  }
0xdd: {  	_ =	swait.ge [sflag:s14], $0x1400  }
0xde: {  	[sflag:s14] =	ssyncset.done $0x0  }
0xdf: {  	s17 =	sadd.s32 $0x168, s17;
	[sflag:s14] =	ssyncadd.s32 $0xFFFFEC00  }
0xe0: {  	[tilespmem:s3], [sflag:$0x6] =	stream.indirect.gather [hbm4b:s4+s31], $0x80, s17, s31, $0xb8;
	[tilespmem:$0x1EAA0] =	vst v63  }
0xe1: {  	_ =	swait.ge [sflag:s29], $0x1400  }
0xe2: {  	[sflag:s29] =	ssyncset.done $0x0  }
0xe3: {  	s16 =	simm.s32 $0x4D58;
	[sflag:s29] =	ssyncadd.s32 $0xFFFFEC00  }
0xe4: {  	[spmem:s2] =	stream.indirect.scatter.add.f32 [tilespmem:s26], [sflag:$0x7], $0x80, s16, s31, $0xb8;
	[tilespmem:$0x1EAA0] =	vst v63  }
0xe5: {  	_ =	swait.ge [sflag:s5], $0x1400  }
0xe6: {  	[sflag:s5] =	ssyncset.done $0x0  }
0xe7: {  	s17 =	simm.s32 $0x4D80;
	[sflag:s5] =	ssyncadd.s32 $0xFFFFEC00  }
0xe8: {  	[spmem:s2] =	stream.indirect.scatter.add.f32 [tilespmem:s0], [sflag:$0x8], $0x80, s17, s31, $0xb8;
	[tilespmem:$0x1EAA0] =	vst v63  }
0xe9: {  	_ =	swait.ge [sflag:s6], $0x1400  }
0xea: {  	[sflag:s6] =	ssyncset.done $0x0  }
0xeb: {  	s18 =	simm.s32 $0x4DA8;
	[sflag:s6] =	ssyncadd.s32 $0xFFFFEC00  }
0xec: {  	[spmem:s2] =	stream.indirect.scatter.add.f32 [tilespmem:s25], [sflag:$0x9], $0x80, s18, s31, $0xb8;
	[tilespmem:$0x1EAA0] =	vst v63  }
0xed: {  	_ =	swait.ge [sflag:s8], $0x1400  }
0xee: {  	[sflag:s8] =	ssyncset.done $0x0  }
0xef: {  	s17 =	simm.s32 $0x4DD0;
	[sflag:s8] =	ssyncadd.s32 $0xFFFFEC00  }
0xf0: {  	[spmem:s2] =	stream.indirect.scatter.add.f32 [tilespmem:s1], [sflag:$0xA], $0x80, s17, s31, $0xb8;
	[tilespmem:$0x1EAA0] =	vst v63  }
0xf1: {  	_ =	swait.ge [sflag:s9], $0x1400  }
0xf2: {  	[sflag:s9] =	ssyncset.done $0x0  }
0xf3: {  	s18 =	simm.s32 $0x4DF8;
	[sflag:s9] =	ssyncadd.s32 $0xFFFFEC00  }
0xf4: {  	[spmem:s2] =	stream.indirect.scatter.add.f32 [tilespmem:s3], [sflag:$0xB], $0x80, s18, s31, $0xb8;
	[tilespmem:$0x1EAA0] =	vst v63  }
0xf5: {  	_ =	swait.ge [sflag:s10], $0x1400  }
0xf6: {  	[sflag:s10] =	ssyncset.done $0x0  }
0xf7: {  	[sflag:s10] =	ssyncadd.s32 $0xFFFFEC00  }
0xf8: {  	_ =	swait.ge [sflag:s11], $0x1400  }
0xf9: {  	[sflag:s11] =	ssyncset.done $0x0  }
0xfa: {  	[sflag:s11] =	ssyncadd.s32 $0xFFFFEC00  }
0xfb: {  	_ =	swait.ge [sflag:s12], $0x1400  }
0xfc: {  	[sflag:s12] =	ssyncset.done $0x0  }
0xfd: {  	[sflag:s12] =	ssyncadd.s32 $0xFFFFEC00  }
0xfe: {  	_ =	swait.ge [sflag:s13], $0x1400  }
0xff: {  	[sflag:s13] =	ssyncset.done $0x0  }
0x100: {  	[sflag:s13] =	ssyncadd.s32 $0xFFFFEC00  }
0x101: {  	s17 =	stileid.u32;
	_ =	swait.ge [sflag:s14], $0x1400  }
0x102: {  	s15 =	sadd.s32 $0x1, s15;
	s16 =	sshll.u32 s17, $0x6;
	[sflag:s14] =	ssyncset.done $0x0  }
0x103: {  	p0 =	sne.s32 s15, s24;
	s16 =	sor.u32 $0x1C0C, s16;
	[sflag:s14] =	ssyncadd.s32 $0xFFFFEC00  }
.Ltmp2:
0x104: {  	s18 =	sshrl.u32 s7, $0x3;
	[bflag:$0x0] =	sbarrier.arrive $0xFFFF;
	(pc) =	sbr.rel @p0 .LBB2_1-.Ltmp2, $4  }
0x105: {  	[hbm:s23], [sflag:s16] =	dma.local [spmem:s18], $0x2710  }
0x106: {  	_ =	swait.ge [sflag:s28], $0x2710  }
0x107: {  	[sflag:s28] =	ssyncset.done $0x0  }
0x108: {  	[sflag:s28] =	ssyncadd.s32 $0xFFFFD8F0  }
0x109: {  	_ =	sfence.sel $0x180000  }
0x10a: {  	[bflag:$0x0] =	sbarrier.arrive $0xFFFF  }
0x10b: {  	_ =	strace $0x9000004D  }
0x10c: {  	s0 =	stileid.u32;
	[bflag:$0x2] =	sbarrier.arrive $0xFFFF  }
0x10d: {  	p0 =	sne.s32 s0, $0x0;
	s0 =	rddreg [dreg:$0x2]  }
0x10e: {  	s0 =	sadd.s32 @!p0 $0x100000, s0  }
0x10f: {  	[sflag:s0] =	ssyncadd.tile.s32 @!p0 $0x1;
	_ =	shalt  }
.Lfunc_end2:
_tile_overlayer_lowered:
.L_overlay_start_2:
0x110: {  	(tag) =	ssettag $0x2  }
0x111: {  	s0 =	rddreg [dreg:$0x0];
	s2 =	stileid.u32  }
0x112: {  	s1 =	rddreg [dreg:$0x1];
	p0 =	sne.s32 s2, $0x0  }
0x113: {  	s3 =	rddreg [dreg:$0x2];
	[bflag:$0x3] =	sbarrier.arrive $0xFFFF;
	s2 =	simm.s32 @!p0 $0x1C0C  }
0x114: {  	[timem:s3], [sflag:s2] =	dma.local @!p0 [hbm:s0], s1  }
0x115: {  	s0 =	simm.s32 @!p0 $0xC  }
0x116: {  	_ =	swait.ge @!p0 [sflag:s0], s1  }
0x117: {  	s1 =	ssub.s32 @!p0 $0x0, s1;
	[sflag:s0] =	ssyncset.done @!p0 $0x0  }
0x118: {  	[sflag:s0] =	ssyncadd.s32 @!p0 s1  }
0x119: {  	[bflag:$0x3] =	sbarrier.arrive $0xFFFF  }
0x11a: {  	_ =	shalt  }

// kernel: kernel.8.cloned.1.call-start
scs
__scs_entry_jumppad:
0x0: {  	(pc) =	sbr.rel $0x88, $3  }
0x1: {  	(tag) =	ssettag $0x0;
	lr =	simm.s32 $0x1  }
0x2: {  	[smem:$0x3F92] =	sst lr;
	_ =	strace $0xD0000000  }
0x3: {  	_ = 	snop  }
0x4: {  	_ = 	snop  }
0x5: {  	_ = 	snop  }
0x6: {  	_ = 	snop  }
0x7: {  	_ = 	snop  }
__scs_overlays_trampoline_lowered:
0x8: {  	[smem:$0x3FA1] =	sst s0  }
0x9: {  	[smem:$0x3FA2] =	sst s1  }
0xa: {  	[smem:$0x3FA3] =	sst s2  }
0xb: {  	[smem:$0x3FA4] =	sst s3  }
0xc: {  	[smem:$0x3FA5] =	sst s4  }
0xd: {  	[smem:$0x3FA6] =	sst s5  }
0xe: {  	[smem:$0x3FA7] =	sst s6  }
0xf: {  	[smem:$0x3FA8] =	sst s7  }
0x10: {  	[smem:$0x3FA9] =	sst s8  }
0x11: {  	[smem:$0x3FAA] =	sst s9;
	s0 =	simm.s32 @!p0 $0x0  }
0x12: {  	s1 =	sld [smem:$0x3F90];
	s0 =	simm.s32 @p0 $0x1  }
0x13: {  	[smem:$0x3FAB] =	sst s0;
	s0 =	simm.s32 @!p1 $0x0  }
0x14: {  	s2 =	sld [smem:$0x3F8F];
	s0 =	simm.s32 @p1 $0x1  }
0x15: {  	[smem:$0x3FAC] =	sst s0;
	s0 =	simm.s32 @!p2 $0x0  }
0x16: {  	s3 =	sld [smem:$0x3FDB];
	s0 =	simm.s32 @p2 $0x1  }
0x17: {  	s4 =	simm.s32 $0x1BF5;
	[smem:$0x3FAE] =	sst s0  }
0x18: {  	s0 =	sld [smem:$0x3F91];
	_ =	swait.ge [sflag:s4], $0x0  }
0x19: {  	s7 =	sld [smem:$0x3F92]  }
0x1a: {  	s8 =	sadd.s32 $0xFFFFE003, lr  }
0x1b: {  	s9 =	sadd.s32 $0xFFFFFEF7, lr;
	s5 =	simm.s32 $0xFFFFFFFF;
	p2 =	slt.u32 s8, $0xFFFFF086  }
0x1c: {  	p1 =	slt.u32 s9, $0xF7A;
	s5 =	simm.s32 @!p2 $0x0  }
0x1d: {  	s5 =	simm.s32 @p1 $0x1;
	p0 =	seq.s32 s7, s2  }
0x1e: {  	s7 =	smul.u32 @!p0 $0xF7A, s2;
	p2 =	seq.s32 @!p0 s5, $0x0  }
0x1f: {  	s9 =	smul.u32 $0xF7A, s1;
	s8 =	simm.s32 @!p0 $0x1BF5;
	p2 =	por !p2, p0  }
0x20: {  	[sflag:s8] =	ssyncset.s32 @!p0 $0xFFFFF086;
	s6 =	sadd.s32 @!p0 s3, s7;
	s7 =	simm.s32 @!p0 $0x108  }
0x21: {  	s3 =	sadd.s32 s3, s9;
	s6 =	sadd.s32 @!p0 $0x88, s6;
	s7 =	simm.s32 @p2 $0x1082  }
0x22: {  	[simem:s7], [sflag:s8] =	dma.local @!p0 [hbm:s6], $0xF7A  }
0x23: {  	s9 =	sor.u32 $0xD0000000, s2;
	s6 =	simm.s32 $0x108;
	_ =	swait.ge @!p0 [sflag:s8], $0x0  }
0x24: {  	s3 =	sadd.s32 $0x88, s3;
	s6 =	simm.s32 @!p1 $0x1082;
	[sflag:s4] =	ssyncset.s32 $0xFFFFF086  }
0x25: {  	[simem:s6], [sflag:s4] =	dma.local [hbm:s3], $0xF7A  }
0x26: {  	[smem:$0x3F92] =	sst s1;
	(tag) =	ssettag s2;
	_ =	strace s9  }
0x27: {  	s1 =	sld [smem:$0x3FA2]  }
0x28: {  	s2 =	sld [smem:$0x3FA3]  }
0x29: {  	s4 =	sld [smem:$0x3FA5]  }
0x2a: {  	p0 =	seq.s32 s5, $0x0;
	s5 =	sld [smem:$0x3FA6]  }
0x2b: {  	s6 =	sld [smem:$0x3FA7]  }
0x2c: {  	s7 =	sld [smem:$0x3FA8]  }
0x2d: {  	s3 =	simm.s32 $0x108;
	s8 =	sld [smem:$0x3FA9]  }
0x2e: {  	s3 =	simm.s32 @!p0 $0x1082;
	s9 =	sld [smem:$0x3FAA]  }
0x2f: {  	lr =	sadd.s32 s0, s3;
	s0 =	sld [smem:$0x3FA1]  }
0x30: {  	s3 =	sld [smem:$0x3FA4]  }
0x31: {  	[smem:$0x3FAD] =	sst s10  }
0x32: {  	s10 =	sld [smem:$0x3FAB];
	_ =	sdelay $0x3  }
0x33: {  	p0 =	seq.s32 s10, $0x1;
	s10 =	sld [smem:$0x3FAD];
	_ =	sdelay $0x3  }
0x34: {  	[smem:$0x3FAD] =	sst s10  }
0x35: {  	s10 =	sld [smem:$0x3FAC];
	_ =	sdelay $0x3  }
0x36: {  	p1 =	seq.s32 s10, $0x1;
	s10 =	sld [smem:$0x3FAD];
	_ =	sdelay $0x3  }
0x37: {  	[smem:$0x3FAD] =	sst s10  }
0x38: {  	s10 =	sld [smem:$0x3FAE]  }
0x39: {  	_ = 	snop;
	(pc) =	sbr.ind lr, $3  }
0x3a: {  	_ = 	snop  }
0x3b: {  	_ = 	snop  }
0x3c: {  	p2 =	seq.s32 s10, $0x1;
	s10 =	sld [smem:$0x3FAD]  }
0x3d: {  	_ =	shalt  }
0x3e: {  	_ =	shalt  }
0x3f: {  	_ =	shalt  }
0x40: {  	_ =	shalt  }
0x41: {  	_ =	shalt  }
0x42: {  	_ =	shalt  }
0x43: {  	_ =	shalt  }
0x44: {  	_ =	shalt  }
0x45: {  	_ =	shalt  }
0x46: {  	_ =	shalt  }
0x47: {  	_ =	shalt  }
0x48: {  	_ =	shalt  }
0x49: {  	_ =	shalt  }
0x4a: {  	_ =	shalt  }
0x4b: {  	_ =	shalt  }
0x4c: {  	_ =	shalt  }
0x4d: {  	_ =	shalt  }
0x4e: {  	_ =	shalt  }
0x4f: {  	_ =	shalt  }
0x50: {  	_ =	shalt  }
0x51: {  	_ =	shalt  }
0x52: {  	_ =	shalt  }
0x53: {  	_ =	shalt  }
0x54: {  	_ =	shalt  }
0x55: {  	_ =	shalt  }
0x56: {  	_ =	shalt  }
0x57: {  	_ =	shalt  }
0x58: {  	_ =	shalt  }
0x59: {  	_ =	shalt  }
0x5a: {  	_ =	shalt  }
0x5b: {  	_ =	shalt  }
0x5c: {  	_ =	shalt  }
0x5d: {  	_ =	shalt  }
0x5e: {  	_ =	shalt  }
0x5f: {  	_ =	shalt  }
0x60: {  	_ =	shalt  }
0x61: {  	_ =	shalt  }
0x62: {  	_ =	shalt  }
0x63: {  	_ =	shalt  }
0x64: {  	_ =	shalt  }
0x65: {  	_ =	shalt  }
0x66: {  	_ =	shalt  }
0x67: {  	_ =	shalt  }
0x68: {  	_ =	shalt  }
0x69: {  	_ =	shalt  }
0x6a: {  	_ =	shalt  }
0x6b: {  	_ =	shalt  }
0x6c: {  	_ =	shalt  }
0x6d: {  	_ =	shalt  }
0x6e: {  	_ =	shalt  }
0x6f: {  	_ =	shalt  }
0x70: {  	_ =	shalt  }
0x71: {  	_ =	shalt  }
0x72: {  	_ =	shalt  }
0x73: {  	_ =	shalt  }
0x74: {  	_ =	shalt  }
0x75: {  	_ =	shalt  }
0x76: {  	_ =	shalt  }
0x77: {  	_ =	shalt  }
0x78: {  	_ =	shalt  }
0x79: {  	_ =	shalt  }
0x7a: {  	_ =	shalt  }
0x7b: {  	_ =	shalt  }
0x7c: {  	_ =	shalt  }
0x7d: {  	_ =	shalt  }
0x7e: {  	_ =	shalt  }
0x7f: {  	_ =	shalt  }
0x80: {  	_ =	shalt  }
0x81: {  	_ =	shalt  }
0x82: {  	_ =	shalt  }
0x83: {  	_ =	shalt  }
0x84: {  	_ =	shalt  }
0x85: {  	_ =	shalt  }
0x86: {  	_ =	shalt  }
0x87: {  	_ =	shalt  }
.Lfunc_end0:
.L_simem_size_0:
called_computation_lowered:
.L_overlay_start_0:
0x88: {  	s2 =	sld [smem:$0x3FD9]  }
0x89: {  	s3 =	sld [smem:$0x3FFE];
	_ =	sdelay $0x1  }
0x8a: {  	s1 =	srdreg.scid  }
0x8b: {  	s0 =	sand.u32 $0x1, s1  }
0x8c: {  	s14 =	sshll.u32 s0, $0xA;
	s2 =	sadd.s32 s3, s2  }
0x8d: {  	s2 =	sadd.s32 s2, s14  }
0x8e: {  	[smem:$0x3FB9] =	sst s2  }
0x8f: {  	_ = 	snop  }
0x90: {  	s2 =	sld [smem:$0x3FD0];
	_ =	sdelay $0x2  }
0x91: {  	s15 =	simm.s32 $0xA;
	s4 =	simm.s32 $0x10  }
0x92: {  	[smem:s4], [sflag:s15] =	dma.local [hbm:s2], $0x1  }
0x93: {  	_ =	swait.eq [sflag:s15], $0x1  }
0x94: {  	[sflag:s15] =	ssyncset.done $0x0  }
0x95: {  	[sflag:s15] =	ssyncadd.s32 $0xFFFFFFFF  }
0x96: {  	s16 =	sld [smem:$0x10];
	(tm) =	ssettm $0x1  }
0x97: {  	s17 =	sld [smem:$0x3FFB];
	_ =	sdelay $0x3  }
0x98: {  	_ =	strace s17  }
0x99: {  	s3 =	sld [smem:$0x3FFC];
	_ =	sdelay $0x3  }
0x9a: {  	_ =	strace s3  }
0x9b: {  	s3 =	sld [smem:$0x3FFD];
	_ =	sdelay $0x3  }
0x9c: {  	_ =	strace s3  }
0x9d: {  	_ =	strace $0x8FFFFFFF  }
0x9e: {  	s18 =	sld [smem:$0x3FDB];
	_ =	sdelay $0x1  }
0x9f: {  	s19 =	simm.s32 $_scs_section_size  }
0xa0: {  	s5 =	simm.s32 $_size__tile_overlayer_lowered;
	s6 =	simm.s32 $_tile_overlayer_lowered  }
0xa1: {  	s22 =	simm.s32 $0x1BFF;
	s21 =	sshll.u32 s6, $0x1;
	s3 =	sadd.s32 s19, s18  }
0xa2: {  	s7 =	simm.s32 $0x0;
	s20 =	sshll.u32 s5, $0x1;
	s5 =	sadd.s32 s21, s3  }
0xa3: {  	[timem:s7], [sflag:s22] =	dma.local [hbm:s5], s20  }
0xa4: {  	_ =	swait.ge [sflag:s22], s20  }
0xa5: {  	s4 =	ssub.s32 $0x0, s20;
	[sflag:s22] =	ssyncset.done $0x0  }
0xa6: {  	[sflag:s22] =	ssyncadd.s32 s4;
	_ =	sdelay $0x1  }
0xa7: {  	s23 =	simm.s32 $0x1B8B  }
0xa8: {  	_ =	swait.ge [sflag:s23], $0x1  }
0xa9: {  	[sflag:s23] =	ssyncset.done $0x0  }
0xaa: {  	s25 =	simm.s32 $0x1B8E;
	s24 =	sld [smem:$0x3FFE];
	[sflag:s23] =	ssyncadd.s32 $0xFFFFFFFF  }
0xab: {  	s26 =	simm.s32 $execute0_lowered;
	[smem:$0x3FD2] =	sst s25  }
0xac: {  	s5 =	sshll.u32 s26, $0x1;
	_ =	strace $0x80000046;
	[dreg:$0x1] =	wrdreg $0xFFFFFFFF  }
0xad: {  	s28 =	simm.s32 $_size_execute0_lowered;
	s3 =	sadd.s32 s3, s5;
	[dreg:$0x0] =	wrdreg $0x0  }
0xae: {  	s5 =	sshll.u32 s28, $0x1;
	[dreg:$0x2] =	wrdreg s3  }
0xaf: {  	[dreg:$0x3] =	wrdreg s5  }
0xb0: {  	[dreg:$0x4] =	wrdreg $0xC0  }
0xb1: {  	_ =	task [dreg:s7], $0x5FFFF  }
0xb2: {  	[dreg:$0x1] =	wrdreg $0xFFFFFFFF  }
0xb3: {  	[dreg:$0x0] =	wrdreg $0x60  }
0xb4: {  	[dreg:$0x2] =	wrdreg s24  }
0xb5: {  	[dreg:$0x3] =	wrdreg s16  }
0xb6: {  	[dreg:$0x4] =	wrdreg $0x2B500  }
0xb7: {  	[dreg:$0x5] =	wrdreg $0x9  }
0xb8: {  	_ =	task.clear_ibuf [dreg:s7], $0x6FFFF;
	_ =	strace $0x90000046  }
0xb9: {  	s29 =	simm.s32 $0x9;
	_ =	strace $0x80000048  }
0xba: {  	_ =	swait.ge [sflag:s29], $0x1  }
0xbb: {  	[sflag:s29] =	ssyncadd.s32 $0xFFFFFFFF  }
0xbc: {  	_ =	strace $0x90000048  }
0xbd: {  	_ =	sfence  }
0xbe: {  	s30 =	sld [smem:$0x0];
	_ =	sdelay $0x2  }
0xbf: {  	s31 =	sshll.u32 s1, $0xD;
	s1 =	sshrl.u32 s1, $0x2  }
0xc0: {  	s3 =	sand.u32 $0x4000, s31;
	s1 =	sadd.s32 s1, s30  }
0xc1: {  	s0 =	sor.u32 s3, s0;
	s1 =	sshll.u32 s1, $0x11  }
0xc2: {  	s0 =	sor.u32 s1, s0  }
0xc3: {  	s0 =	sadd.s32 $0x8F2B, s0  }
0xc4: {  	[sflag:s0] =	ssyncadd.remote.s32 $0x1  }
0xc5: {  	_ =	sfence.sel $0xFFFF  }
0xc6: {  	[dreg:$0x0] =	wrdreg $0xFFFFFFFF;
	(pc) =	sbr.abs _section_cstart, $3  }
0xc7: {  	[dreg:$0x1] =	wrdreg $0xFFFFFFFF  }
0xc8: {  	_ =	task.clear_ibuf [dreg:s7], $0x2FFFF;
	_ =	strace $0x9FFFFFFF  }
0xc9: {  	(tm) =	ssettm $0x7FFFFFFF  }
tec
execute0_lowered:
.L_overlay_start_1:
0x0: {  	(tag) =	ssettag $0x1  }
0x1: {  	s5 =	rddreg [dreg:$0x0]  }
0x2: {  	s6 =	rddreg [dreg:$0x1]  }
0x3: {  	s0 =	srdreg.scid;
	s2 =	rddreg [dreg:$0x2]  }
0x4: {  	s3 =	simm.s32 $0x0;
	s4 =	sand.u32 $0x1, s0;
	s0 =	stileid.u32  }
0x5: {  	s11 =	simm.s32 $0x2;
	s14 =	simm.s32 $0x0;
	s8 =	smul.u32 $0xFA0, s0  }
0x6: {  	[smem:$0x7FF] =	sst s3;
	s1 =	sshll.u32 s4, $0x4;
	s9 =	smul.u32 $0x2710, s4  }
0x7: {  	s4 =	ssub.s32 $0x2, s4;
	s10 =	smul.u32 $0x3E8, s0;
	p0 =	sgt.u32 s0, $0x9  }
0x8: {  	s1 =	sor.u32 s0, s1;
	s30 =	sshrl.u32 s4, $0x1;
	s12 =	sshll.u32 @!p0 s0, $0x6  }
0x9: {  	s7 =	smul.u32 $0x4E2, s1;
	s1 =	rddreg [dreg:$0x3];
	_ =	strace $0x80000047  }
0xa: {  	s8 =	sshrl.u32 s8, $0x2;
	s9 =	sadd.s32 s10, s9;
	s13 =	sadd.s32 s10, s2  }
0xb: {  	s10 =	simm.s32 $0x2710;
	s12 =	sor.u32 @!p0 $0x1C03, s12;
	s31 =	sshrl.u32 s9, $0x3  }
0xc: {  	s9 =	simm.s32 $0x50;
	s13 =	sshrl.u32 @!p0 s13, $0x3;
	s5 =	sadd.s32 s7, s5  }
0xd: {  	s7 =	ssub.s32 s4, s30;
	s6 =	sadd.s32 s6, s31;
	s4 =	sadd.s32 $0xC000, s5  }
0xe: {  	v0 =	vimm.f32 $1.000000000e+00;
	v1 =	vimm.f32 $0.0e+00;
	s5 =	sadd.s32 s8, s2;
	s7 =	smax.u32 s7, $0x1;
	s8 =	simm.s32 $0x1  }
.LBB2_1:
0xf: {  	[tilespmem:s3], [sflag:$0x1] =	stream.linear.gather [hbm4b:s4+s3], $0x2710, $0x38;
	[tilespmem:$0x2DC8] =	vst v63  }
0x10: {  	[tilespmem:$0x2710] =	vst v0  }
0x11: {  	[tilespmem:$0x2720] =	vst v0  }
0x12: {  	[tilespmem:$0x2730] =	vst v0  }
0x13: {  	[tilespmem:$0x2740] =	vst v0  }
0x14: {  	s15 =	simm.s32 $0x40;
	s16 =	simm.s32 $0x0;
	[tilespmem:$0x2750] =	vst v0  }
.LBB2_2:
0x15: {  	p1 =	sne.s32 s15, $0xF80;
	[tilespmem:s16+$0x2760] =	vst v1;
	s16 =	smov.u32 s15;
	s15 =	sadd.s32 $0x40, s15  }
.Ltmp0:
0x16: {  	(pc) =	sbr.rel @p1 .LBB2_2-.Ltmp0, $2  }
0x17: {  	_ =	sdelay $0x2  }
0x18: {  	s16 =	sshra.s32 s16, $0x2  }
0x19: {  	[tilespmem:s16+$0x2760] =	vst v1;
	s15 =	simm.s32 @!p0 $0x2760  }
0x1a: {  	[spmem:s5] =	stream.linear.scatter @!p0 [tilespmem:s15], [sflag:$0x3], $0x3E8, $0x38;
	[tilespmem:$0x2DC8] =	vst v63  }
0x1b: {  	s15 =	simm.s32 @!p0 $0x3  }
0x1c: {  	_ =	swait.ge @!p0 [sflag:s15], $0x3E8  }
0x1d: {  	[sflag:s15] =	ssyncset.done @!p0 $0x0  }
0x1e: {  	[sflag:s15] =	ssyncadd.s32 @!p0 $0xFFFFFC18  }
0x1f: {  	_ =	swait.ge [sflag:s8], $0x2710  }
0x20: {  	[sflag:s8] =	ssyncset.done $0x0  }
0x21: {  	[sflag:s8] =	ssyncadd.s32 $0xFFFFD8F0  }
0x22: {  	s26 =	simm.s32 $0x0;
	[bflag:$0x0] =	sbarrier.arrive $0xFFFF  }
0x23: {  	[spmem:s2] =	stream.indirect.scatter.add.f32 [tilespmem:s10], [sflag:$0x2], $0x1, s26, s9, $0xb8;
	[tilespmem:$0x2DC8] =	vst v63  }
0x24: {  	s28 =	simm.s32 $0x50  }
0x25: {  	[spmem:s2] =	stream.indirect.scatter.add.f32 [tilespmem:s10], [sflag:$0x2], $0x1, s28, s9, $0xb8;
	[tilespmem:$0x2DC8] =	vst v63  }
0x26: {  	s29 =	simm.s32 $0xA0  }
0x27: {  	[spmem:s2] =	stream.indirect.scatter.add.f32 [tilespmem:s10], [sflag:$0x2], $0x1, s29, s9, $0xb8;
	[tilespmem:$0x2DC8] =	vst v63  }
0x28: {  	s30 =	simm.s32 $0xF0  }
0x29: {  	[spmem:s2] =	stream.indirect.scatter.add.f32 [tilespmem:s10], [sflag:$0x2], $0x1, s30, s9, $0xb8;
	[tilespmem:$0x2DC8] =	vst v63  }
0x2a: {  	s31 =	simm.s32 $0x140  }
0x2b: {  	[spmem:s2] =	stream.indirect.scatter.add.f32 [tilespmem:s10], [sflag:$0x2], $0x1, s31, s9, $0xb8;
	[tilespmem:$0x2DC8] =	vst v63  }
0x2c: {  	_ =	swait.ge [sflag:s11], $0x50  }
0x2d: {  	[sflag:s11] =	ssyncset.done $0x0  }
0x2e: {  	[sflag:s11] =	ssyncadd.s32 $0xFFFFFFB0  }
0x2f: {  	_ =	swait.ge [sflag:s11], $0x50  }
0x30: {  	[sflag:s11] =	ssyncset.done $0x0  }
0x31: {  	[sflag:s11] =	ssyncadd.s32 $0xFFFFFFB0  }
0x32: {  	_ =	swait.ge [sflag:s11], $0x50  }
0x33: {  	[sflag:s11] =	ssyncset.done $0x0  }
0x34: {  	[sflag:s11] =	ssyncadd.s32 $0xFFFFFFB0  }
0x35: {  	_ =	swait.ge [sflag:s11], $0x50  }
0x36: {  	[sflag:s11] =	ssyncset.done $0x0  }
0x37: {  	[sflag:s11] =	ssyncadd.s32 $0xFFFFFFB0  }
0x38: {  	_ =	swait.ge [sflag:s11], $0x50  }
0x39: {  	s16 =	simm.s32 $0xC80;
	s15 =	simm.s32 $0x640;
	[sflag:s11] =	ssyncset.done $0x0  }
.LBB2_4:
0x3a: {  	s17 =	sshra.s32 s15, $0x2  }
0x3b: {  	[sflag:s11] =	ssyncadd.s32 $0xFFFFFFB0;
	s15 =	smov.u32 s16;
	s18 =	sadd.s32 $0x640, s16  }
0x3c: {  	[spmem:s2] =	stream.indirect.scatter.add.f32 [tilespmem:s10], [sflag:$0x2], $0x1, s17, s9, $0xb8;
	[tilespmem:$0x2DC8] =	vst v63  }
0x3d: {  	p1 =	sne.s32 s16, $0x9600;
	s16 =	sadd.s32 $0x50, s17  }
0x3e: {  	[spmem:s2] =	stream.indirect.scatter.add.f32 [tilespmem:s10], [sflag:$0x2], $0x1, s16, s9, $0xb8;
	[tilespmem:$0x2DC8] =	vst v63  }
0x3f: {  	s16 =	sadd.s32 $0xA0, s17  }
0x40: {  	[spmem:s2] =	stream.indirect.scatter.add.f32 [tilespmem:s10], [sflag:$0x2], $0x1, s16, s9, $0xb8;
	[tilespmem:$0x2DC8] =	vst v63  }
0x41: {  	s16 =	sadd.s32 $0xF0, s17  }
0x42: {  	[spmem:s2] =	stream.indirect.scatter.add.f32 [tilespmem:s10], [sflag:$0x2], $0x1, s16, s9, $0xb8;
	[tilespmem:$0x2DC8] =	vst v63  }
0x43: {  	s16 =	sadd.s32 $0x140, s17  }
0x44: {  	[spmem:s2] =	stream.indirect.scatter.add.f32 [tilespmem:s10], [sflag:$0x2], $0x1, s16, s9, $0xb8;
	[tilespmem:$0x2DC8] =	vst v63  }
0x45: {  	_ =	swait.ge [sflag:s11], $0x50  }
0x46: {  	[sflag:s11] =	ssyncset.done $0x0  }
0x47: {  	[sflag:s11] =	ssyncadd.s32 $0xFFFFFFB0  }
0x48: {  	_ =	swait.ge [sflag:s11], $0x50  }
0x49: {  	[sflag:s11] =	ssyncset.done $0x0  }
0x4a: {  	[sflag:s11] =	ssyncadd.s32 $0xFFFFFFB0  }
0x4b: {  	_ =	swait.ge [sflag:s11], $0x50  }
0x4c: {  	[sflag:s11] =	ssyncset.done $0x0  }
0x4d: {  	[sflag:s11] =	ssyncadd.s32 $0xFFFFFFB0  }
.Ltmp1:
0x4e: {  	_ =	swait.ge [sflag:s11], $0x50;
	(pc) =	sbr.rel @p1 .LBB2_4-.Ltmp1, $4  }
0x4f: {  	[sflag:s11] =	ssyncset.done $0x0  }
0x50: {  	[sflag:s11] =	ssyncadd.s32 $0xFFFFFFB0  }
0x51: {  	_ =	swait.ge [sflag:s11], $0x50  }
0x52: {  	s16 =	smov.u32 s18;
	[sflag:s11] =	ssyncset.done $0x0  }
0x53: {  	s15 =	sshra.s32 s15, $0x2;
	[sflag:s11] =	ssyncadd.s32 $0xFFFFFFB0  }
0x54: {  	[spmem:s2] =	stream.indirect.scatter.add.f32 [tilespmem:s10], [sflag:$0x2], $0x1, s15, s9, $0xb8;
	[tilespmem:$0x2DC8] =	vst v63  }
0x55: {  	s16 =	sadd.s32 $0x50, s15  }
0x56: {  	[spmem:s2] =	stream.indirect.scatter.add.f32 [tilespmem:s10], [sflag:$0x2], $0x1, s16, s9, $0xb8;
	[tilespmem:$0x2DC8] =	vst v63  }
0x57: {  	s30 =	sadd.s32 $0xA0, s15  }
0x58: {  	[spmem:s2] =	stream.indirect.scatter.add.f32 [tilespmem:s10], [sflag:$0x2], $0x1, s30, s9, $0xb8;
	[tilespmem:$0x2DC8] =	vst v63  }
0x59: {  	s31 =	sadd.s32 $0xF0, s15  }
0x5a: {  	[spmem:s2] =	stream.indirect.scatter.add.f32 [tilespmem:s10], [sflag:$0x2], $0x1, s31, s9, $0xb8;
	[tilespmem:$0x2DC8] =	vst v63  }
0x5b: {  	s15 =	sadd.s32 $0x140, s15  }
0x5c: {  	[spmem:s2] =	stream.indirect.scatter.add.f32 [tilespmem:s10], [sflag:$0x2], $0x1, s15, s9, $0xb8;
	[tilespmem:$0x2DC8] =	vst v63  }
0x5d: {  	_ =	swait.ge [sflag:s11], $0x50  }
0x5e: {  	[sflag:s11] =	ssyncset.done $0x0  }
0x5f: {  	[sflag:s11] =	ssyncadd.s32 $0xFFFFFFB0  }
0x60: {  	_ =	swait.ge [sflag:s11], $0x50  }
0x61: {  	[sflag:s11] =	ssyncset.done $0x0  }
0x62: {  	[sflag:s11] =	ssyncadd.s32 $0xFFFFFFB0  }
0x63: {  	_ =	swait.ge [sflag:s11], $0x50  }
0x64: {  	[sflag:s11] =	ssyncset.done $0x0  }
0x65: {  	[sflag:s11] =	ssyncadd.s32 $0xFFFFFFB0  }
0x66: {  	_ =	swait.ge [sflag:s11], $0x50  }
0x67: {  	[sflag:s11] =	ssyncset.done $0x0  }
0x68: {  	[sflag:s11] =	ssyncadd.s32 $0xFFFFFFB0  }
0x69: {  	_ =	swait.ge [sflag:s11], $0x50  }
0x6a: {  	s14 =	sadd.s32 $0x1, s14;
	[sflag:s11] =	ssyncset.done $0x0  }
0x6b: {  	p1 =	sne.s32 s14, s7;
	[sflag:s11] =	ssyncadd.s32 $0xFFFFFFB0  }
.Ltmp2:
0x6c: {  	s15 =	simm.s32 @!p0 $0x3;
	[bflag:$0x0] =	sbarrier.arrive $0xFFFF;
	(pc) =	sbr.rel @p1 .LBB2_1-.Ltmp2, $4  }
0x6d: {  	[hbm:s6], [sflag:s12] =	dma.local @!p0 [spmem:s13], $0x7D  }
0x6e: {  	_ =	swait.ge @!p0 [sflag:s15], $0x7D  }
0x6f: {  	[sflag:s15] =	ssyncset.done @!p0 $0x0  }
0x70: {  	[sflag:s15] =	ssyncadd.s32 @!p0 $0xFFFFFF83  }
0x71: {  	_ =	sfence.sel $0x180000  }
0x72: {  	[bflag:$0x0] =	sbarrier.arrive $0xFFFF  }
0x73: {  	p0 =	sne.s32 s0, $0x0;
	_ =	strace $0x90000047  }
0x74: {  	s0 =	sadd.s32 @!p0 $0x100000, s1;
	[bflag:$0x2] =	sbarrier.arrive $0xFFFF  }
0x75: {  	[sflag:s0] =	ssyncadd.tile.s32 @!p0 $0x1;
	_ =	shalt  }
.Lfunc_end2:
_tile_overlayer_lowered:
.L_overlay_start_2:
0x76: {  	(tag) =	ssettag $0x2  }
0x77: {  	s0 =	rddreg [dreg:$0x0];
	s2 =	stileid.u32  }
0x78: {  	s1 =	rddreg [dreg:$0x1];
	p0 =	sne.s32 s2, $0x0  }
0x79: {  	s3 =	rddreg [dreg:$0x2];
	[bflag:$0x3] =	sbarrier.arrive $0xFFFF;
	s2 =	simm.s32 @!p0 $0x1C03  }
0x7a: {  	[timem:s3], [sflag:s2] =	dma.local @!p0 [hbm:s0], s1  }
0x7b: {  	s0 =	simm.s32 @!p0 $0x3  }
0x7c: {  	_ =	swait.ge @!p0 [sflag:s0], s1  }
0x7d: {  	s1 =	ssub.s32 @!p0 $0x0, s1;
	[sflag:s0] =	ssyncset.done @!p0 $0x0  }
0x7e: {  	[sflag:s0] =	ssyncadd.s32 @!p0 s1  }
0x7f: {  	[bflag:$0x3] =	sbarrier.arrive $0xFFFF  }
0x80: {  	_ =	shalt  }

</sc_bundles>
